<compile_context>
chip_gen: v7x
topology: tpu7x:2x2x1
jax: 0.10.2.dev20260603
libtpu: 0.0.44.dev20260713+nightly
codegen_flags: <defaults>
</compile_context>

<pallas_src>
import functools

import jax
import jax.numpy as jnp
from jax import lax
from jax.experimental import pallas as pl
from jax.experimental.pallas import tpu as pltpu
from jax.experimental.pallas import tpu_sc as plsc

_CH = 1024
_NBUF = 3


@functools.cache
def _make_gather(Vt, D, N, B, F):
    info = plsc.get_sparse_core_info()
    NC, NS = info.num_cores, info.num_subcores
    NW = NC * NS
    assert N % (NW * _CH) == 0
    b_per_w = N // NW
    n_ch = b_per_w // _CH
    g = 128 // D
    S = B // g
    assert S % _CH == 0 and B % _CH == 0
    mesh = plsc.VectorSubcoreMesh(core_axis_name="c", subcore_axis_name="s")

    @functools.partial(
        pl.kernel,
        mesh=mesh,
        out_type=jax.ShapeDtypeStruct((N * D // 128, 128), jnp.float32),
        scratch_types=[
            pltpu.VMEM((n_ch, _CH), jnp.int32),
            pltpu.VMEM((_NBUF, _CH, D), jnp.float32),
        ]
        + [pltpu.SemaphoreType.DMA] * (2 * _NBUF),
        compiler_params=pltpu.CompilerParams(use_tc_tiling_on_sc=False),
    )
    def gather_kernel(idx_hbm, table_hbm, out_hbm, idx_all, rows, *sems):
        sem_g, sem_w = sems[:_NBUF], sems[_NBUF:]
        wid = lax.axis_index("s") * NC + lax.axis_index("c")
        base = wid * b_per_w
        pltpu.sync_copy(idx_hbm.at[wid], idx_all)

        def dest(i):
            pos = base + i * _CH
            f = pos // B
            t = pos % B
            j = t // S
            r = t % S
            return out_hbm.at[pl.ds(f * S + r, _CH), pl.ds(j * D, D)]

        gathers = {}
        for b in range(min(_NBUF, n_ch)):
            gathers[b] = pltpu.async_copy(
                table_hbm.at[idx_all.at[b]], rows.at[b], sem_g[b])
        for i in range(n_ch):
            b = i % _NBUF
            gathers[i].wait()
            wb = pltpu.async_copy(rows.at[b], dest(i), sem_w[b])
            nxt = i + _NBUF
            wb.wait()
            if nxt < n_ch:
                gathers[nxt] = pltpu.async_copy(
                    table_hbm.at[idx_all.at[nxt]], rows.at[b], sem_g[b])

    return gather_kernel


_W = 16384


def _retile_body(in_ref, out_ref):
    x = in_ref[...]
    D = x.shape[0]
    g = 128 // D
    xc = jnp.concatenate(
        [x[:, q * _W:(q + 1) * _W] for q in range(g)], axis=0)
    out_ref[...] = jnp.transpose(xc, (1, 0))


@functools.cache
def _make_retile(V, D):
    v_blk = (128 // D) * _W
    n_blk = -(-V // v_blk)
    return pl.pallas_call(
        _retile_body,
        grid=(n_blk,),
        in_specs=[pl.BlockSpec((D, v_blk), lambda i: (0, i))],
        out_specs=pl.BlockSpec((_W, 128), lambda i: (i, 0)),
        out_shape=jax.ShapeDtypeStruct((n_blk * _W, 128), jnp.float32),
    )


def _unflatten_body(in_ref, out_ref):
    z = in_ref[...]
    D = out_ref.shape[1]
    g = 128 // D
    S = out_ref.shape[2] // g
    zt = jnp.transpose(z, (1, 0))
    for j in range(g):
        out_ref[0, :, j * S:(j + 1) * S] = zt[j * D:(j + 1) * D, :]


def _unflatten_alias_body(in_ref, prev_ref, out_ref):
    del prev_ref
    _unflatten_body(in_ref, out_ref)


@functools.cache
def _make_plane_transpose(B, F, D, f0, f_n):
    rows = B * D // 128
    if f0 == 0:
        return pl.pallas_call(
            _unflatten_body,
            grid=(f_n,),
            in_specs=[pl.BlockSpec((rows, 128), lambda f: (f, 0))],
            out_specs=pl.BlockSpec((1, D, B), lambda f: (f + f0, 0, 0)),
            out_shape=jax.ShapeDtypeStruct((F, D, B), jnp.float32),
        )
    return pl.pallas_call(
        _unflatten_alias_body,
        grid=(f_n,),
        in_specs=[
            pl.BlockSpec((rows, 128), lambda f: (f, 0)),
            pl.BlockSpec(memory_space=pltpu.MemorySpace.HBM),
        ],
        out_specs=pl.BlockSpec((1, D, B), lambda f: (f + f0, 0, 0)),
        out_shape=jax.ShapeDtypeStruct((F, D, B), jnp.float32),
        input_output_aliases={1: 0},
    )


def kernel(token_ids, weight):
    B, F = token_ids.shape
    V, D = weight.shape
    N = B * F
    info = plsc.get_sparse_core_info()
    NW = info.num_cores * info.num_subcores
    g = 128 // D
    lw = _W.bit_length() - 1
    lgw = (g * _W).bit_length() - 1
    tid = token_ids.T
    tid = ((tid >> lgw) << lgw) | ((tid & (_W - 1)) << 2) | ((tid >> lw) & (g - 1))
    table = _make_retile(V, D)(weight.T)
    table = table.reshape(table.shape[0] * 128 // D, D)
    FA = 16
    flats = []
    for f0, fn in ((0, FA), (FA, F - FA)):
        n_sub = fn * B
        idx = tid[f0:f0 + fn].reshape(NW, n_sub // (NW * _CH), _CH)
        flats.append(_make_gather(table.shape[0], D, n_sub, B, fn)(idx, table))
    planes = _make_plane_transpose(B, F, D, 0, FA)(flats[0])
    planes = _make_plane_transpose(B, F, D, FA, F - FA)(flats[1], planes)
    return planes.transpose(2, 0, 1)

# --- scband reference (transcript-rebuilt; emitter-appended) ---
"""Pipeline reference for scband-embedding-13426067768117 (READ-ONLY COPY).

The authoritative reference and input builder live on the scoring server;
editing this copy changes nothing except your own understanding.
"""

import jax, jax.numpy as jnp
import numpy as np

NUM_EMBEDDINGS = 1000000
EMBEDDING_DIM = 32
BATCH = 16384
N_FIELDS = 26


def setup_inputs(seed: int = 0) -> dict:
    key = jax.random.key(seed)
    k_idx, k_w = jax.random.split(key)
    token_ids = jax.random.randint(k_idx, (BATCH, N_FIELDS), 0, NUM_EMBEDDINGS, dtype=jnp.int64 if jax.config.jax_enable_x64 else jnp.int32)
    # trunc_normal_(a=-3, b=3) ~ standard normal clipped to [-3, 3]
    weight = jnp.clip(jax.random.normal(k_w, (NUM_EMBEDDINGS, EMBEDDING_DIM), dtype=jnp.float32), -3.0, 3.0)
    return {"token_ids": token_ids, "weight": weight}


def reference(token_ids, weight):
    # faithful translation of: self.weight[token_ids, ...]
    return jnp.take(weight, token_ids, axis=0)

if __name__ == "__main__":
    import jax
    _d = setup_inputs()
    print(jax.jit(kernel)(*tuple(_d.values())))

</pallas_src>

<mosaic_0001>
#map = affine_map<(d0, d1) -> (0, 0, 0)>
#map1 = affine_map<(d0, d1) -> (0, 0)>
module attributes {stable_mosaic.version = 14 : i64} {
  func.func @gather_kernel(%arg0: i32, %arg1: i32, %arg2: memref<32x8x1024xi32, #tpu.memory_space<hbm>>, %arg3: memref<1048576x32xf32, #tpu.memory_space<hbm>>, %arg4: memref<65536x128xf32, #tpu.memory_space<hbm>>, %arg5: memref<8x1024xi32, #tpu.memory_space<vmem>>, %arg6: memref<3x1024x32xf32, #tpu.memory_space<vmem>>, %arg7: memref<!tpu.dma_semaphore, #tpu.memory_space<semaphore_mem>>, %arg8: memref<!tpu.dma_semaphore, #tpu.memory_space<semaphore_mem>>, %arg9: memref<!tpu.dma_semaphore, #tpu.memory_space<semaphore_mem>>, %arg10: memref<!tpu.dma_semaphore, #tpu.memory_space<semaphore_mem>>, %arg11: memref<!tpu.dma_semaphore, #tpu.memory_space<semaphore_mem>>, %arg12: memref<!tpu.dma_semaphore, #tpu.memory_space<semaphore_mem>>) attributes {dimension_semantics = [#tpu.dimension_semantics<core_parallel>, #tpu.dimension_semantics<subcore_parallel>], iteration_bounds = array<i64: 2, 16>, scalar_prefetch = 0 : i64, scratch_operands = 8 : i64, tpu.core_type = #tpu.core_type<sc_vector_subcore>, window_params = [{transform_indices = #map}, {transform_indices = #map1}, {transform_indices = #map1}]} {
    %mul3A = arith.constant 2 : i32
    %mul3A_0 = arith.muli %arg1, %mul3A : i32
    %add3A = arith.addi %mul3A_0, %arg0 : i32
    %mul3A_1 = arith.constant 8192 : i32
    %mul3A_2 = arith.muli %add3A, %mul3A_1 : i32
    "tpu.region"() ({
      %run_scoped3A = tpu.sem_alloc : memref<!tpu.dma_semaphore, #tpu.memory_space<semaphore_mem>>
      %dma_start3A_1055 = arith.constant 0 : i32
      %dma_start3A_1056 = arith.constant 0 : i32
      %dma_start3A_1057 = tpu.memref_slice %arg2[%add3A, %dma_start3A_1055, %dma_start3A_1056] : memref<32x8x1024xi32, #tpu.memory_space<hbm>> -> memref<1x8x1024xi32, #tpu.memory_space<hbm>>
      %dma_start3A_1058 = tpu.memref_squeeze %dma_start3A_1057 : memref<1x8x1024xi32, #tpu.memory_space<hbm>> -> memref<8x1024xi32, #tpu.memory_space<hbm>>
      %dma_start3A_1059 = arith.constant 0 : i32
      %dma_start3A_1060 = arith.constant 0 : i32
      %dma_start3A_1061 = tpu.memref_slice %arg2[%add3A, %dma_start3A_1059, %dma_start3A_1060] : memref<32x8x1024xi32, #tpu.memory_space<hbm>> -> memref<1x8x1024xi32, #tpu.memory_space<hbm>>
      %dma_start3A_1062 = tpu.memref_squeeze %dma_start3A_1061 : memref<1x8x1024xi32, #tpu.memory_space<hbm>> -> memref<8x1024xi32, #tpu.memory_space<hbm>>
      tpu.enqueue_dma source(%dma_start3A_1062 : memref<8x1024xi32, #tpu.memory_space<hbm>>) target(%arg5 : memref<8x1024xi32, #tpu.memory_space<vmem>>) target_semaphore(%run_scoped3A : memref<!tpu.dma_semaphore, #tpu.memory_space<semaphore_mem>>)
      %dma_wait3A_1063 = arith.constant 0 : i32
      %dma_wait3A_1064 = arith.constant 0 : i32
      %dma_wait3A_1065 = tpu.memref_slice %arg2[%add3A, %dma_wait3A_1063, %dma_wait3A_1064] : memref<32x8x1024xi32, #tpu.memory_space<hbm>> -> memref<1x8x1024xi32, #tpu.memory_space<hbm>>
      %dma_wait3A_1066 = tpu.memref_squeeze %dma_wait3A_1065 : memref<1x8x1024xi32, #tpu.memory_space<hbm>> -> memref<8x1024xi32, #tpu.memory_space<hbm>>
      %dma_wait3A_1067 = arith.constant 0 : i32
      %dma_wait3A_1068 = arith.constant 0 : i32
      %dma_wait3A_1069 = tpu.memref_slice %arg2[%add3A, %dma_wait3A_1067, %dma_wait3A_1068] : memref<32x8x1024xi32, #tpu.memory_space<hbm>> -> memref<1x8x1024xi32, #tpu.memory_space<hbm>>
      %dma_wait3A_1070 = tpu.memref_squeeze %dma_wait3A_1069 : memref<1x8x1024xi32, #tpu.memory_space<hbm>> -> memref<8x1024xi32, #tpu.memory_space<hbm>>
      tpu.wait_dma2 semaphore(%run_scoped3A : memref<!tpu.dma_semaphore, #tpu.memory_space<semaphore_mem>>) src(%dma_wait3A_1070 : memref<8x1024xi32, #tpu.memory_space<hbm>>) dst(%arg5 : memref<8x1024xi32, #tpu.memory_space<vmem>>)
      tpu.yield
    }) : () -> ()
    %dma_start3A = arith.constant 0 : i32
    %dma_start3A_3 = arith.constant 0 : i32
    %dma_start3A_4 = arith.constant 0 : i32
    %dma_start3A_5 = arith.constant 0 : i32
    %dma_start3A_6 = tpu.memref_slice %arg6[%dma_start3A_3, %dma_start3A_4, %dma_start3A_5] : memref<3x1024x32xf32, #tpu.memory_space<vmem>> -> memref<1x1024x32xf32, #tpu.memory_space<vmem>>
    %dma_start3A_7 = tpu.memref_squeeze %dma_start3A_6 : memref<1x1024x32xf32, #tpu.memory_space<vmem>> -> memref<1024x32xf32, #tpu.memory_space<vmem>>
    %dma_start3A_8 = arith.constant 0 : i32
    %dma_start3A_9 = tpu.memref_slice %arg5[%dma_start3A, %dma_start3A_8] : memref<8x1024xi32, #tpu.memory_space<vmem>> -> memref<1x1024xi32, #tpu.memory_space<vmem>>
    %dma_start3A_10 = tpu.memref_squeeze %dma_start3A_9 : memref<1x1024xi32, #tpu.memory_space<vmem>> -> memref<1024xi32, #tpu.memory_space<vmem>>
    %dma_start3A_11 = arith.constant 0 : i32
    %dma_start3A_12 = arith.constant 0 : i32
    %dma_start3A_13 = tpu.memref_slice %arg3[%dma_start3A_11, %dma_start3A_12] : memref<1048576x32xf32, #tpu.memory_space<hbm>> -> memref<1048576x32xf32, #tpu.memory_space<hbm>>
    tpu.enqueue_indirect_dma source(%dma_start3A_13 : memref<1048576x32xf32, #tpu.memory_space<hbm>>) target(%dma_start3A_7 : memref<1024x32xf32, #tpu.memory_space<vmem>>) offsets(%dma_start3A_10 : memref<1024xi32, #tpu.memory_space<vmem>>) semaphore(%arg7 : memref<!tpu.dma_semaphore, #tpu.memory_space<semaphore_mem>>)
    %dma_start3A_14 = arith.constant 1 : i32
    %dma_start3A_15 = arith.constant 1 : i32
    %dma_start3A_16 = arith.constant 0 : i32
    %dma_start3A_17 = arith.constant 0 : i32
    %dma_start3A_18 = tpu.memref_slice %arg6[%dma_start3A_15, %dma_start3A_16, %dma_start3A_17] : memref<3x1024x32xf32, #tpu.memory_space<vmem>> -> memref<1x1024x32xf32, #tpu.memory_space<vmem>>
    %dma_start3A_19 = tpu.memref_squeeze %dma_start3A_18 : memref<1x1024x32xf32, #tpu.memory_space<vmem>> -> memref<1024x32xf32, #tpu.memory_space<vmem>>
    %dma_start3A_20 = arith.constant 0 : i32
    %dma_start3A_21 = tpu.memref_slice %arg5[%dma_start3A_14, %dma_start3A_20] : memref<8x1024xi32, #tpu.memory_space<vmem>> -> memref<1x1024xi32, #tpu.memory_space<vmem>>
    %dma_start3A_22 = tpu.memref_squeeze %dma_start3A_21 : memref<1x1024xi32, #tpu.memory_space<vmem>> -> memref<1024xi32, #tpu.memory_space<vmem>>
    %dma_start3A_23 = arith.constant 0 : i32
    %dma_start3A_24 = arith.constant 0 : i32
    %dma_start3A_25 = tpu.memref_slice %arg3[%dma_start3A_23, %dma_start3A_24] : memref<1048576x32xf32, #tpu.memory_space<hbm>> -> memref<1048576x32xf32, #tpu.memory_space<hbm>>
    tpu.enqueue_indirect_dma source(%dma_start3A_25 : memref<1048576x32xf32, #tpu.memory_space<hbm>>) target(%dma_start3A_19 : memref<1024x32xf32, #tpu.memory_space<vmem>>) offsets(%dma_start3A_22 : memref<1024xi32, #tpu.memory_space<vmem>>) semaphore(%arg8 : memref<!tpu.dma_semaphore, #tpu.memory_space<semaphore_mem>>)
    %dma_start3A_26 = arith.constant 2 : i32
    %dma_start3A_27 = arith.constant 2 : i32
    %dma_start3A_28 = arith.constant 0 : i32
    %dma_start3A_29 = arith.constant 0 : i32
    %dma_start3A_30 = tpu.memref_slice %arg6[%dma_start3A_27, %dma_start3A_28, %dma_start3A_29] : memref<3x1024x32xf32, #tpu.memory_space<vmem>> -> memref<1x1024x32xf32, #tpu.memory_space<vmem>>
    %dma_start3A_31 = tpu.memref_squeeze %dma_start3A_30 : memref<1x1024x32xf32, #tpu.memory_space<vmem>> -> memref<1024x32xf32, #tpu.memory_space<vmem>>
    %dma_start3A_32 = arith.constant 0 : i32
    %dma_start3A_33 = tpu.memref_slice %arg5[%dma_start3A_26, %dma_start3A_32] : memref<8x1024xi32, #tpu.memory_space<vmem>> -> memref<1x1024xi32, #tpu.memory_space<vmem>>
    %dma_start3A_34 = tpu.memref_squeeze %dma_start3A_33 : memref<1x1024xi32, #tpu.memory_space<vmem>> -> memref<1024xi32, #tpu.memory_space<vmem>>
    %dma_start3A_35 = arith.constant 0 : i32
    %dma_start3A_36 = arith.constant 0 : i32
    %dma_start3A_37 = tpu.memref_slice %arg3[%dma_start3A_35, %dma_start3A_36] : memref<1048576x32xf32, #tpu.memory_space<hbm>> -> memref<1048576x32xf32, #tpu.memory_space<hbm>>
    tpu.enqueue_indirect_dma source(%dma_start3A_37 : memref<1048576x32xf32, #tpu.memory_space<hbm>>) target(%dma_start3A_31 : memref<1024x32xf32, #tpu.memory_space<vmem>>) offsets(%dma_start3A_34 : memref<1024xi32, #tpu.memory_space<vmem>>) semaphore(%arg9 : memref<!tpu.dma_semaphore, #tpu.memory_space<semaphore_mem>>)
    %dma_wait3A = arith.constant 0 : i32
    %dma_wait3A_38 = arith.constant 0 : i32
    %dma_wait3A_39 = arith.constant 0 : i32
    %dma_wait3A_40 = arith.constant 0 : i32
    %dma_wait3A_41 = tpu.memref_slice %arg6[%dma_wait3A_38, %dma_wait3A_39, %dma_wait3A_40] : memref<3x1024x32xf32, #tpu.memory_space<vmem>> -> memref<1x1024x32xf32, #tpu.memory_space<vmem>>
    %dma_wait3A_42 = tpu.memref_squeeze %dma_wait3A_41 : memref<1x1024x32xf32, #tpu.memory_space<vmem>> -> memref<1024x32xf32, #tpu.memory_space<vmem>>
    %dma_wait3A_43 = arith.constant 0 : i32
    %dma_wait3A_44 = tpu.memref_slice %arg5[%dma_wait3A, %dma_wait3A_43] : memref<8x1024xi32, #tpu.memory_space<vmem>> -> memref<1x1024xi32, #tpu.memory_space<vmem>>
    %dma_wait3A_45 = tpu.memref_squeeze %dma_wait3A_44 : memref<1x1024xi32, #tpu.memory_space<vmem>> -> memref<1024xi32, #tpu.memory_space<vmem>>
    %dma_wait3A_46 = arith.constant 0 : i32
    %dma_wait3A_47 = arith.constant 0 : i32
    %dma_wait3A_48 = tpu.memref_slice %arg3[%dma_wait3A_46, %dma_wait3A_47] : memref<1048576x32xf32, #tpu.memory_space<hbm>> -> memref<1048576x32xf32, #tpu.memory_space<hbm>>
    tpu.wait_indirect_dma semaphore(%arg7 : memref<!tpu.dma_semaphore, #tpu.memory_space<semaphore_mem>>) src(%dma_wait3A_48 : memref<1048576x32xf32, #tpu.memory_space<hbm>>) dst(%dma_wait3A_42 : memref<1024x32xf32, #tpu.memory_space<vmem>>)
    %add3A_49 = arith.constant 0 : i32
    %add3A_50 = arith.addi %mul3A_2, %add3A_49 : i32
    %jit3A = arith.constant 16384 : i32
    %div3A = arith.divsi %add3A_50, %jit3A : i32
    %sign3A = arith.constant 0 : i32
    %sign3A_51 = arith.cmpi sgt, %add3A_50, %sign3A : i32
    %sign3A_52 = arith.extui %sign3A_51 : i1 to i32
    %sign3A_53 = arith.constant 0 : i32
    %sign3A_54 = arith.cmpi slt, %add3A_50, %sign3A_53 : i32
    %sign3A_55 = arith.extui %sign3A_54 : i1 to i32
    %sign3A_56 = arith.subi %sign3A_52, %sign3A_55 : i32
    %sign3A_57 = arith.constant 0 : i32
    %sign3A_58 = arith.cmpi sgt, %jit3A, %sign3A_57 : i32
    %sign3A_59 = arith.extui %sign3A_58 : i1 to i32
    %sign3A_60 = arith.constant 0 : i32
    %sign3A_61 = arith.cmpi slt, %jit3A, %sign3A_60 : i32
    %sign3A_62 = arith.extui %sign3A_61 : i1 to i32
    %sign3A_63 = arith.subi %sign3A_59, %sign3A_62 : i32
    %ne3A = arith.cmpi ne, %sign3A_56, %sign3A_63 : i32
    %rem3A = arith.remsi %add3A_50, %jit3A : i32
    %ne3A_64 = arith.constant 0 : i32
    %ne3A_65 = arith.cmpi ne, %rem3A, %ne3A_64 : i32
    %and3A = arith.andi %ne3A, %ne3A_65 : i1
    %sub3A = arith.constant 1 : i32
    %sub3A_66 = arith.subi %div3A, %sub3A : i32
    %select_n3A = arith.select %and3A, %sub3A_66, %div3A : i32
    %jit3A_67 = arith.constant 16384 : i32
    %eq3A = arith.constant 0 : i32
    %eq3A_68 = arith.cmpi eq, %jit3A_67, %eq3A : i32
    %jit3A_69 = arith.constant 1 : i32
    %select_n3A_70 = arith.select %eq3A_68, %jit3A_69, %jit3A_67 : i32
    %rem3A_71 = arith.remsi %add3A_50, %select_n3A_70 : i32
    %ne3A_72 = arith.constant 0 : i32
    %ne3A_73 = arith.cmpi ne, %rem3A_71, %ne3A_72 : i32
    %lt3A = arith.constant 0 : i32
    %lt3A_74 = arith.cmpi slt, %rem3A_71, %lt3A : i32
    %lt3A_75 = arith.constant 0 : i32
    %lt3A_76 = arith.cmpi slt, %select_n3A_70, %lt3A_75 : i32
    %ne3A_77 = arith.xori %lt3A_74, %lt3A_76 : i1
    %and3A_78 = arith.andi %ne3A_77, %ne3A_73 : i1
    %add3A_79 = arith.addi %rem3A_71, %select_n3A_70 : i32
    %select_n3A_80 = arith.select %and3A_78, %add3A_79, %rem3A_71 : i32
    %jit3A_81 = arith.constant 4096 : i32
    %div3A_82 = arith.divsi %select_n3A_80, %jit3A_81 : i32
    %sign3A_83 = arith.constant 0 : i32
    %sign3A_84 = arith.cmpi sgt, %select_n3A_80, %sign3A_83 : i32
    %sign3A_85 = arith.extui %sign3A_84 : i1 to i32
    %sign3A_86 = arith.constant 0 : i32
    %sign3A_87 = arith.cmpi slt, %select_n3A_80, %sign3A_86 : i32
    %sign3A_88 = arith.extui %sign3A_87 : i1 to i32
    %sign3A_89 = arith.subi %sign3A_85, %sign3A_88 : i32
    %sign3A_90 = arith.constant 0 : i32
    %sign3A_91 = arith.cmpi sgt, %jit3A_81, %sign3A_90 : i32
    %sign3A_92 = arith.extui %sign3A_91 : i1 to i32
    %sign3A_93 = arith.constant 0 : i32
    %sign3A_94 = arith.cmpi slt, %jit3A_81, %sign3A_93 : i32
    %sign3A_95 = arith.extui %sign3A_94 : i1 to i32
    %sign3A_96 = arith.subi %sign3A_92, %sign3A_95 : i32
    %ne3A_97 = arith.cmpi ne, %sign3A_89, %sign3A_96 : i32
    %rem3A_98 = arith.remsi %select_n3A_80, %jit3A_81 : i32
    %ne3A_99 = arith.constant 0 : i32
    %ne3A_100 = arith.cmpi ne, %rem3A_98, %ne3A_99 : i32
    %and3A_101 = arith.andi %ne3A_97, %ne3A_100 : i1
    %sub3A_102 = arith.constant 1 : i32
    %sub3A_103 = arith.subi %div3A_82, %sub3A_102 : i32
    %select_n3A_104 = arith.select %and3A_101, %sub3A_103, %div3A_82 : i32
    %jit3A_105 = arith.constant 4096 : i32
    %eq3A_106 = arith.constant 0 : i32
    %eq3A_107 = arith.cmpi eq, %jit3A_105, %eq3A_106 : i32
    %jit3A_108 = arith.constant 1 : i32
    %select_n3A_109 = arith.select %eq3A_107, %jit3A_108, %jit3A_105 : i32
    %rem3A_110 = arith.remsi %select_n3A_80, %select_n3A_109 : i32
    %ne3A_111 = arith.constant 0 : i32
    %ne3A_112 = arith.cmpi ne, %rem3A_110, %ne3A_111 : i32
    %lt3A_113 = arith.constant 0 : i32
    %lt3A_114 = arith.cmpi slt, %rem3A_110, %lt3A_113 : i32
    %lt3A_115 = arith.constant 0 : i32
    %lt3A_116 = arith.cmpi slt, %select_n3A_109, %lt3A_115 : i32
    %ne3A_117 = arith.xori %lt3A_114, %lt3A_116 : i1
    %and3A_118 = arith.andi %ne3A_117, %ne3A_112 : i1
    %add3A_119 = arith.addi %rem3A_110, %select_n3A_109 : i32
    %select_n3A_120 = arith.select %and3A_118, %add3A_119, %rem3A_110 : i32
    %mul3A_121 = arith.constant 4096 : i32
    %mul3A_122 = arith.muli %select_n3A, %mul3A_121 : i32
    %add3A_123 = arith.addi %mul3A_122, %select_n3A_120 : i32
    %mul3A_124 = arith.constant 32 : i32
    %mul3A_125 = arith.muli %select_n3A_104, %mul3A_124 : i32
    %dma_start3A_126 = arith.constant 0 : i32
    %dma_start3A_127 = arith.constant 0 : i32
    %dma_start3A_128 = arith.constant 0 : i32
    %dma_start3A_129 = tpu.memref_slice %arg6[%dma_start3A_126, %dma_start3A_127, %dma_start3A_128] : memref<3x1024x32xf32, #tpu.memory_space<vmem>> -> memref<1x1024x32xf32, #tpu.memory_space<vmem>>
    %dma_start3A_130 = tpu.memref_squeeze %dma_start3A_129 : memref<1x1024x32xf32, #tpu.memory_space<vmem>> -> memref<1024x32xf32, #tpu.memory_space<vmem>>
    %dma_start3A_131 = tpu.memref_slice %arg4[%add3A_123, %mul3A_125] : memref<65536x128xf32, #tpu.memory_space<hbm>> -> memref<1024x32xf32, #tpu.memory_space<hbm>>
    %dma_start3A_132 = tpu.memref_slice %arg4[%add3A_123, %mul3A_125] : memref<65536x128xf32, #tpu.memory_space<hbm>> -> memref<1024x32xf32, #tpu.memory_space<hbm>>
    %dma_start3A_133 = arith.constant 0 : i32
    %dma_start3A_134 = arith.constant 0 : i32
    %dma_start3A_135 = tpu.memref_slice %arg6[%dma_start3A_126, %dma_start3A_133, %dma_start3A_134] : memref<3x1024x32xf32, #tpu.memory_space<vmem>> -> memref<1x1024x32xf32, #tpu.memory_space<vmem>>
    %dma_start3A_136 = tpu.memref_squeeze %dma_start3A_135 : memref<1x1024x32xf32, #tpu.memory_space<vmem>> -> memref<1024x32xf32, #tpu.memory_space<vmem>>
    tpu.enqueue_dma source(%dma_start3A_136 : memref<1024x32xf32, #tpu.memory_space<vmem>>) target(%dma_start3A_132 : memref<1024x32xf32, #tpu.memory_space<hbm>>) target_semaphore(%arg10 : memref<!tpu.dma_semaphore, #tpu.memory_space<semaphore_mem>>)
    %dma_wait3A_137 = arith.constant 0 : i32
    %dma_wait3A_138 = arith.constant 0 : i32
    %dma_wait3A_139 = arith.constant 0 : i32
    %dma_wait3A_140 = tpu.memref_slice %arg6[%dma_wait3A_137, %dma_wait3A_138, %dma_wait3A_139] : memref<3x1024x32xf32, #tpu.memory_space<vmem>> -> memref<1x1024x32xf32, #tpu.memory_space<vmem>>
    %dma_wait3A_141 = tpu.memref_squeeze %dma_wait3A_140 : memref<1x1024x32xf32, #tpu.memory_space<vmem>> -> memref<1024x32xf32, #tpu.memory_space<vmem>>
    %dma_wait3A_142 = tpu.memref_slice %arg4[%add3A_123, %mul3A_125] : memref<65536x128xf32, #tpu.memory_space<hbm>> -> memref<1024x32xf32, #tpu.memory_space<hbm>>
    %dma_wait3A_143 = tpu.memref_slice %arg4[%add3A_123, %mul3A_125] : memref<65536x128xf32, #tpu.memory_space<hbm>> -> memref<1024x32xf32, #tpu.memory_space<hbm>>
    %dma_wait3A_144 = arith.constant 0 : i32
    %dma_wait3A_145 = arith.constant 0 : i32
    %dma_wait3A_146 = tpu.memref_slice %arg6[%dma_wait3A_137, %dma_wait3A_144, %dma_wait3A_145] : memref<3x1024x32xf32, #tpu.memory_space<vmem>> -> memref<1x1024x32xf32, #tpu.memory_space<vmem>>
    %dma_wait3A_147 = tpu.memref_squeeze %dma_wait3A_146 : memref<1x1024x32xf32, #tpu.memory_space<vmem>> -> memref<1024x32xf32, #tpu.memory_space<vmem>>
    tpu.wait_dma2 semaphore(%arg10 : memref<!tpu.dma_semaphore, #tpu.memory_space<semaphore_mem>>) src(%dma_wait3A_147 : memref<1024x32xf32, #tpu.memory_space<vmem>>) dst(%dma_wait3A_143 : memref<1024x32xf32, #tpu.memory_space<hbm>>)
    %dma_start3A_148 = arith.constant 3 : i32
    %dma_start3A_149 = arith.constant 0 : i32
    %dma_start3A_150 = arith.constant 0 : i32
    %dma_start3A_151 = arith.constant 0 : i32
    %dma_start3A_152 = tpu.memref_slice %arg6[%dma_start3A_149, %dma_start3A_150, %dma_start3A_151] : memref<3x1024x32xf32, #tpu.memory_space<vmem>> -> memref<1x1024x32xf32, #tpu.memory_space<vmem>>
    %dma_start3A_153 = tpu.memref_squeeze %dma_start3A_152 : memref<1x1024x32xf32, #tpu.memory_space<vmem>> -> memref<1024x32xf32, #tpu.memory_space<vmem>>
    %dma_start3A_154 = arith.constant 0 : i32
    %dma_start3A_155 = tpu.memref_slice %arg5[%dma_start3A_148, %dma_start3A_154] : memref<8x1024xi32, #tpu.memory_space<vmem>> -> memref<1x1024xi32, #tpu.memory_space<vmem>>
    %dma_start3A_156 = tpu.memref_squeeze %dma_start3A_155 : memref<1x1024xi32, #tpu.memory_space<vmem>> -> memref<1024xi32, #tpu.memory_space<vmem>>
    %dma_start3A_157 = arith.constant 0 : i32
    %dma_start3A_158 = arith.constant 0 : i32
    %dma_start3A_159 = tpu.memref_slice %arg3[%dma_start3A_157, %dma_start3A_158] : memref<1048576x32xf32, #tpu.memory_space<hbm>> -> memref<1048576x32xf32, #tpu.memory_space<hbm>>
    tpu.enqueue_indirect_dma source(%dma_start3A_159 : memref<1048576x32xf32, #tpu.memory_space<hbm>>) target(%dma_start3A_153 : memref<1024x32xf32, #tpu.memory_space<vmem>>) offsets(%dma_start3A_156 : memref<1024xi32, #tpu.memory_space<vmem>>) semaphore(%arg7 : memref<!tpu.dma_semaphore, #tpu.memory_space<semaphore_mem>>)
    %dma_wait3A_160 = arith.constant 1 : i32
    %dma_wait3A_161 = arith.constant 1 : i32
    %dma_wait3A_162 = arith.constant 0 : i32
    %dma_wait3A_163 = arith.constant 0 : i32
    %dma_wait3A_164 = tpu.memref_slice %arg6[%dma_wait3A_161, %dma_wait3A_162, %dma_wait3A_163] : memref<3x1024x32xf32, #tpu.memory_space<vmem>> -> memref<1x1024x32xf32, #tpu.memory_space<vmem>>
    %dma_wait3A_165 = tpu.memref_squeeze %dma_wait3A_164 : memref<1x1024x32xf32, #tpu.memory_space<vmem>> -> memref<1024x32xf32, #tpu.memory_space<vmem>>
    %dma_wait3A_166 = arith.constant 0 : i32
    %dma_wait3A_167 = tpu.memref_slice %arg5[%dma_wait3A_160, %dma_wait3A_166] : memref<8x1024xi32, #tpu.memory_space<vmem>> -> memref<1x1024xi32, #tpu.memory_space<vmem>>
    %dma_wait3A_168 = tpu.memref_squeeze %dma_wait3A_167 : memref<1x1024xi32, #tpu.memory_space<vmem>> -> memref<1024xi32, #tpu.memory_space<vmem>>
    %dma_wait3A_169 = arith.constant 0 : i32
    %dma_wait3A_170 = arith.constant 0 : i32
    %dma_wait3A_171 = tpu.memref_slice %arg3[%dma_wait3A_169, %dma_wait3A_170] : memref<1048576x32xf32, #tpu.memory_space<hbm>> -> memref<1048576x32xf32, #tpu.memory_space<hbm>>
    tpu.wait_indirect_dma semaphore(%arg8 : memref<!tpu.dma_semaphore, #tpu.memory_space<semaphore_mem>>) src(%dma_wait3A_171 : memref<1048576x32xf32, #tpu.memory_space<hbm>>) dst(%dma_wait3A_165 : memref<1024x32xf32, #tpu.memory_space<vmem>>)
    %add3A_172 = arith.constant 1024 : i32
    %add3A_173 = arith.addi %mul3A_2, %add3A_172 : i32
    %jit3A_174 = arith.constant 16384 : i32
    %div3A_175 = arith.divsi %add3A_173, %jit3A_174 : i32
    %sign3A_176 = arith.constant 0 : i32
    %sign3A_177 = arith.cmpi sgt, %add3A_173, %sign3A_176 : i32
    %sign3A_178 = arith.extui %sign3A_177 : i1 to i32
    %sign3A_179 = arith.constant 0 : i32
    %sign3A_180 = arith.cmpi slt, %add3A_173, %sign3A_179 : i32
    %sign3A_181 = arith.extui %sign3A_180 : i1 to i32
    %sign3A_182 = arith.subi %sign3A_178, %sign3A_181 : i32
    %sign3A_183 = arith.constant 0 : i32
    %sign3A_184 = arith.cmpi sgt, %jit3A_174, %sign3A_183 : i32
    %sign3A_185 = arith.extui %sign3A_184 : i1 to i32
    %sign3A_186 = arith.constant 0 : i32
    %sign3A_187 = arith.cmpi slt, %jit3A_174, %sign3A_186 : i32
    %sign3A_188 = arith.extui %sign3A_187 : i1 to i32
    %sign3A_189 = arith.subi %sign3A_185, %sign3A_188 : i32
    %ne3A_190 = arith.cmpi ne, %sign3A_182, %sign3A_189 : i32
    %rem3A_191 = arith.remsi %add3A_173, %jit3A_174 : i32
    %ne3A_192 = arith.constant 0 : i32
    %ne3A_193 = arith.cmpi ne, %rem3A_191, %ne3A_192 : i32
    %and3A_194 = arith.andi %ne3A_190, %ne3A_193 : i1
    %sub3A_195 = arith.constant 1 : i32
    %sub3A_196 = arith.subi %div3A_175, %sub3A_195 : i32
    %select_n3A_197 = arith.select %and3A_194, %sub3A_196, %div3A_175 : i32
    %jit3A_198 = arith.constant 16384 : i32
    %eq3A_199 = arith.constant 0 : i32
    %eq3A_200 = arith.cmpi eq, %jit3A_198, %eq3A_199 : i32
    %jit3A_201 = arith.constant 1 : i32
    %select_n3A_202 = arith.select %eq3A_200, %jit3A_201, %jit3A_198 : i32
    %rem3A_203 = arith.remsi %add3A_173, %select_n3A_202 : i32
    %ne3A_204 = arith.constant 0 : i32
    %ne3A_205 = arith.cmpi ne, %rem3A_203, %ne3A_204 : i32
    %lt3A_206 = arith.constant 0 : i32
    %lt3A_207 = arith.cmpi slt, %rem3A_203, %lt3A_206 : i32
    %lt3A_208 = arith.constant 0 : i32
    %lt3A_209 = arith.cmpi slt, %select_n3A_202, %lt3A_208 : i32
    %ne3A_210 = arith.xori %lt3A_207, %lt3A_209 : i1
    %and3A_211 = arith.andi %ne3A_210, %ne3A_205 : i1
    %add3A_212 = arith.addi %rem3A_203, %select_n3A_202 : i32
    %select_n3A_213 = arith.select %and3A_211, %add3A_212, %rem3A_203 : i32
    %jit3A_214 = arith.constant 4096 : i32
    %div3A_215 = arith.divsi %select_n3A_213, %jit3A_214 : i32
    %sign3A_216 = arith.constant 0 : i32
    %sign3A_217 = arith.cmpi sgt, %select_n3A_213, %sign3A_216 : i32
    %sign3A_218 = arith.extui %sign3A_217 : i1 to i32
    %sign3A_219 = arith.constant 0 : i32
    %sign3A_220 = arith.cmpi slt, %select_n3A_213, %sign3A_219 : i32
    %sign3A_221 = arith.extui %sign3A_220 : i1 to i32
    %sign3A_222 = arith.subi %sign3A_218, %sign3A_221 : i32
    %sign3A_223 = arith.constant 0 : i32
    %sign3A_224 = arith.cmpi sgt, %jit3A_214, %sign3A_223 : i32
    %sign3A_225 = arith.extui %sign3A_224 : i1 to i32
    %sign3A_226 = arith.constant 0 : i32
    %sign3A_227 = arith.cmpi slt, %jit3A_214, %sign3A_226 : i32
    %sign3A_228 = arith.extui %sign3A_227 : i1 to i32
    %sign3A_229 = arith.subi %sign3A_225, %sign3A_228 : i32
    %ne3A_230 = arith.cmpi ne, %sign3A_222, %sign3A_229 : i32
    %rem3A_231 = arith.remsi %select_n3A_213, %jit3A_214 : i32
    %ne3A_232 = arith.constant 0 : i32
    %ne3A_233 = arith.cmpi ne, %rem3A_231, %ne3A_232 : i32
    %and3A_234 = arith.andi %ne3A_230, %ne3A_233 : i1
    %sub3A_235 = arith.constant 1 : i32
    %sub3A_236 = arith.subi %div3A_215, %sub3A_235 : i32
    %select_n3A_237 = arith.select %and3A_234, %sub3A_236, %div3A_215 : i32
    %jit3A_238 = arith.constant 4096 : i32
    %eq3A_239 = arith.constant 0 : i32
    %eq3A_240 = arith.cmpi eq, %jit3A_238, %eq3A_239 : i32
    %jit3A_241 = arith.constant 1 : i32
    %select_n3A_242 = arith.select %eq3A_240, %jit3A_241, %jit3A_238 : i32
    %rem3A_243 = arith.remsi %select_n3A_213, %select_n3A_242 : i32
    %ne3A_244 = arith.constant 0 : i32
    %ne3A_245 = arith.cmpi ne, %rem3A_243, %ne3A_244 : i32
    %lt3A_246 = arith.constant 0 : i32
    %lt3A_247 = arith.cmpi slt, %rem3A_243, %lt3A_246 : i32
    %lt3A_248 = arith.constant 0 : i32
    %lt3A_249 = arith.cmpi slt, %select_n3A_242, %lt3A_248 : i32
    %ne3A_250 = arith.xori %lt3A_247, %lt3A_249 : i1
    %and3A_251 = arith.andi %ne3A_250, %ne3A_245 : i1
    %add3A_252 = arith.addi %rem3A_243, %select_n3A_242 : i32
    %select_n3A_253 = arith.select %and3A_251, %add3A_252, %rem3A_243 : i32
    %mul3A_254 = arith.constant 4096 : i32
    %mul3A_255 = arith.muli %select_n3A_197, %mul3A_254 : i32
    %add3A_256 = arith.addi %mul3A_255, %select_n3A_253 : i32
    %mul3A_257 = arith.constant 32 : i32
    %mul3A_258 = arith.muli %select_n3A_237, %mul3A_257 : i32
    %dma_start3A_259 = arith.constant 1 : i32
    %dma_start3A_260 = arith.constant 0 : i32
    %dma_start3A_261 = arith.constant 0 : i32
    %dma_start3A_262 = tpu.memref_slice %arg6[%dma_start3A_259, %dma_start3A_260, %dma_start3A_261] : memref<3x1024x32xf32, #tpu.memory_space<vmem>> -> memref<1x1024x32xf32, #tpu.memory_space<vmem>>
    %dma_start3A_263 = tpu.memref_squeeze %dma_start3A_262 : memref<1x1024x32xf32, #tpu.memory_space<vmem>> -> memref<1024x32xf32, #tpu.memory_space<vmem>>
    %dma_start3A_264 = tpu.memref_slice %arg4[%add3A_256, %mul3A_258] : memref<65536x128xf32, #tpu.memory_space<hbm>> -> memref<1024x32xf32, #tpu.memory_space<hbm>>
    %dma_start3A_265 = tpu.memref_slice %arg4[%add3A_256, %mul3A_258] : memref<65536x128xf32, #tpu.memory_space<hbm>> -> memref<1024x32xf32, #tpu.memory_space<hbm>>
    %dma_start3A_266 = arith.constant 0 : i32
    %dma_start3A_267 = arith.constant 0 : i32
    %dma_start3A_268 = tpu.memref_slice %arg6[%dma_start3A_259, %dma_start3A_266, %dma_start3A_267] : memref<3x1024x32xf32, #tpu.memory_space<vmem>> -> memref<1x1024x32xf32, #tpu.memory_space<vmem>>
    %dma_start3A_269 = tpu.memref_squeeze %dma_start3A_268 : memref<1x1024x32xf32, #tpu.memory_space<vmem>> -> memref<1024x32xf32, #tpu.memory_space<vmem>>
    tpu.enqueue_dma source(%dma_start3A_269 : memref<1024x32xf32, #tpu.memory_space<vmem>>) target(%dma_start3A_265 : memref<1024x32xf32, #tpu.memory_space<hbm>>) target_semaphore(%arg11 : memref<!tpu.dma_semaphore, #tpu.memory_space<semaphore_mem>>)
    %dma_wait3A_270 = arith.constant 1 : i32
    %dma_wait3A_271 = arith.constant 0 : i32
    %dma_wait3A_272 = arith.constant 0 : i32
    %dma_wait3A_273 = tpu.memref_slice %arg6[%dma_wait3A_270, %dma_wait3A_271, %dma_wait3A_272] : memref<3x1024x32xf32, #tpu.memory_space<vmem>> -> memref<1x1024x32xf32, #tpu.memory_space<vmem>>
    %dma_wait3A_274 = tpu.memref_squeeze %dma_wait3A_273 : memref<1x1024x32xf32, #tpu.memory_space<vmem>> -> memref<1024x32xf32, #tpu.memory_space<vmem>>
    %dma_wait3A_275 = tpu.memref_slice %arg4[%add3A_256, %mul3A_258] : memref<65536x128xf32, #tpu.memory_space<hbm>> -> memref<1024x32xf32, #tpu.memory_space<hbm>>
    %dma_wait3A_276 = tpu.memref_slice %arg4[%add3A_256, %mul3A_258] : memref<65536x128xf32, #tpu.memory_space<hbm>> -> memref<1024x32xf32, #tpu.memory_space<hbm>>
    %dma_wait3A_277 = arith.constant 0 : i32
    %dma_wait3A_278 = arith.constant 0 : i32
    %dma_wait3A_279 = tpu.memref_slice %arg6[%dma_wait3A_270, %dma_wait3A_277, %dma_wait3A_278] : memref<3x1024x32xf32, #tpu.memory_space<vmem>> -> memref<1x1024x32xf32, #tpu.memory_space<vmem>>
    %dma_wait3A_280 = tpu.memref_squeeze %dma_wait3A_279 : memref<1x1024x32xf32, #tpu.memory_space<vmem>> -> memref<1024x32xf32, #tpu.memory_space<vmem>>
    tpu.wait_dma2 semaphore(%arg11 : memref<!tpu.dma_semaphore, #tpu.memory_space<semaphore_mem>>) src(%dma_wait3A_280 : memref<1024x32xf32, #tpu.memory_space<vmem>>) dst(%dma_wait3A_276 : memref<1024x32xf32, #tpu.memory_space<hbm>>)
    %dma_start3A_281 = arith.constant 4 : i32
    %dma_start3A_282 = arith.constant 1 : i32
    %dma_start3A_283 = arith.constant 0 : i32
    %dma_start3A_284 = arith.constant 0 : i32
    %dma_start3A_285 = tpu.memref_slice %arg6[%dma_start3A_282, %dma_start3A_283, %dma_start3A_284] : memref<3x1024x32xf32, #tpu.memory_space<vmem>> -> memref<1x1024x32xf32, #tpu.memory_space<vmem>>
    %dma_start3A_286 = tpu.memref_squeeze %dma_start3A_285 : memref<1x1024x32xf32, #tpu.memory_space<vmem>> -> memref<1024x32xf32, #tpu.memory_space<vmem>>
    %dma_start3A_287 = arith.constant 0 : i32
    %dma_start3A_288 = tpu.memref_slice %arg5[%dma_start3A_281, %dma_start3A_287] : memref<8x1024xi32, #tpu.memory_space<vmem>> -> memref<1x1024xi32, #tpu.memory_space<vmem>>
    %dma_start3A_289 = tpu.memref_squeeze %dma_start3A_288 : memref<1x1024xi32, #tpu.memory_space<vmem>> -> memref<1024xi32, #tpu.memory_space<vmem>>
    %dma_start3A_290 = arith.constant 0 : i32
    %dma_start3A_291 = arith.constant 0 : i32
    %dma_start3A_292 = tpu.memref_slice %arg3[%dma_start3A_290, %dma_start3A_291] : memref<1048576x32xf32, #tpu.memory_space<hbm>> -> memref<1048576x32xf32, #tpu.memory_space<hbm>>
    tpu.enqueue_indirect_dma source(%dma_start3A_292 : memref<1048576x32xf32, #tpu.memory_space<hbm>>) target(%dma_start3A_286 : memref<1024x32xf32, #tpu.memory_space<vmem>>) offsets(%dma_start3A_289 : memref<1024xi32, #tpu.memory_space<vmem>>) semaphore(%arg8 : memref<!tpu.dma_semaphore, #tpu.memory_space<semaphore_mem>>)
    %dma_wait3A_293 = arith.constant 2 : i32
    %dma_wait3A_294 = arith.constant 2 : i32
    %dma_wait3A_295 = arith.constant 0 : i32
    %dma_wait3A_296 = arith.constant 0 : i32
    %dma_wait3A_297 = tpu.memref_slice %arg6[%dma_wait3A_294, %dma_wait3A_295, %dma_wait3A_296] : memref<3x1024x32xf32, #tpu.memory_space<vmem>> -> memref<1x1024x32xf32, #tpu.memory_space<vmem>>
    %dma_wait3A_298 = tpu.memref_squeeze %dma_wait3A_297 : memref<1x1024x32xf32, #tpu.memory_space<vmem>> -> memref<1024x32xf32, #tpu.memory_space<vmem>>
    %dma_wait3A_299 = arith.constant 0 : i32
    %dma_wait3A_300 = tpu.memref_slice %arg5[%dma_wait3A_293, %dma_wait3A_299] : memref<8x1024xi32, #tpu.memory_space<vmem>> -> memref<1x1024xi32, #tpu.memory_space<vmem>>
    %dma_wait3A_301 = tpu.memref_squeeze %dma_wait3A_300 : memref<1x1024xi32, #tpu.memory_space<vmem>> -> memref<1024xi32, #tpu.memory_space<vmem>>
    %dma_wait3A_302 = arith.constant 0 : i32
    %dma_wait3A_303 = arith.constant 0 : i32
    %dma_wait3A_304 = tpu.memref_slice %arg3[%dma_wait3A_302, %dma_wait3A_303] : memref<1048576x32xf32, #tpu.memory_space<hbm>> -> memref<1048576x32xf32, #tpu.memory_space<hbm>>
    tpu.wait_indirect_dma semaphore(%arg9 : memref<!tpu.dma_semaphore, #tpu.memory_space<semaphore_mem>>) src(%dma_wait3A_304 : memref<1048576x32xf32, #tpu.memory_space<hbm>>) dst(%dma_wait3A_298 : memref<1024x32xf32, #tpu.memory_space<vmem>>)
    %add3A_305 = arith.constant 2048 : i32
    %add3A_306 = arith.addi %mul3A_2, %add3A_305 : i32
    %jit3A_307 = arith.constant 16384 : i32
    %div3A_308 = arith.divsi %add3A_306, %jit3A_307 : i32
    %sign3A_309 = arith.constant 0 : i32
    %sign3A_310 = arith.cmpi sgt, %add3A_306, %sign3A_309 : i32
    %sign3A_311 = arith.extui %sign3A_310 : i1 to i32
    %sign3A_312 = arith.constant 0 : i32
    %sign3A_313 = arith.cmpi slt, %add3A_306, %sign3A_312 : i32
    %sign3A_314 = arith.extui %sign3A_313 : i1 to i32
    %sign3A_315 = arith.subi %sign3A_311, %sign3A_314 : i32
    %sign3A_316 = arith.constant 0 : i32
    %sign3A_317 = arith.cmpi sgt, %jit3A_307, %sign3A_316 : i32
    %sign3A_318 = arith.extui %sign3A_317 : i1 to i32
    %sign3A_319 = arith.constant 0 : i32
    %sign3A_320 = arith.cmpi slt, %jit3A_307, %sign3A_319 : i32
    %sign3A_321 = arith.extui %sign3A_320 : i1 to i32
    %sign3A_322 = arith.subi %sign3A_318, %sign3A_321 : i32
    %ne3A_323 = arith.cmpi ne, %sign3A_315, %sign3A_322 : i32
    %rem3A_324 = arith.remsi %add3A_306, %jit3A_307 : i32
    %ne3A_325 = arith.constant 0 : i32
    %ne3A_326 = arith.cmpi ne, %rem3A_324, %ne3A_325 : i32
    %and3A_327 = arith.andi %ne3A_323, %ne3A_326 : i1
    %sub3A_328 = arith.constant 1 : i32
    %sub3A_329 = arith.subi %div3A_308, %sub3A_328 : i32
    %select_n3A_330 = arith.select %and3A_327, %sub3A_329, %div3A_308 : i32
    %jit3A_331 = arith.constant 16384 : i32
    %eq3A_332 = arith.constant 0 : i32
    %eq3A_333 = arith.cmpi eq, %jit3A_331, %eq3A_332 : i32
    %jit3A_334 = arith.constant 1 : i32
    %select_n3A_335 = arith.select %eq3A_333, %jit3A_334, %jit3A_331 : i32
    %rem3A_336 = arith.remsi %add3A_306, %select_n3A_335 : i32
    %ne3A_337 = arith.constant 0 : i32
    %ne3A_338 = arith.cmpi ne, %rem3A_336, %ne3A_337 : i32
    %lt3A_339 = arith.constant 0 : i32
    %lt3A_340 = arith.cmpi slt, %rem3A_336, %lt3A_339 : i32
    %lt3A_341 = arith.constant 0 : i32
    %lt3A_342 = arith.cmpi slt, %select_n3A_335, %lt3A_341 : i32
    %ne3A_343 = arith.xori %lt3A_340, %lt3A_342 : i1
    %and3A_344 = arith.andi %ne3A_343, %ne3A_338 : i1
    %add3A_345 = arith.addi %rem3A_336, %select_n3A_335 : i32
    %select_n3A_346 = arith.select %and3A_344, %add3A_345, %rem3A_336 : i32
    %jit3A_347 = arith.constant 4096 : i32
    %div3A_348 = arith.divsi %select_n3A_346, %jit3A_347 : i32
    %sign3A_349 = arith.constant 0 : i32
    %sign3A_350 = arith.cmpi sgt, %select_n3A_346, %sign3A_349 : i32
    %sign3A_351 = arith.extui %sign3A_350 : i1 to i32
    %sign3A_352 = arith.constant 0 : i32
    %sign3A_353 = arith.cmpi slt, %select_n3A_346, %sign3A_352 : i32
    %sign3A_354 = arith.extui %sign3A_353 : i1 to i32
    %sign3A_355 = arith.subi %sign3A_351, %sign3A_354 : i32
    %sign3A_356 = arith.constant 0 : i32
    %sign3A_357 = arith.cmpi sgt, %jit3A_347, %sign3A_356 : i32
    %sign3A_358 = arith.extui %sign3A_357 : i1 to i32
    %sign3A_359 = arith.constant 0 : i32
    %sign3A_360 = arith.cmpi slt, %jit3A_347, %sign3A_359 : i32
    %sign3A_361 = arith.extui %sign3A_360 : i1 to i32
    %sign3A_362 = arith.subi %sign3A_358, %sign3A_361 : i32
    %ne3A_363 = arith.cmpi ne, %sign3A_355, %sign3A_362 : i32
    %rem3A_364 = arith.remsi %select_n3A_346, %jit3A_347 : i32
    %ne3A_365 = arith.constant 0 : i32
    %ne3A_366 = arith.cmpi ne, %rem3A_364, %ne3A_365 : i32
    %and3A_367 = arith.andi %ne3A_363, %ne3A_366 : i1
    %sub3A_368 = arith.constant 1 : i32
    %sub3A_369 = arith.subi %div3A_348, %sub3A_368 : i32
    %select_n3A_370 = arith.select %and3A_367, %sub3A_369, %div3A_348 : i32
    %jit3A_371 = arith.constant 4096 : i32
    %eq3A_372 = arith.constant 0 : i32
    %eq3A_373 = arith.cmpi eq, %jit3A_371, %eq3A_372 : i32
    %jit3A_374 = arith.constant 1 : i32
    %select_n3A_375 = arith.select %eq3A_373, %jit3A_374, %jit3A_371 : i32
    %rem3A_376 = arith.remsi %select_n3A_346, %select_n3A_375 : i32
    %ne3A_377 = arith.constant 0 : i32
    %ne3A_378 = arith.cmpi ne, %rem3A_376, %ne3A_377 : i32
    %lt3A_379 = arith.constant 0 : i32
    %lt3A_380 = arith.cmpi slt, %rem3A_376, %lt3A_379 : i32
    %lt3A_381 = arith.constant 0 : i32
    %lt3A_382 = arith.cmpi slt, %select_n3A_375, %lt3A_381 : i32
    %ne3A_383 = arith.xori %lt3A_380, %lt3A_382 : i1
    %and3A_384 = arith.andi %ne3A_383, %ne3A_378 : i1
    %add3A_385 = arith.addi %rem3A_376, %select_n3A_375 : i32
    %select_n3A_386 = arith.select %and3A_384, %add3A_385, %rem3A_376 : i32
    %mul3A_387 = arith.constant 4096 : i32
    %mul3A_388 = arith.muli %select_n3A_330, %mul3A_387 : i32
    %add3A_389 = arith.addi %mul3A_388, %select_n3A_386 : i32
    %mul3A_390 = arith.constant 32 : i32
    %mul3A_391 = arith.muli %select_n3A_370, %mul3A_390 : i32
    %dma_start3A_392 = arith.constant 2 : i32
    %dma_start3A_393 = arith.constant 0 : i32
    %dma_start3A_394 = arith.constant 0 : i32
    %dma_start3A_395 = tpu.memref_slice %arg6[%dma_start3A_392, %dma_start3A_393, %dma_start3A_394] : memref<3x1024x32xf32, #tpu.memory_space<vmem>> -> memref<1x1024x32xf32, #tpu.memory_space<vmem>>
    %dma_start3A_396 = tpu.memref_squeeze %dma_start3A_395 : memref<1x1024x32xf32, #tpu.memory_space<vmem>> -> memref<1024x32xf32, #tpu.memory_space<vmem>>
    %dma_start3A_397 = tpu.memref_slice %arg4[%add3A_389, %mul3A_391] : memref<65536x128xf32, #tpu.memory_space<hbm>> -> memref<1024x32xf32, #tpu.memory_space<hbm>>
    %dma_start3A_398 = tpu.memref_slice %arg4[%add3A_389, %mul3A_391] : memref<65536x128xf32, #tpu.memory_space<hbm>> -> memref<1024x32xf32, #tpu.memory_space<hbm>>
    %dma_start3A_399 = arith.constant 0 : i32
    %dma_start3A_400 = arith.constant 0 : i32
    %dma_start3A_401 = tpu.memref_slice %arg6[%dma_start3A_392, %dma_start3A_399, %dma_start3A_400] : memref<3x1024x32xf32, #tpu.memory_space<vmem>> -> memref<1x1024x32xf32, #tpu.memory_space<vmem>>
    %dma_start3A_402 = tpu.memref_squeeze %dma_start3A_401 : memref<1x1024x32xf32, #tpu.memory_space<vmem>> -> memref<1024x32xf32, #tpu.memory_space<vmem>>
    tpu.enqueue_dma source(%dma_start3A_402 : memref<1024x32xf32, #tpu.memory_space<vmem>>) target(%dma_start3A_398 : memref<1024x32xf32, #tpu.memory_space<hbm>>) target_semaphore(%arg12 : memref<!tpu.dma_semaphore, #tpu.memory_space<semaphore_mem>>)
    %dma_wait3A_403 = arith.constant 2 : i32
    %dma_wait3A_404 = arith.constant 0 : i32
    %dma_wait3A_405 = arith.constant 0 : i32
    %dma_wait3A_406 = tpu.memref_slice %arg6[%dma_wait3A_403, %dma_wait3A_404, %dma_wait3A_405] : memref<3x1024x32xf32, #tpu.memory_space<vmem>> -> memref<1x1024x32xf32, #tpu.memory_space<vmem>>
    %dma_wait3A_407 = tpu.memref_squeeze %dma_wait3A_406 : memref<1x1024x32xf32, #tpu.memory_space<vmem>> -> memref<1024x32xf32, #tpu.memory_space<vmem>>
    %dma_wait3A_408 = tpu.memref_slice %arg4[%add3A_389, %mul3A_391] : memref<65536x128xf32, #tpu.memory_space<hbm>> -> memref<1024x32xf32, #tpu.memory_space<hbm>>
    %dma_wait3A_409 = tpu.memref_slice %arg4[%add3A_389, %mul3A_391] : memref<65536x128xf32, #tpu.memory_space<hbm>> -> memref<1024x32xf32, #tpu.memory_space<hbm>>
    %dma_wait3A_410 = arith.constant 0 : i32
    %dma_wait3A_411 = arith.constant 0 : i32
    %dma_wait3A_412 = tpu.memref_slice %arg6[%dma_wait3A_403, %dma_wait3A_410, %dma_wait3A_411] : memref<3x1024x32xf32, #tpu.memory_space<vmem>> -> memref<1x1024x32xf32, #tpu.memory_space<vmem>>
    %dma_wait3A_413 = tpu.memref_squeeze %dma_wait3A_412 : memref<1x1024x32xf32, #tpu.memory_space<vmem>> -> memref<1024x32xf32, #tpu.memory_space<vmem>>
    tpu.wait_dma2 semaphore(%arg12 : memref<!tpu.dma_semaphore, #tpu.memory_space<semaphore_mem>>) src(%dma_wait3A_413 : memref<1024x32xf32, #tpu.memory_space<vmem>>) dst(%dma_wait3A_409 : memref<1024x32xf32, #tpu.memory_space<hbm>>)
    %dma_start3A_414 = arith.constant 5 : i32
    %dma_start3A_415 = arith.constant 2 : i32
    %dma_start3A_416 = arith.constant 0 : i32
    %dma_start3A_417 = arith.constant 0 : i32
    %dma_start3A_418 = tpu.memref_slice %arg6[%dma_start3A_415, %dma_start3A_416, %dma_start3A_417] : memref<3x1024x32xf32, #tpu.memory_space<vmem>> -> memref<1x1024x32xf32, #tpu.memory_space<vmem>>
    %dma_start3A_419 = tpu.memref_squeeze %dma_start3A_418 : memref<1x1024x32xf32, #tpu.memory_space<vmem>> -> memref<1024x32xf32, #tpu.memory_space<vmem>>
    %dma_start3A_420 = arith.constant 0 : i32
    %dma_start3A_421 = tpu.memref_slice %arg5[%dma_start3A_414, %dma_start3A_420] : memref<8x1024xi32, #tpu.memory_space<vmem>> -> memref<1x1024xi32, #tpu.memory_space<vmem>>
    %dma_start3A_422 = tpu.memref_squeeze %dma_start3A_421 : memref<1x1024xi32, #tpu.memory_space<vmem>> -> memref<1024xi32, #tpu.memory_space<vmem>>
    %dma_start3A_423 = arith.constant 0 : i32
    %dma_start3A_424 = arith.constant 0 : i32
    %dma_start3A_425 = tpu.memref_slice %arg3[%dma_start3A_423, %dma_start3A_424] : memref<1048576x32xf32, #tpu.memory_space<hbm>> -> memref<1048576x32xf32, #tpu.memory_space<hbm>>
    tpu.enqueue_indirect_dma source(%dma_start3A_425 : memref<1048576x32xf32, #tpu.memory_space<hbm>>) target(%dma_start3A_419 : memref<1024x32xf32, #tpu.memory_space<vmem>>) offsets(%dma_start3A_422 : memref<1024xi32, #tpu.memory_space<vmem>>) semaphore(%arg9 : memref<!tpu.dma_semaphore, #tpu.memory_space<semaphore_mem>>)
    %dma_wait3A_426 = arith.constant 3 : i32
    %dma_wait3A_427 = arith.constant 0 : i32
    %dma_wait3A_428 = arith.constant 0 : i32
    %dma_wait3A_429 = arith.constant 0 : i32
    %dma_wait3A_430 = tpu.memref_slice %arg6[%dma_wait3A_427, %dma_wait3A_428, %dma_wait3A_429] : memref<3x1024x32xf32, #tpu.memory_space<vmem>> -> memref<1x1024x32xf32, #tpu.memory_space<vmem>>
    %dma_wait3A_431 = tpu.memref_squeeze %dma_wait3A_430 : memref<1x1024x32xf32, #tpu.memory_space<vmem>> -> memref<1024x32xf32, #tpu.memory_space<vmem>>
    %dma_wait3A_432 = arith.constant 0 : i32
    %dma_wait3A_433 = tpu.memref_slice %arg5[%dma_wait3A_426, %dma_wait3A_432] : memref<8x1024xi32, #tpu.memory_space<vmem>> -> memref<1x1024xi32, #tpu.memory_space<vmem>>
    %dma_wait3A_434 = tpu.memref_squeeze %dma_wait3A_433 : memref<1x1024xi32, #tpu.memory_space<vmem>> -> memref<1024xi32, #tpu.memory_space<vmem>>
    %dma_wait3A_435 = arith.constant 0 : i32
    %dma_wait3A_436 = arith.constant 0 : i32
    %dma_wait3A_437 = tpu.memref_slice %arg3[%dma_wait3A_435, %dma_wait3A_436] : memref<1048576x32xf32, #tpu.memory_space<hbm>> -> memref<1048576x32xf32, #tpu.memory_space<hbm>>
    tpu.wait_indirect_dma semaphore(%arg7 : memref<!tpu.dma_semaphore, #tpu.memory_space<semaphore_mem>>) src(%dma_wait3A_437 : memref<1048576x32xf32, #tpu.memory_space<hbm>>) dst(%dma_wait3A_431 : memref<1024x32xf32, #tpu.memory_space<vmem>>)
    %add3A_438 = arith.constant 3072 : i32
    %add3A_439 = arith.addi %mul3A_2, %add3A_438 : i32
    %jit3A_440 = arith.constant 16384 : i32
    %div3A_441 = arith.divsi %add3A_439, %jit3A_440 : i32
    %sign3A_442 = arith.constant 0 : i32
    %sign3A_443 = arith.cmpi sgt, %add3A_439, %sign3A_442 : i32
    %sign3A_444 = arith.extui %sign3A_443 : i1 to i32
    %sign3A_445 = arith.constant 0 : i32
    %sign3A_446 = arith.cmpi slt, %add3A_439, %sign3A_445 : i32
    %sign3A_447 = arith.extui %sign3A_446 : i1 to i32
    %sign3A_448 = arith.subi %sign3A_444, %sign3A_447 : i32
    %sign3A_449 = arith.constant 0 : i32
    %sign3A_450 = arith.cmpi sgt, %jit3A_440, %sign3A_449 : i32
    %sign3A_451 = arith.extui %sign3A_450 : i1 to i32
    %sign3A_452 = arith.constant 0 : i32
    %sign3A_453 = arith.cmpi slt, %jit3A_440, %sign3A_452 : i32
    %sign3A_454 = arith.extui %sign3A_453 : i1 to i32
    %sign3A_455 = arith.subi %sign3A_451, %sign3A_454 : i32
    %ne3A_456 = arith.cmpi ne, %sign3A_448, %sign3A_455 : i32
    %rem3A_457 = arith.remsi %add3A_439, %jit3A_440 : i32
    %ne3A_458 = arith.constant 0 : i32
    %ne3A_459 = arith.cmpi ne, %rem3A_457, %ne3A_458 : i32
    %and3A_460 = arith.andi %ne3A_456, %ne3A_459 : i1
    %sub3A_461 = arith.constant 1 : i32
    %sub3A_462 = arith.subi %div3A_441, %sub3A_461 : i32
    %select_n3A_463 = arith.select %and3A_460, %sub3A_462, %div3A_441 : i32
    %jit3A_464 = arith.constant 16384 : i32
    %eq3A_465 = arith.constant 0 : i32
    %eq3A_466 = arith.cmpi eq, %jit3A_464, %eq3A_465 : i32
    %jit3A_467 = arith.constant 1 : i32
    %select_n3A_468 = arith.select %eq3A_466, %jit3A_467, %jit3A_464 : i32
    %rem3A_469 = arith.remsi %add3A_439, %select_n3A_468 : i32
    %ne3A_470 = arith.constant 0 : i32
    %ne3A_471 = arith.cmpi ne, %rem3A_469, %ne3A_470 : i32
    %lt3A_472 = arith.constant 0 : i32
    %lt3A_473 = arith.cmpi slt, %rem3A_469, %lt3A_472 : i32
    %lt3A_474 = arith.constant 0 : i32
    %lt3A_475 = arith.cmpi slt, %select_n3A_468, %lt3A_474 : i32
    %ne3A_476 = arith.xori %lt3A_473, %lt3A_475 : i1
    %and3A_477 = arith.andi %ne3A_476, %ne3A_471 : i1
    %add3A_478 = arith.addi %rem3A_469, %select_n3A_468 : i32
    %select_n3A_479 = arith.select %and3A_477, %add3A_478, %rem3A_469 : i32
    %jit3A_480 = arith.constant 4096 : i32
    %div3A_481 = arith.divsi %select_n3A_479, %jit3A_480 : i32
    %sign3A_482 = arith.constant 0 : i32
    %sign3A_483 = arith.cmpi sgt, %select_n3A_479, %sign3A_482 : i32
    %sign3A_484 = arith.extui %sign3A_483 : i1 to i32
    %sign3A_485 = arith.constant 0 : i32
    %sign3A_486 = arith.cmpi slt, %select_n3A_479, %sign3A_485 : i32
    %sign3A_487 = arith.extui %sign3A_486 : i1 to i32
    %sign3A_488 = arith.subi %sign3A_484, %sign3A_487 : i32
    %sign3A_489 = arith.constant 0 : i32
    %sign3A_490 = arith.cmpi sgt, %jit3A_480, %sign3A_489 : i32
    %sign3A_491 = arith.extui %sign3A_490 : i1 to i32
    %sign3A_492 = arith.constant 0 : i32
    %sign3A_493 = arith.cmpi slt, %jit3A_480, %sign3A_492 : i32
    %sign3A_494 = arith.extui %sign3A_493 : i1 to i32
    %sign3A_495 = arith.subi %sign3A_491, %sign3A_494 : i32
    %ne3A_496 = arith.cmpi ne, %sign3A_488, %sign3A_495 : i32
    %rem3A_497 = arith.remsi %select_n3A_479, %jit3A_480 : i32
    %ne3A_498 = arith.constant 0 : i32
    %ne3A_499 = arith.cmpi ne, %rem3A_497, %ne3A_498 : i32
    %and3A_500 = arith.andi %ne3A_496, %ne3A_499 : i1
    %sub3A_501 = arith.constant 1 : i32
    %sub3A_502 = arith.subi %div3A_481, %sub3A_501 : i32
    %select_n3A_503 = arith.select %and3A_500, %sub3A_502, %div3A_481 : i32
    %jit3A_504 = arith.constant 4096 : i32
    %eq3A_505 = arith.constant 0 : i32
    %eq3A_506 = arith.cmpi eq, %jit3A_504, %eq3A_505 : i32
    %jit3A_507 = arith.constant 1 : i32
    %select_n3A_508 = arith.select %eq3A_506, %jit3A_507, %jit3A_504 : i32
    %rem3A_509 = arith.remsi %select_n3A_479, %select_n3A_508 : i32
    %ne3A_510 = arith.constant 0 : i32
    %ne3A_511 = arith.cmpi ne, %rem3A_509, %ne3A_510 : i32
    %lt3A_512 = arith.constant 0 : i32
    %lt3A_513 = arith.cmpi slt, %rem3A_509, %lt3A_512 : i32
    %lt3A_514 = arith.constant 0 : i32
    %lt3A_515 = arith.cmpi slt, %select_n3A_508, %lt3A_514 : i32
    %ne3A_516 = arith.xori %lt3A_513, %lt3A_515 : i1
    %and3A_517 = arith.andi %ne3A_516, %ne3A_511 : i1
    %add3A_518 = arith.addi %rem3A_509, %select_n3A_508 : i32
    %select_n3A_519 = arith.select %and3A_517, %add3A_518, %rem3A_509 : i32
    %mul3A_520 = arith.constant 4096 : i32
    %mul3A_521 = arith.muli %select_n3A_463, %mul3A_520 : i32
    %add3A_522 = arith.addi %mul3A_521, %select_n3A_519 : i32
    %mul3A_523 = arith.constant 32 : i32
    %mul3A_524 = arith.muli %select_n3A_503, %mul3A_523 : i32
    %dma_start3A_525 = arith.constant 0 : i32
    %dma_start3A_526 = arith.constant 0 : i32
    %dma_start3A_527 = arith.constant 0 : i32
    %dma_start3A_528 = tpu.memref_slice %arg6[%dma_start3A_525, %dma_start3A_526, %dma_start3A_527] : memref<3x1024x32xf32, #tpu.memory_space<vmem>> -> memref<1x1024x32xf32, #tpu.memory_space<vmem>>
    %dma_start3A_529 = tpu.memref_squeeze %dma_start3A_528 : memref<1x1024x32xf32, #tpu.memory_space<vmem>> -> memref<1024x32xf32, #tpu.memory_space<vmem>>
    %dma_start3A_530 = tpu.memref_slice %arg4[%add3A_522, %mul3A_524] : memref<65536x128xf32, #tpu.memory_space<hbm>> -> memref<1024x32xf32, #tpu.memory_space<hbm>>
    %dma_start3A_531 = tpu.memref_slice %arg4[%add3A_522, %mul3A_524] : memref<65536x128xf32, #tpu.memory_space<hbm>> -> memref<1024x32xf32, #tpu.memory_space<hbm>>
    %dma_start3A_532 = arith.constant 0 : i32
    %dma_start3A_533 = arith.constant 0 : i32
    %dma_start3A_534 = tpu.memref_slice %arg6[%dma_start3A_525, %dma_start3A_532, %dma_start3A_533] : memref<3x1024x32xf32, #tpu.memory_space<vmem>> -> memref<1x1024x32xf32, #tpu.memory_space<vmem>>
    %dma_start3A_535 = tpu.memref_squeeze %dma_start3A_534 : memref<1x1024x32xf32, #tpu.memory_space<vmem>> -> memref<1024x32xf32, #tpu.memory_space<vmem>>
    tpu.enqueue_dma source(%dma_start3A_535 : memref<1024x32xf32, #tpu.memory_space<vmem>>) target(%dma_start3A_531 : memref<1024x32xf32, #tpu.memory_space<hbm>>) target_semaphore(%arg10 : memref<!tpu.dma_semaphore, #tpu.memory_space<semaphore_mem>>)
    %dma_wait3A_536 = arith.constant 0 : i32
    %dma_wait3A_537 = arith.constant 0 : i32
    %dma_wait3A_538 = arith.constant 0 : i32
    %dma_wait3A_539 = tpu.memref_slice %arg6[%dma_wait3A_536, %dma_wait3A_537, %dma_wait3A_538] : memref<3x1024x32xf32, #tpu.memory_space<vmem>> -> memref<1x1024x32xf32, #tpu.memory_space<vmem>>
    %dma_wait3A_540 = tpu.memref_squeeze %dma_wait3A_539 : memref<1x1024x32xf32, #tpu.memory_space<vmem>> -> memref<1024x32xf32, #tpu.memory_space<vmem>>
    %dma_wait3A_541 = tpu.memref_slice %arg4[%add3A_522, %mul3A_524] : memref<65536x128xf32, #tpu.memory_space<hbm>> -> memref<1024x32xf32, #tpu.memory_space<hbm>>
    %dma_wait3A_542 = tpu.memref_slice %arg4[%add3A_522, %mul3A_524] : memref<65536x128xf32, #tpu.memory_space<hbm>> -> memref<1024x32xf32, #tpu.memory_space<hbm>>
    %dma_wait3A_543 = arith.constant 0 : i32
    %dma_wait3A_544 = arith.constant 0 : i32
    %dma_wait3A_545 = tpu.memref_slice %arg6[%dma_wait3A_536, %dma_wait3A_543, %dma_wait3A_544] : memref<3x1024x32xf32, #tpu.memory_space<vmem>> -> memref<1x1024x32xf32, #tpu.memory_space<vmem>>
    %dma_wait3A_546 = tpu.memref_squeeze %dma_wait3A_545 : memref<1x1024x32xf32, #tpu.memory_space<vmem>> -> memref<1024x32xf32, #tpu.memory_space<vmem>>
    tpu.wait_dma2 semaphore(%arg10 : memref<!tpu.dma_semaphore, #tpu.memory_space<semaphore_mem>>) src(%dma_wait3A_546 : memref<1024x32xf32, #tpu.memory_space<vmem>>) dst(%dma_wait3A_542 : memref<1024x32xf32, #tpu.memory_space<hbm>>)
    %dma_start3A_547 = arith.constant 6 : i32
    %dma_start3A_548 = arith.constant 0 : i32
    %dma_start3A_549 = arith.constant 0 : i32
    %dma_start3A_550 = arith.constant 0 : i32
    %dma_start3A_551 = tpu.memref_slice %arg6[%dma_start3A_548, %dma_start3A_549, %dma_start3A_550] : memref<3x1024x32xf32, #tpu.memory_space<vmem>> -> memref<1x1024x32xf32, #tpu.memory_space<vmem>>
    %dma_start3A_552 = tpu.memref_squeeze %dma_start3A_551 : memref<1x1024x32xf32, #tpu.memory_space<vmem>> -> memref<1024x32xf32, #tpu.memory_space<vmem>>
    %dma_start3A_553 = arith.constant 0 : i32
    %dma_start3A_554 = tpu.memref_slice %arg5[%dma_start3A_547, %dma_start3A_553] : memref<8x1024xi32, #tpu.memory_space<vmem>> -> memref<1x1024xi32, #tpu.memory_space<vmem>>
    %dma_start3A_555 = tpu.memref_squeeze %dma_start3A_554 : memref<1x1024xi32, #tpu.memory_space<vmem>> -> memref<1024xi32, #tpu.memory_space<vmem>>
    %dma_start3A_556 = arith.constant 0 : i32
    %dma_start3A_557 = arith.constant 0 : i32
    %dma_start3A_558 = tpu.memref_slice %arg3[%dma_start3A_556, %dma_start3A_557] : memref<1048576x32xf32, #tpu.memory_space<hbm>> -> memref<1048576x32xf32, #tpu.memory_space<hbm>>
    tpu.enqueue_indirect_dma source(%dma_start3A_558 : memref<1048576x32xf32, #tpu.memory_space<hbm>>) target(%dma_start3A_552 : memref<1024x32xf32, #tpu.memory_space<vmem>>) offsets(%dma_start3A_555 : memref<1024xi32, #tpu.memory_space<vmem>>) semaphore(%arg7 : memref<!tpu.dma_semaphore, #tpu.memory_space<semaphore_mem>>)
    %dma_wait3A_559 = arith.constant 4 : i32
    %dma_wait3A_560 = arith.constant 1 : i32
    %dma_wait3A_561 = arith.constant 0 : i32
    %dma_wait3A_562 = arith.constant 0 : i32
    %dma_wait3A_563 = tpu.memref_slice %arg6[%dma_wait3A_560, %dma_wait3A_561, %dma_wait3A_562] : memref<3x1024x32xf32, #tpu.memory_space<vmem>> -> memref<1x1024x32xf32, #tpu.memory_space<vmem>>
    %dma_wait3A_564 = tpu.memref_squeeze %dma_wait3A_563 : memref<1x1024x32xf32, #tpu.memory_space<vmem>> -> memref<1024x32xf32, #tpu.memory_space<vmem>>
    %dma_wait3A_565 = arith.constant 0 : i32
    %dma_wait3A_566 = tpu.memref_slice %arg5[%dma_wait3A_559, %dma_wait3A_565] : memref<8x1024xi32, #tpu.memory_space<vmem>> -> memref<1x1024xi32, #tpu.memory_space<vmem>>
    %dma_wait3A_567 = tpu.memref_squeeze %dma_wait3A_566 : memref<1x1024xi32, #tpu.memory_space<vmem>> -> memref<1024xi32, #tpu.memory_space<vmem>>
    %dma_wait3A_568 = arith.constant 0 : i32
    %dma_wait3A_569 = arith.constant 0 : i32
    %dma_wait3A_570 = tpu.memref_slice %arg3[%dma_wait3A_568, %dma_wait3A_569] : memref<1048576x32xf32, #tpu.memory_space<hbm>> -> memref<1048576x32xf32, #tpu.memory_space<hbm>>
    tpu.wait_indirect_dma semaphore(%arg8 : memref<!tpu.dma_semaphore, #tpu.memory_space<semaphore_mem>>) src(%dma_wait3A_570 : memref<1048576x32xf32, #tpu.memory_space<hbm>>) dst(%dma_wait3A_564 : memref<1024x32xf32, #tpu.memory_space<vmem>>)
    %add3A_571 = arith.constant 4096 : i32
    %add3A_572 = arith.addi %mul3A_2, %add3A_571 : i32
    %jit3A_573 = arith.constant 16384 : i32
    %div3A_574 = arith.divsi %add3A_572, %jit3A_573 : i32
    %sign3A_575 = arith.constant 0 : i32
    %sign3A_576 = arith.cmpi sgt, %add3A_572, %sign3A_575 : i32
    %sign3A_577 = arith.extui %sign3A_576 : i1 to i32
    %sign3A_578 = arith.constant 0 : i32
    %sign3A_579 = arith.cmpi slt, %add3A_572, %sign3A_578 : i32
    %sign3A_580 = arith.extui %sign3A_579 : i1 to i32
    %sign3A_581 = arith.subi %sign3A_577, %sign3A_580 : i32
    %sign3A_582 = arith.constant 0 : i32
    %sign3A_583 = arith.cmpi sgt, %jit3A_573, %sign3A_582 : i32
    %sign3A_584 = arith.extui %sign3A_583 : i1 to i32
    %sign3A_585 = arith.constant 0 : i32
    %sign3A_586 = arith.cmpi slt, %jit3A_573, %sign3A_585 : i32
    %sign3A_587 = arith.extui %sign3A_586 : i1 to i32
    %sign3A_588 = arith.subi %sign3A_584, %sign3A_587 : i32
    %ne3A_589 = arith.cmpi ne, %sign3A_581, %sign3A_588 : i32
    %rem3A_590 = arith.remsi %add3A_572, %jit3A_573 : i32
    %ne3A_591 = arith.constant 0 : i32
    %ne3A_592 = arith.cmpi ne, %rem3A_590, %ne3A_591 : i32
    %and3A_593 = arith.andi %ne3A_589, %ne3A_592 : i1
    %sub3A_594 = arith.constant 1 : i32
    %sub3A_595 = arith.subi %div3A_574, %sub3A_594 : i32
    %select_n3A_596 = arith.select %and3A_593, %sub3A_595, %div3A_574 : i32
    %jit3A_597 = arith.constant 16384 : i32
    %eq3A_598 = arith.constant 0 : i32
    %eq3A_599 = arith.cmpi eq, %jit3A_597, %eq3A_598 : i32
    %jit3A_600 = arith.constant 1 : i32
    %select_n3A_601 = arith.select %eq3A_599, %jit3A_600, %jit3A_597 : i32
    %rem3A_602 = arith.remsi %add3A_572, %select_n3A_601 : i32
    %ne3A_603 = arith.constant 0 : i32
    %ne3A_604 = arith.cmpi ne, %rem3A_602, %ne3A_603 : i32
    %lt3A_605 = arith.constant 0 : i32
    %lt3A_606 = arith.cmpi slt, %rem3A_602, %lt3A_605 : i32
    %lt3A_607 = arith.constant 0 : i32
    %lt3A_608 = arith.cmpi slt, %select_n3A_601, %lt3A_607 : i32
    %ne3A_609 = arith.xori %lt3A_606, %lt3A_608 : i1
    %and3A_610 = arith.andi %ne3A_609, %ne3A_604 : i1
    %add3A_611 = arith.addi %rem3A_602, %select_n3A_601 : i32
    %select_n3A_612 = arith.select %and3A_610, %add3A_611, %rem3A_602 : i32
    %jit3A_613 = arith.constant 4096 : i32
    %div3A_614 = arith.divsi %select_n3A_612, %jit3A_613 : i32
    %sign3A_615 = arith.constant 0 : i32
    %sign3A_616 = arith.cmpi sgt, %select_n3A_612, %sign3A_615 : i32
    %sign3A_617 = arith.extui %sign3A_616 : i1 to i32
    %sign3A_618 = arith.constant 0 : i32
    %sign3A_619 = arith.cmpi slt, %select_n3A_612, %sign3A_618 : i32
    %sign3A_620 = arith.extui %sign3A_619 : i1 to i32
    %sign3A_621 = arith.subi %sign3A_617, %sign3A_620 : i32
    %sign3A_622 = arith.constant 0 : i32
    %sign3A_623 = arith.cmpi sgt, %jit3A_613, %sign3A_622 : i32
    %sign3A_624 = arith.extui %sign3A_623 : i1 to i32
    %sign3A_625 = arith.constant 0 : i32
    %sign3A_626 = arith.cmpi slt, %jit3A_613, %sign3A_625 : i32
    %sign3A_627 = arith.extui %sign3A_626 : i1 to i32
    %sign3A_628 = arith.subi %sign3A_624, %sign3A_627 : i32
    %ne3A_629 = arith.cmpi ne, %sign3A_621, %sign3A_628 : i32
    %rem3A_630 = arith.remsi %select_n3A_612, %jit3A_613 : i32
    %ne3A_631 = arith.constant 0 : i32
    %ne3A_632 = arith.cmpi ne, %rem3A_630, %ne3A_631 : i32
    %and3A_633 = arith.andi %ne3A_629, %ne3A_632 : i1
    %sub3A_634 = arith.constant 1 : i32
    %sub3A_635 = arith.subi %div3A_614, %sub3A_634 : i32
    %select_n3A_636 = arith.select %and3A_633, %sub3A_635, %div3A_614 : i32
    %jit3A_637 = arith.constant 4096 : i32
    %eq3A_638 = arith.constant 0 : i32
    %eq3A_639 = arith.cmpi eq, %jit3A_637, %eq3A_638 : i32
    %jit3A_640 = arith.constant 1 : i32
    %select_n3A_641 = arith.select %eq3A_639, %jit3A_640, %jit3A_637 : i32
    %rem3A_642 = arith.remsi %select_n3A_612, %select_n3A_641 : i32
    %ne3A_643 = arith.constant 0 : i32
    %ne3A_644 = arith.cmpi ne, %rem3A_642, %ne3A_643 : i32
    %lt3A_645 = arith.constant 0 : i32
    %lt3A_646 = arith.cmpi slt, %rem3A_642, %lt3A_645 : i32
    %lt3A_647 = arith.constant 0 : i32
    %lt3A_648 = arith.cmpi slt, %select_n3A_641, %lt3A_647 : i32
    %ne3A_649 = arith.xori %lt3A_646, %lt3A_648 : i1
    %and3A_650 = arith.andi %ne3A_649, %ne3A_644 : i1
    %add3A_651 = arith.addi %rem3A_642, %select_n3A_641 : i32
    %select_n3A_652 = arith.select %and3A_650, %add3A_651, %rem3A_642 : i32
    %mul3A_653 = arith.constant 4096 : i32
    %mul3A_654 = arith.muli %select_n3A_596, %mul3A_653 : i32
    %add3A_655 = arith.addi %mul3A_654, %select_n3A_652 : i32
    %mul3A_656 = arith.constant 32 : i32
    %mul3A_657 = arith.muli %select_n3A_636, %mul3A_656 : i32
    %dma_start3A_658 = arith.constant 1 : i32
    %dma_start3A_659 = arith.constant 0 : i32
    %dma_start3A_660 = arith.constant 0 : i32
    %dma_start3A_661 = tpu.memref_slice %arg6[%dma_start3A_658, %dma_start3A_659, %dma_start3A_660] : memref<3x1024x32xf32, #tpu.memory_space<vmem>> -> memref<1x1024x32xf32, #tpu.memory_space<vmem>>
    %dma_start3A_662 = tpu.memref_squeeze %dma_start3A_661 : memref<1x1024x32xf32, #tpu.memory_space<vmem>> -> memref<1024x32xf32, #tpu.memory_space<vmem>>
    %dma_start3A_663 = tpu.memref_slice %arg4[%add3A_655, %mul3A_657] : memref<65536x128xf32, #tpu.memory_space<hbm>> -> memref<1024x32xf32, #tpu.memory_space<hbm>>
    %dma_start3A_664 = tpu.memref_slice %arg4[%add3A_655, %mul3A_657] : memref<65536x128xf32, #tpu.memory_space<hbm>> -> memref<1024x32xf32, #tpu.memory_space<hbm>>
    %dma_start3A_665 = arith.constant 0 : i32
    %dma_start3A_666 = arith.constant 0 : i32
    %dma_start3A_667 = tpu.memref_slice %arg6[%dma_start3A_658, %dma_start3A_665, %dma_start3A_666] : memref<3x1024x32xf32, #tpu.memory_space<vmem>> -> memref<1x1024x32xf32, #tpu.memory_space<vmem>>
    %dma_start3A_668 = tpu.memref_squeeze %dma_start3A_667 : memref<1x1024x32xf32, #tpu.memory_space<vmem>> -> memref<1024x32xf32, #tpu.memory_space<vmem>>
    tpu.enqueue_dma source(%dma_start3A_668 : memref<1024x32xf32, #tpu.memory_space<vmem>>) target(%dma_start3A_664 : memref<1024x32xf32, #tpu.memory_space<hbm>>) target_semaphore(%arg11 : memref<!tpu.dma_semaphore, #tpu.memory_space<semaphore_mem>>)
    %dma_wait3A_669 = arith.constant 1 : i32
    %dma_wait3A_670 = arith.constant 0 : i32
    %dma_wait3A_671 = arith.constant 0 : i32
    %dma_wait3A_672 = tpu.memref_slice %arg6[%dma_wait3A_669, %dma_wait3A_670, %dma_wait3A_671] : memref<3x1024x32xf32, #tpu.memory_space<vmem>> -> memref<1x1024x32xf32, #tpu.memory_space<vmem>>
    %dma_wait3A_673 = tpu.memref_squeeze %dma_wait3A_672 : memref<1x1024x32xf32, #tpu.memory_space<vmem>> -> memref<1024x32xf32, #tpu.memory_space<vmem>>
    %dma_wait3A_674 = tpu.memref_slice %arg4[%add3A_655, %mul3A_657] : memref<65536x128xf32, #tpu.memory_space<hbm>> -> memref<1024x32xf32, #tpu.memory_space<hbm>>
    %dma_wait3A_675 = tpu.memref_slice %arg4[%add3A_655, %mul3A_657] : memref<65536x128xf32, #tpu.memory_space<hbm>> -> memref<1024x32xf32, #tpu.memory_space<hbm>>
    %dma_wait3A_676 = arith.constant 0 : i32
    %dma_wait3A_677 = arith.constant 0 : i32
    %dma_wait3A_678 = tpu.memref_slice %arg6[%dma_wait3A_669, %dma_wait3A_676, %dma_wait3A_677] : memref<3x1024x32xf32, #tpu.memory_space<vmem>> -> memref<1x1024x32xf32, #tpu.memory_space<vmem>>
    %dma_wait3A_679 = tpu.memref_squeeze %dma_wait3A_678 : memref<1x1024x32xf32, #tpu.memory_space<vmem>> -> memref<1024x32xf32, #tpu.memory_space<vmem>>
    tpu.wait_dma2 semaphore(%arg11 : memref<!tpu.dma_semaphore, #tpu.memory_space<semaphore_mem>>) src(%dma_wait3A_679 : memref<1024x32xf32, #tpu.memory_space<vmem>>) dst(%dma_wait3A_675 : memref<1024x32xf32, #tpu.memory_space<hbm>>)
    %dma_start3A_680 = arith.constant 7 : i32
    %dma_start3A_681 = arith.constant 1 : i32
    %dma_start3A_682 = arith.constant 0 : i32
    %dma_start3A_683 = arith.constant 0 : i32
    %dma_start3A_684 = tpu.memref_slice %arg6[%dma_start3A_681, %dma_start3A_682, %dma_start3A_683] : memref<3x1024x32xf32, #tpu.memory_space<vmem>> -> memref<1x1024x32xf32, #tpu.memory_space<vmem>>
    %dma_start3A_685 = tpu.memref_squeeze %dma_start3A_684 : memref<1x1024x32xf32, #tpu.memory_space<vmem>> -> memref<1024x32xf32, #tpu.memory_space<vmem>>
    %dma_start3A_686 = arith.constant 0 : i32
    %dma_start3A_687 = tpu.memref_slice %arg5[%dma_start3A_680, %dma_start3A_686] : memref<8x1024xi32, #tpu.memory_space<vmem>> -> memref<1x1024xi32, #tpu.memory_space<vmem>>
    %dma_start3A_688 = tpu.memref_squeeze %dma_start3A_687 : memref<1x1024xi32, #tpu.memory_space<vmem>> -> memref<1024xi32, #tpu.memory_space<vmem>>
    %dma_start3A_689 = arith.constant 0 : i32
    %dma_start3A_690 = arith.constant 0 : i32
    %dma_start3A_691 = tpu.memref_slice %arg3[%dma_start3A_689, %dma_start3A_690] : memref<1048576x32xf32, #tpu.memory_space<hbm>> -> memref<1048576x32xf32, #tpu.memory_space<hbm>>
    tpu.enqueue_indirect_dma source(%dma_start3A_691 : memref<1048576x32xf32, #tpu.memory_space<hbm>>) target(%dma_start3A_685 : memref<1024x32xf32, #tpu.memory_space<vmem>>) offsets(%dma_start3A_688 : memref<1024xi32, #tpu.memory_space<vmem>>) semaphore(%arg8 : memref<!tpu.dma_semaphore, #tpu.memory_space<semaphore_mem>>)
    %dma_wait3A_692 = arith.constant 5 : i32
    %dma_wait3A_693 = arith.constant 2 : i32
    %dma_wait3A_694 = arith.constant 0 : i32
    %dma_wait3A_695 = arith.constant 0 : i32
    %dma_wait3A_696 = tpu.memref_slice %arg6[%dma_wait3A_693, %dma_wait3A_694, %dma_wait3A_695] : memref<3x1024x32xf32, #tpu.memory_space<vmem>> -> memref<1x1024x32xf32, #tpu.memory_space<vmem>>
    %dma_wait3A_697 = tpu.memref_squeeze %dma_wait3A_696 : memref<1x1024x32xf32, #tpu.memory_space<vmem>> -> memref<1024x32xf32, #tpu.memory_space<vmem>>
    %dma_wait3A_698 = arith.constant 0 : i32
    %dma_wait3A_699 = tpu.memref_slice %arg5[%dma_wait3A_692, %dma_wait3A_698] : memref<8x1024xi32, #tpu.memory_space<vmem>> -> memref<1x1024xi32, #tpu.memory_space<vmem>>
    %dma_wait3A_700 = tpu.memref_squeeze %dma_wait3A_699 : memref<1x1024xi32, #tpu.memory_space<vmem>> -> memref<1024xi32, #tpu.memory_space<vmem>>
    %dma_wait3A_701 = arith.constant 0 : i32
    %dma_wait3A_702 = arith.constant 0 : i32
    %dma_wait3A_703 = tpu.memref_slice %arg3[%dma_wait3A_701, %dma_wait3A_702] : memref<1048576x32xf32, #tpu.memory_space<hbm>> -> memref<1048576x32xf32, #tpu.memory_space<hbm>>
    tpu.wait_indirect_dma semaphore(%arg9 : memref<!tpu.dma_semaphore, #tpu.memory_space<semaphore_mem>>) src(%dma_wait3A_703 : memref<1048576x32xf32, #tpu.memory_space<hbm>>) dst(%dma_wait3A_697 : memref<1024x32xf32, #tpu.memory_space<vmem>>)
    %add3A_704 = arith.constant 5120 : i32
    %add3A_705 = arith.addi %mul3A_2, %add3A_704 : i32
    %jit3A_706 = arith.constant 16384 : i32
    %div3A_707 = arith.divsi %add3A_705, %jit3A_706 : i32
    %sign3A_708 = arith.constant 0 : i32
    %sign3A_709 = arith.cmpi sgt, %add3A_705, %sign3A_708 : i32
    %sign3A_710 = arith.extui %sign3A_709 : i1 to i32
    %sign3A_711 = arith.constant 0 : i32
    %sign3A_712 = arith.cmpi slt, %add3A_705, %sign3A_711 : i32
    %sign3A_713 = arith.extui %sign3A_712 : i1 to i32
    %sign3A_714 = arith.subi %sign3A_710, %sign3A_713 : i32
    %sign3A_715 = arith.constant 0 : i32
    %sign3A_716 = arith.cmpi sgt, %jit3A_706, %sign3A_715 : i32
    %sign3A_717 = arith.extui %sign3A_716 : i1 to i32
    %sign3A_718 = arith.constant 0 : i32
    %sign3A_719 = arith.cmpi slt, %jit3A_706, %sign3A_718 : i32
    %sign3A_720 = arith.extui %sign3A_719 : i1 to i32
    %sign3A_721 = arith.subi %sign3A_717, %sign3A_720 : i32
    %ne3A_722 = arith.cmpi ne, %sign3A_714, %sign3A_721 : i32
    %rem3A_723 = arith.remsi %add3A_705, %jit3A_706 : i32
    %ne3A_724 = arith.constant 0 : i32
    %ne3A_725 = arith.cmpi ne, %rem3A_723, %ne3A_724 : i32
    %and3A_726 = arith.andi %ne3A_722, %ne3A_725 : i1
    %sub3A_727 = arith.constant 1 : i32
    %sub3A_728 = arith.subi %div3A_707, %sub3A_727 : i32
    %select_n3A_729 = arith.select %and3A_726, %sub3A_728, %div3A_707 : i32
    %jit3A_730 = arith.constant 16384 : i32
    %eq3A_731 = arith.constant 0 : i32
    %eq3A_732 = arith.cmpi eq, %jit3A_730, %eq3A_731 : i32
    %jit3A_733 = arith.constant 1 : i32
    %select_n3A_734 = arith.select %eq3A_732, %jit3A_733, %jit3A_730 : i32
    %rem3A_735 = arith.remsi %add3A_705, %select_n3A_734 : i32
    %ne3A_736 = arith.constant 0 : i32
    %ne3A_737 = arith.cmpi ne, %rem3A_735, %ne3A_736 : i32
    %lt3A_738 = arith.constant 0 : i32
    %lt3A_739 = arith.cmpi slt, %rem3A_735, %lt3A_738 : i32
    %lt3A_740 = arith.constant 0 : i32
    %lt3A_741 = arith.cmpi slt, %select_n3A_734, %lt3A_740 : i32
    %ne3A_742 = arith.xori %lt3A_739, %lt3A_741 : i1
    %and3A_743 = arith.andi %ne3A_742, %ne3A_737 : i1
    %add3A_744 = arith.addi %rem3A_735, %select_n3A_734 : i32
    %select_n3A_745 = arith.select %and3A_743, %add3A_744, %rem3A_735 : i32
    %jit3A_746 = arith.constant 4096 : i32
    %div3A_747 = arith.divsi %select_n3A_745, %jit3A_746 : i32
    %sign3A_748 = arith.constant 0 : i32
    %sign3A_749 = arith.cmpi sgt, %select_n3A_745, %sign3A_748 : i32
    %sign3A_750 = arith.extui %sign3A_749 : i1 to i32
    %sign3A_751 = arith.constant 0 : i32
    %sign3A_752 = arith.cmpi slt, %select_n3A_745, %sign3A_751 : i32
    %sign3A_753 = arith.extui %sign3A_752 : i1 to i32
    %sign3A_754 = arith.subi %sign3A_750, %sign3A_753 : i32
    %sign3A_755 = arith.constant 0 : i32
    %sign3A_756 = arith.cmpi sgt, %jit3A_746, %sign3A_755 : i32
    %sign3A_757 = arith.extui %sign3A_756 : i1 to i32
    %sign3A_758 = arith.constant 0 : i32
    %sign3A_759 = arith.cmpi slt, %jit3A_746, %sign3A_758 : i32
    %sign3A_760 = arith.extui %sign3A_759 : i1 to i32
    %sign3A_761 = arith.subi %sign3A_757, %sign3A_760 : i32
    %ne3A_762 = arith.cmpi ne, %sign3A_754, %sign3A_761 : i32
    %rem3A_763 = arith.remsi %select_n3A_745, %jit3A_746 : i32
    %ne3A_764 = arith.constant 0 : i32
    %ne3A_765 = arith.cmpi ne, %rem3A_763, %ne3A_764 : i32
    %and3A_766 = arith.andi %ne3A_762, %ne3A_765 : i1
    %sub3A_767 = arith.constant 1 : i32
    %sub3A_768 = arith.subi %div3A_747, %sub3A_767 : i32
    %select_n3A_769 = arith.select %and3A_766, %sub3A_768, %div3A_747 : i32
    %jit3A_770 = arith.constant 4096 : i32
    %eq3A_771 = arith.constant 0 : i32
    %eq3A_772 = arith.cmpi eq, %jit3A_770, %eq3A_771 : i32
    %jit3A_773 = arith.constant 1 : i32
    %select_n3A_774 = arith.select %eq3A_772, %jit3A_773, %jit3A_770 : i32
    %rem3A_775 = arith.remsi %select_n3A_745, %select_n3A_774 : i32
    %ne3A_776 = arith.constant 0 : i32
    %ne3A_777 = arith.cmpi ne, %rem3A_775, %ne3A_776 : i32
    %lt3A_778 = arith.constant 0 : i32
    %lt3A_779 = arith.cmpi slt, %rem3A_775, %lt3A_778 : i32
    %lt3A_780 = arith.constant 0 : i32
    %lt3A_781 = arith.cmpi slt, %select_n3A_774, %lt3A_780 : i32
    %ne3A_782 = arith.xori %lt3A_779, %lt3A_781 : i1
    %and3A_783 = arith.andi %ne3A_782, %ne3A_777 : i1
    %add3A_784 = arith.addi %rem3A_775, %select_n3A_774 : i32
    %select_n3A_785 = arith.select %and3A_783, %add3A_784, %rem3A_775 : i32
    %mul3A_786 = arith.constant 4096 : i32
    %mul3A_787 = arith.muli %select_n3A_729, %mul3A_786 : i32
    %add3A_788 = arith.addi %mul3A_787, %select_n3A_785 : i32
    %mul3A_789 = arith.constant 32 : i32
    %mul3A_790 = arith.muli %select_n3A_769, %mul3A_789 : i32
    %dma_start3A_791 = arith.constant 2 : i32
    %dma_start3A_792 = arith.constant 0 : i32
    %dma_start3A_793 = arith.constant 0 : i32
    %dma_start3A_794 = tpu.memref_slice %arg6[%dma_start3A_791, %dma_start3A_792, %dma_start3A_793] : memref<3x1024x32xf32, #tpu.memory_space<vmem>> -> memref<1x1024x32xf32, #tpu.memory_space<vmem>>
    %dma_start3A_795 = tpu.memref_squeeze %dma_start3A_794 : memref<1x1024x32xf32, #tpu.memory_space<vmem>> -> memref<1024x32xf32, #tpu.memory_space<vmem>>
    %dma_start3A_796 = tpu.memref_slice %arg4[%add3A_788, %mul3A_790] : memref<65536x128xf32, #tpu.memory_space<hbm>> -> memref<1024x32xf32, #tpu.memory_space<hbm>>
    %dma_start3A_797 = tpu.memref_slice %arg4[%add3A_788, %mul3A_790] : memref<65536x128xf32, #tpu.memory_space<hbm>> -> memref<1024x32xf32, #tpu.memory_space<hbm>>
    %dma_start3A_798 = arith.constant 0 : i32
    %dma_start3A_799 = arith.constant 0 : i32
    %dma_start3A_800 = tpu.memref_slice %arg6[%dma_start3A_791, %dma_start3A_798, %dma_start3A_799] : memref<3x1024x32xf32, #tpu.memory_space<vmem>> -> memref<1x1024x32xf32, #tpu.memory_space<vmem>>
    %dma_start3A_801 = tpu.memref_squeeze %dma_start3A_800 : memref<1x1024x32xf32, #tpu.memory_space<vmem>> -> memref<1024x32xf32, #tpu.memory_space<vmem>>
    tpu.enqueue_dma source(%dma_start3A_801 : memref<1024x32xf32, #tpu.memory_space<vmem>>) target(%dma_start3A_797 : memref<1024x32xf32, #tpu.memory_space<hbm>>) target_semaphore(%arg12 : memref<!tpu.dma_semaphore, #tpu.memory_space<semaphore_mem>>)
    %dma_wait3A_802 = arith.constant 2 : i32
    %dma_wait3A_803 = arith.constant 0 : i32
    %dma_wait3A_804 = arith.constant 0 : i32
    %dma_wait3A_805 = tpu.memref_slice %arg6[%dma_wait3A_802, %dma_wait3A_803, %dma_wait3A_804] : memref<3x1024x32xf32, #tpu.memory_space<vmem>> -> memref<1x1024x32xf32, #tpu.memory_space<vmem>>
    %dma_wait3A_806 = tpu.memref_squeeze %dma_wait3A_805 : memref<1x1024x32xf32, #tpu.memory_space<vmem>> -> memref<1024x32xf32, #tpu.memory_space<vmem>>
    %dma_wait3A_807 = tpu.memref_slice %arg4[%add3A_788, %mul3A_790] : memref<65536x128xf32, #tpu.memory_space<hbm>> -> memref<1024x32xf32, #tpu.memory_space<hbm>>
    %dma_wait3A_808 = tpu.memref_slice %arg4[%add3A_788, %mul3A_790] : memref<65536x128xf32, #tpu.memory_space<hbm>> -> memref<1024x32xf32, #tpu.memory_space<hbm>>
    %dma_wait3A_809 = arith.constant 0 : i32
    %dma_wait3A_810 = arith.constant 0 : i32
    %dma_wait3A_811 = tpu.memref_slice %arg6[%dma_wait3A_802, %dma_wait3A_809, %dma_wait3A_810] : memref<3x1024x32xf32, #tpu.memory_space<vmem>> -> memref<1x1024x32xf32, #tpu.memory_space<vmem>>
    %dma_wait3A_812 = tpu.memref_squeeze %dma_wait3A_811 : memref<1x1024x32xf32, #tpu.memory_space<vmem>> -> memref<1024x32xf32, #tpu.memory_space<vmem>>
    tpu.wait_dma2 semaphore(%arg12 : memref<!tpu.dma_semaphore, #tpu.memory_space<semaphore_mem>>) src(%dma_wait3A_812 : memref<1024x32xf32, #tpu.memory_space<vmem>>) dst(%dma_wait3A_808 : memref<1024x32xf32, #tpu.memory_space<hbm>>)
    %dma_wait3A_813 = arith.constant 6 : i32
    %dma_wait3A_814 = arith.constant 0 : i32
    %dma_wait3A_815 = arith.constant 0 : i32
    %dma_wait3A_816 = arith.constant 0 : i32
    %dma_wait3A_817 = tpu.memref_slice %arg6[%dma_wait3A_814, %dma_wait3A_815, %dma_wait3A_816] : memref<3x1024x32xf32, #tpu.memory_space<vmem>> -> memref<1x1024x32xf32, #tpu.memory_space<vmem>>
    %dma_wait3A_818 = tpu.memref_squeeze %dma_wait3A_817 : memref<1x1024x32xf32, #tpu.memory_space<vmem>> -> memref<1024x32xf32, #tpu.memory_space<vmem>>
    %dma_wait3A_819 = arith.constant 0 : i32
    %dma_wait3A_820 = tpu.memref_slice %arg5[%dma_wait3A_813, %dma_wait3A_819] : memref<8x1024xi32, #tpu.memory_space<vmem>> -> memref<1x1024xi32, #tpu.memory_space<vmem>>
    %dma_wait3A_821 = tpu.memref_squeeze %dma_wait3A_820 : memref<1x1024xi32, #tpu.memory_space<vmem>> -> memref<1024xi32, #tpu.memory_space<vmem>>
    %dma_wait3A_822 = arith.constant 0 : i32
    %dma_wait3A_823 = arith.constant 0 : i32
    %dma_wait3A_824 = tpu.memref_slice %arg3[%dma_wait3A_822, %dma_wait3A_823] : memref<1048576x32xf32, #tpu.memory_space<hbm>> -> memref<1048576x32xf32, #tpu.memory_space<hbm>>
    tpu.wait_indirect_dma semaphore(%arg7 : memref<!tpu.dma_semaphore, #tpu.memory_space<semaphore_mem>>) src(%dma_wait3A_824 : memref<1048576x32xf32, #tpu.memory_space<hbm>>) dst(%dma_wait3A_818 : memref<1024x32xf32, #tpu.memory_space<vmem>>)
    %add3A_825 = arith.constant 6144 : i32
    %add3A_826 = arith.addi %mul3A_2, %add3A_825 : i32
    %jit3A_827 = arith.constant 16384 : i32
    %div3A_828 = arith.divsi %add3A_826, %jit3A_827 : i32
    %sign3A_829 = arith.constant 0 : i32
    %sign3A_830 = arith.cmpi sgt, %add3A_826, %sign3A_829 : i32
    %sign3A_831 = arith.extui %sign3A_830 : i1 to i32
    %sign3A_832 = arith.constant 0 : i32
    %sign3A_833 = arith.cmpi slt, %add3A_826, %sign3A_832 : i32
    %sign3A_834 = arith.extui %sign3A_833 : i1 to i32
    %sign3A_835 = arith.subi %sign3A_831, %sign3A_834 : i32
    %sign3A_836 = arith.constant 0 : i32
    %sign3A_837 = arith.cmpi sgt, %jit3A_827, %sign3A_836 : i32
    %sign3A_838 = arith.extui %sign3A_837 : i1 to i32
    %sign3A_839 = arith.constant 0 : i32
    %sign3A_840 = arith.cmpi slt, %jit3A_827, %sign3A_839 : i32
    %sign3A_841 = arith.extui %sign3A_840 : i1 to i32
    %sign3A_842 = arith.subi %sign3A_838, %sign3A_841 : i32
    %ne3A_843 = arith.cmpi ne, %sign3A_835, %sign3A_842 : i32
    %rem3A_844 = arith.remsi %add3A_826, %jit3A_827 : i32
    %ne3A_845 = arith.constant 0 : i32
    %ne3A_846 = arith.cmpi ne, %rem3A_844, %ne3A_845 : i32
    %and3A_847 = arith.andi %ne3A_843, %ne3A_846 : i1
    %sub3A_848 = arith.constant 1 : i32
    %sub3A_849 = arith.subi %div3A_828, %sub3A_848 : i32
    %select_n3A_850 = arith.select %and3A_847, %sub3A_849, %div3A_828 : i32
    %jit3A_851 = arith.constant 16384 : i32
    %eq3A_852 = arith.constant 0 : i32
    %eq3A_853 = arith.cmpi eq, %jit3A_851, %eq3A_852 : i32
    %jit3A_854 = arith.constant 1 : i32
    %select_n3A_855 = arith.select %eq3A_853, %jit3A_854, %jit3A_851 : i32
    %rem3A_856 = arith.remsi %add3A_826, %select_n3A_855 : i32
    %ne3A_857 = arith.constant 0 : i32
    %ne3A_858 = arith.cmpi ne, %rem3A_856, %ne3A_857 : i32
    %lt3A_859 = arith.constant 0 : i32
    %lt3A_860 = arith.cmpi slt, %rem3A_856, %lt3A_859 : i32
    %lt3A_861 = arith.constant 0 : i32
    %lt3A_862 = arith.cmpi slt, %select_n3A_855, %lt3A_861 : i32
    %ne3A_863 = arith.xori %lt3A_860, %lt3A_862 : i1
    %and3A_864 = arith.andi %ne3A_863, %ne3A_858 : i1
    %add3A_865 = arith.addi %rem3A_856, %select_n3A_855 : i32
    %select_n3A_866 = arith.select %and3A_864, %add3A_865, %rem3A_856 : i32
    %jit3A_867 = arith.constant 4096 : i32
    %div3A_868 = arith.divsi %select_n3A_866, %jit3A_867 : i32
    %sign3A_869 = arith.constant 0 : i32
    %sign3A_870 = arith.cmpi sgt, %select_n3A_866, %sign3A_869 : i32
    %sign3A_871 = arith.extui %sign3A_870 : i1 to i32
    %sign3A_872 = arith.constant 0 : i32
    %sign3A_873 = arith.cmpi slt, %select_n3A_866, %sign3A_872 : i32
    %sign3A_874 = arith.extui %sign3A_873 : i1 to i32
    %sign3A_875 = arith.subi %sign3A_871, %sign3A_874 : i32
    %sign3A_876 = arith.constant 0 : i32
    %sign3A_877 = arith.cmpi sgt, %jit3A_867, %sign3A_876 : i32
    %sign3A_878 = arith.extui %sign3A_877 : i1 to i32
    %sign3A_879 = arith.constant 0 : i32
    %sign3A_880 = arith.cmpi slt, %jit3A_867, %sign3A_879 : i32
    %sign3A_881 = arith.extui %sign3A_880 : i1 to i32
    %sign3A_882 = arith.subi %sign3A_878, %sign3A_881 : i32
    %ne3A_883 = arith.cmpi ne, %sign3A_875, %sign3A_882 : i32
    %rem3A_884 = arith.remsi %select_n3A_866, %jit3A_867 : i32
    %ne3A_885 = arith.constant 0 : i32
    %ne3A_886 = arith.cmpi ne, %rem3A_884, %ne3A_885 : i32
    %and3A_887 = arith.andi %ne3A_883, %ne3A_886 : i1
    %sub3A_888 = arith.constant 1 : i32
    %sub3A_889 = arith.subi %div3A_868, %sub3A_888 : i32
    %select_n3A_890 = arith.select %and3A_887, %sub3A_889, %div3A_868 : i32
    %jit3A_891 = arith.constant 4096 : i32
    %eq3A_892 = arith.constant 0 : i32
    %eq3A_893 = arith.cmpi eq, %jit3A_891, %eq3A_892 : i32
    %jit3A_894 = arith.constant 1 : i32
    %select_n3A_895 = arith.select %eq3A_893, %jit3A_894, %jit3A_891 : i32
    %rem3A_896 = arith.remsi %select_n3A_866, %select_n3A_895 : i32
    %ne3A_897 = arith.constant 0 : i32
    %ne3A_898 = arith.cmpi ne, %rem3A_896, %ne3A_897 : i32
    %lt3A_899 = arith.constant 0 : i32
    %lt3A_900 = arith.cmpi slt, %rem3A_896, %lt3A_899 : i32
    %lt3A_901 = arith.constant 0 : i32
    %lt3A_902 = arith.cmpi slt, %select_n3A_895, %lt3A_901 : i32
    %ne3A_903 = arith.xori %lt3A_900, %lt3A_902 : i1
    %and3A_904 = arith.andi %ne3A_903, %ne3A_898 : i1
    %add3A_905 = arith.addi %rem3A_896, %select_n3A_895 : i32
    %select_n3A_906 = arith.select %and3A_904, %add3A_905, %rem3A_896 : i32
    %mul3A_907 = arith.constant 4096 : i32
    %mul3A_908 = arith.muli %select_n3A_850, %mul3A_907 : i32
    %add3A_909 = arith.addi %mul3A_908, %select_n3A_906 : i32
    %mul3A_910 = arith.constant 32 : i32
    %mul3A_911 = arith.muli %select_n3A_890, %mul3A_910 : i32
    %dma_start3A_912 = arith.constant 0 : i32
    %dma_start3A_913 = arith.constant 0 : i32
    %dma_start3A_914 = arith.constant 0 : i32
    %dma_start3A_915 = tpu.memref_slice %arg6[%dma_start3A_912, %dma_start3A_913, %dma_start3A_914] : memref<3x1024x32xf32, #tpu.memory_space<vmem>> -> memref<1x1024x32xf32, #tpu.memory_space<vmem>>
    %dma_start3A_916 = tpu.memref_squeeze %dma_start3A_915 : memref<1x1024x32xf32, #tpu.memory_space<vmem>> -> memref<1024x32xf32, #tpu.memory_space<vmem>>
    %dma_start3A_917 = tpu.memref_slice %arg4[%add3A_909, %mul3A_911] : memref<65536x128xf32, #tpu.memory_space<hbm>> -> memref<1024x32xf32, #tpu.memory_space<hbm>>
    %dma_start3A_918 = tpu.memref_slice %arg4[%add3A_909, %mul3A_911] : memref<65536x128xf32, #tpu.memory_space<hbm>> -> memref<1024x32xf32, #tpu.memory_space<hbm>>
    %dma_start3A_919 = arith.constant 0 : i32
    %dma_start3A_920 = arith.constant 0 : i32
    %dma_start3A_921 = tpu.memref_slice %arg6[%dma_start3A_912, %dma_start3A_919, %dma_start3A_920] : memref<3x1024x32xf32, #tpu.memory_space<vmem>> -> memref<1x1024x32xf32, #tpu.memory_space<vmem>>
    %dma_start3A_922 = tpu.memref_squeeze %dma_start3A_921 : memref<1x1024x32xf32, #tpu.memory_space<vmem>> -> memref<1024x32xf32, #tpu.memory_space<vmem>>
    tpu.enqueue_dma source(%dma_start3A_922 : memref<1024x32xf32, #tpu.memory_space<vmem>>) target(%dma_start3A_918 : memref<1024x32xf32, #tpu.memory_space<hbm>>) target_semaphore(%arg10 : memref<!tpu.dma_semaphore, #tpu.memory_space<semaphore_mem>>)
    %dma_wait3A_923 = arith.constant 0 : i32
    %dma_wait3A_924 = arith.constant 0 : i32
    %dma_wait3A_925 = arith.constant 0 : i32
    %dma_wait3A_926 = tpu.memref_slice %arg6[%dma_wait3A_923, %dma_wait3A_924, %dma_wait3A_925] : memref<3x1024x32xf32, #tpu.memory_space<vmem>> -> memref<1x1024x32xf32, #tpu.memory_space<vmem>>
    %dma_wait3A_927 = tpu.memref_squeeze %dma_wait3A_926 : memref<1x1024x32xf32, #tpu.memory_space<vmem>> -> memref<1024x32xf32, #tpu.memory_space<vmem>>
    %dma_wait3A_928 = tpu.memref_slice %arg4[%add3A_909, %mul3A_911] : memref<65536x128xf32, #tpu.memory_space<hbm>> -> memref<1024x32xf32, #tpu.memory_space<hbm>>
    %dma_wait3A_929 = tpu.memref_slice %arg4[%add3A_909, %mul3A_911] : memref<65536x128xf32, #tpu.memory_space<hbm>> -> memref<1024x32xf32, #tpu.memory_space<hbm>>
    %dma_wait3A_930 = arith.constant 0 : i32
    %dma_wait3A_931 = arith.constant 0 : i32
    %dma_wait3A_932 = tpu.memref_slice %arg6[%dma_wait3A_923, %dma_wait3A_930, %dma_wait3A_931] : memref<3x1024x32xf32, #tpu.memory_space<vmem>> -> memref<1x1024x32xf32, #tpu.memory_space<vmem>>
    %dma_wait3A_933 = tpu.memref_squeeze %dma_wait3A_932 : memref<1x1024x32xf32, #tpu.memory_space<vmem>> -> memref<1024x32xf32, #tpu.memory_space<vmem>>
    tpu.wait_dma2 semaphore(%arg10 : memref<!tpu.dma_semaphore, #tpu.memory_space<semaphore_mem>>) src(%dma_wait3A_933 : memref<1024x32xf32, #tpu.memory_space<vmem>>) dst(%dma_wait3A_929 : memref<1024x32xf32, #tpu.memory_space<hbm>>)
    %dma_wait3A_934 = arith.constant 7 : i32
    %dma_wait3A_935 = arith.constant 1 : i32
    %dma_wait3A_936 = arith.constant 0 : i32
    %dma_wait3A_937 = arith.constant 0 : i32
    %dma_wait3A_938 = tpu.memref_slice %arg6[%dma_wait3A_935, %dma_wait3A_936, %dma_wait3A_937] : memref<3x1024x32xf32, #tpu.memory_space<vmem>> -> memref<1x1024x32xf32, #tpu.memory_space<vmem>>
    %dma_wait3A_939 = tpu.memref_squeeze %dma_wait3A_938 : memref<1x1024x32xf32, #tpu.memory_space<vmem>> -> memref<1024x32xf32, #tpu.memory_space<vmem>>
    %dma_wait3A_940 = arith.constant 0 : i32
    %dma_wait3A_941 = tpu.memref_slice %arg5[%dma_wait3A_934, %dma_wait3A_940] : memref<8x1024xi32, #tpu.memory_space<vmem>> -> memref<1x1024xi32, #tpu.memory_space<vmem>>
    %dma_wait3A_942 = tpu.memref_squeeze %dma_wait3A_941 : memref<1x1024xi32, #tpu.memory_space<vmem>> -> memref<1024xi32, #tpu.memory_space<vmem>>
    %dma_wait3A_943 = arith.constant 0 : i32
    %dma_wait3A_944 = arith.constant 0 : i32
    %dma_wait3A_945 = tpu.memref_slice %arg3[%dma_wait3A_943, %dma_wait3A_944] : memref<1048576x32xf32, #tpu.memory_space<hbm>> -> memref<1048576x32xf32, #tpu.memory_space<hbm>>
    tpu.wait_indirect_dma semaphore(%arg8 : memref<!tpu.dma_semaphore, #tpu.memory_space<semaphore_mem>>) src(%dma_wait3A_945 : memref<1048576x32xf32, #tpu.memory_space<hbm>>) dst(%dma_wait3A_939 : memref<1024x32xf32, #tpu.memory_space<vmem>>)
    %add3A_946 = arith.constant 7168 : i32
    %add3A_947 = arith.addi %mul3A_2, %add3A_946 : i32
    %jit3A_948 = arith.constant 16384 : i32
    %div3A_949 = arith.divsi %add3A_947, %jit3A_948 : i32
    %sign3A_950 = arith.constant 0 : i32
    %sign3A_951 = arith.cmpi sgt, %add3A_947, %sign3A_950 : i32
    %sign3A_952 = arith.extui %sign3A_951 : i1 to i32
    %sign3A_953 = arith.constant 0 : i32
    %sign3A_954 = arith.cmpi slt, %add3A_947, %sign3A_953 : i32
    %sign3A_955 = arith.extui %sign3A_954 : i1 to i32
    %sign3A_956 = arith.subi %sign3A_952, %sign3A_955 : i32
    %sign3A_957 = arith.constant 0 : i32
    %sign3A_958 = arith.cmpi sgt, %jit3A_948, %sign3A_957 : i32
    %sign3A_959 = arith.extui %sign3A_958 : i1 to i32
    %sign3A_960 = arith.constant 0 : i32
    %sign3A_961 = arith.cmpi slt, %jit3A_948, %sign3A_960 : i32
    %sign3A_962 = arith.extui %sign3A_961 : i1 to i32
    %sign3A_963 = arith.subi %sign3A_959, %sign3A_962 : i32
    %ne3A_964 = arith.cmpi ne, %sign3A_956, %sign3A_963 : i32
    %rem3A_965 = arith.remsi %add3A_947, %jit3A_948 : i32
    %ne3A_966 = arith.constant 0 : i32
    %ne3A_967 = arith.cmpi ne, %rem3A_965, %ne3A_966 : i32
    %and3A_968 = arith.andi %ne3A_964, %ne3A_967 : i1
    %sub3A_969 = arith.constant 1 : i32
    %sub3A_970 = arith.subi %div3A_949, %sub3A_969 : i32
    %select_n3A_971 = arith.select %and3A_968, %sub3A_970, %div3A_949 : i32
    %jit3A_972 = arith.constant 16384 : i32
    %eq3A_973 = arith.constant 0 : i32
    %eq3A_974 = arith.cmpi eq, %jit3A_972, %eq3A_973 : i32
    %jit3A_975 = arith.constant 1 : i32
    %select_n3A_976 = arith.select %eq3A_974, %jit3A_975, %jit3A_972 : i32
    %rem3A_977 = arith.remsi %add3A_947, %select_n3A_976 : i32
    %ne3A_978 = arith.constant 0 : i32
    %ne3A_979 = arith.cmpi ne, %rem3A_977, %ne3A_978 : i32
    %lt3A_980 = arith.constant 0 : i32
    %lt3A_981 = arith.cmpi slt, %rem3A_977, %lt3A_980 : i32
    %lt3A_982 = arith.constant 0 : i32
    %lt3A_983 = arith.cmpi slt, %select_n3A_976, %lt3A_982 : i32
    %ne3A_984 = arith.xori %lt3A_981, %lt3A_983 : i1
    %and3A_985 = arith.andi %ne3A_984, %ne3A_979 : i1
    %add3A_986 = arith.addi %rem3A_977, %select_n3A_976 : i32
    %select_n3A_987 = arith.select %and3A_985, %add3A_986, %rem3A_977 : i32
    %jit3A_988 = arith.constant 4096 : i32
    %div3A_989 = arith.divsi %select_n3A_987, %jit3A_988 : i32
    %sign3A_990 = arith.constant 0 : i32
    %sign3A_991 = arith.cmpi sgt, %select_n3A_987, %sign3A_990 : i32
    %sign3A_992 = arith.extui %sign3A_991 : i1 to i32
    %sign3A_993 = arith.constant 0 : i32
    %sign3A_994 = arith.cmpi slt, %select_n3A_987, %sign3A_993 : i32
    %sign3A_995 = arith.extui %sign3A_994 : i1 to i32
    %sign3A_996 = arith.subi %sign3A_992, %sign3A_995 : i32
    %sign3A_997 = arith.constant 0 : i32
    %sign3A_998 = arith.cmpi sgt, %jit3A_988, %sign3A_997 : i32
    %sign3A_999 = arith.extui %sign3A_998 : i1 to i32
    %sign3A_1000 = arith.constant 0 : i32
    %sign3A_1001 = arith.cmpi slt, %jit3A_988, %sign3A_1000 : i32
    %sign3A_1002 = arith.extui %sign3A_1001 : i1 to i32
    %sign3A_1003 = arith.subi %sign3A_999, %sign3A_1002 : i32
    %ne3A_1004 = arith.cmpi ne, %sign3A_996, %sign3A_1003 : i32
    %rem3A_1005 = arith.remsi %select_n3A_987, %jit3A_988 : i32
    %ne3A_1006 = arith.constant 0 : i32
    %ne3A_1007 = arith.cmpi ne, %rem3A_1005, %ne3A_1006 : i32
    %and3A_1008 = arith.andi %ne3A_1004, %ne3A_1007 : i1
    %sub3A_1009 = arith.constant 1 : i32
    %sub3A_1010 = arith.subi %div3A_989, %sub3A_1009 : i32
    %select_n3A_1011 = arith.select %and3A_1008, %sub3A_1010, %div3A_989 : i32
    %jit3A_1012 = arith.constant 4096 : i32
    %eq3A_1013 = arith.constant 0 : i32
    %eq3A_1014 = arith.cmpi eq, %jit3A_1012, %eq3A_1013 : i32
    %jit3A_1015 = arith.constant 1 : i32
    %select_n3A_1016 = arith.select %eq3A_1014, %jit3A_1015, %jit3A_1012 : i32
    %rem3A_1017 = arith.remsi %select_n3A_987, %select_n3A_1016 : i32
    %ne3A_1018 = arith.constant 0 : i32
    %ne3A_1019 = arith.cmpi ne, %rem3A_1017, %ne3A_1018 : i32
    %lt3A_1020 = arith.constant 0 : i32
    %lt3A_1021 = arith.cmpi slt, %rem3A_1017, %lt3A_1020 : i32
    %lt3A_1022 = arith.constant 0 : i32
    %lt3A_1023 = arith.cmpi slt, %select_n3A_1016, %lt3A_1022 : i32
    %ne3A_1024 = arith.xori %lt3A_1021, %lt3A_1023 : i1
    %and3A_1025 = arith.andi %ne3A_1024, %ne3A_1019 : i1
    %add3A_1026 = arith.addi %rem3A_1017, %select_n3A_1016 : i32
    %select_n3A_1027 = arith.select %and3A_1025, %add3A_1026, %rem3A_1017 : i32
    %mul3A_1028 = arith.constant 4096 : i32
    %mul3A_1029 = arith.muli %select_n3A_971, %mul3A_1028 : i32
    %add3A_1030 = arith.addi %mul3A_1029, %select_n3A_1027 : i32
    %mul3A_1031 = arith.constant 32 : i32
    %mul3A_1032 = arith.muli %select_n3A_1011, %mul3A_1031 : i32
    %dma_start3A_1033 = arith.constant 1 : i32
    %dma_start3A_1034 = arith.constant 0 : i32
    %dma_start3A_1035 = arith.constant 0 : i32
    %dma_start3A_1036 = tpu.memref_slice %arg6[%dma_start3A_1033, %dma_start3A_1034, %dma_start3A_1035] : memref<3x1024x32xf32, #tpu.memory_space<vmem>> -> memref<1x1024x32xf32, #tpu.memory_space<vmem>>
    %dma_start3A_1037 = tpu.memref_squeeze %dma_start3A_1036 : memref<1x1024x32xf32, #tpu.memory_space<vmem>> -> memref<1024x32xf32, #tpu.memory_space<vmem>>
    %dma_start3A_1038 = tpu.memref_slice %arg4[%add3A_1030, %mul3A_1032] : memref<65536x128xf32, #tpu.memory_space<hbm>> -> memref<1024x32xf32, #tpu.memory_space<hbm>>
    %dma_start3A_1039 = tpu.memref_slice %arg4[%add3A_1030, %mul3A_1032] : memref<65536x128xf32, #tpu.memory_space<hbm>> -> memref<1024x32xf32, #tpu.memory_space<hbm>>
    %dma_start3A_1040 = arith.constant 0 : i32
    %dma_start3A_1041 = arith.constant 0 : i32
    %dma_start3A_1042 = tpu.memref_slice %arg6[%dma_start3A_1033, %dma_start3A_1040, %dma_start3A_1041] : memref<3x1024x32xf32, #tpu.memory_space<vmem>> -> memref<1x1024x32xf32, #tpu.memory_space<vmem>>
    %dma_start3A_1043 = tpu.memref_squeeze %dma_start3A_1042 : memref<1x1024x32xf32, #tpu.memory_space<vmem>> -> memref<1024x32xf32, #tpu.memory_space<vmem>>
    tpu.enqueue_dma source(%dma_start3A_1043 : memref<1024x32xf32, #tpu.memory_space<vmem>>) target(%dma_start3A_1039 : memref<1024x32xf32, #tpu.memory_space<hbm>>) target_semaphore(%arg11 : memref<!tpu.dma_semaphore, #tpu.memory_space<semaphore_mem>>)
    %dma_wait3A_1044 = arith.constant 1 : i32
    %dma_wait3A_1045 = arith.constant 0 : i32
    %dma_wait3A_1046 = arith.constant 0 : i32
    %dma_wait3A_1047 = tpu.memref_slice %arg6[%dma_wait3A_1044, %dma_wait3A_1045, %dma_wait3A_1046] : memref<3x1024x32xf32, #tpu.memory_space<vmem>> -> memref<1x1024x32xf32, #tpu.memory_space<vmem>>
    %dma_wait3A_1048 = tpu.memref_squeeze %dma_wait3A_1047 : memref<1x1024x32xf32, #tpu.memory_space<vmem>> -> memref<1024x32xf32, #tpu.memory_space<vmem>>
    %dma_wait3A_1049 = tpu.memref_slice %arg4[%add3A_1030, %mul3A_1032] : memref<65536x128xf32, #tpu.memory_space<hbm>> -> memref<1024x32xf32, #tpu.memory_space<hbm>>
    %dma_wait3A_1050 = tpu.memref_slice %arg4[%add3A_1030, %mul3A_1032] : memref<65536x128xf32, #tpu.memory_space<hbm>> -> memref<1024x32xf32, #tpu.memory_space<hbm>>
    %dma_wait3A_1051 = arith.constant 0 : i32
    %dma_wait3A_1052 = arith.constant 0 : i32
    %dma_wait3A_1053 = tpu.memref_slice %arg6[%dma_wait3A_1044, %dma_wait3A_1051, %dma_wait3A_1052] : memref<3x1024x32xf32, #tpu.memory_space<vmem>> -> memref<1x1024x32xf32, #tpu.memory_space<vmem>>
    %dma_wait3A_1054 = tpu.memref_squeeze %dma_wait3A_1053 : memref<1x1024x32xf32, #tpu.memory_space<vmem>> -> memref<1024x32xf32, #tpu.memory_space<vmem>>
    tpu.wait_dma2 semaphore(%arg11 : memref<!tpu.dma_semaphore, #tpu.memory_space<semaphore_mem>>) src(%dma_wait3A_1054 : memref<1024x32xf32, #tpu.memory_space<vmem>>) dst(%dma_wait3A_1050 : memref<1024x32xf32, #tpu.memory_space<hbm>>)
    return
  }
}

#map = affine_map<(d0, d1) -> (0, 0, 0)>
#map1 = affine_map<(d0, d1) -> (0, 0)>
module attributes {stable_mosaic.version = 14 : i64} {
  func.func @gather_kernel(%arg0: i32, %arg1: i32, %arg2: memref<32x5x1024xi32, #tpu.memory_space<hbm>>, %arg3: memref<1048576x32xf32, #tpu.memory_space<hbm>>, %arg4: memref<40960x128xf32, #tpu.memory_space<hbm>>, %arg5: memref<5x1024xi32, #tpu.memory_space<vmem>>, %arg6: memref<3x1024x32xf32, #tpu.memory_space<vmem>>, %arg7: memref<!tpu.dma_semaphore, #tpu.memory_space<semaphore_mem>>, %arg8: memref<!tpu.dma_semaphore, #tpu.memory_space<semaphore_mem>>, %arg9: memref<!tpu.dma_semaphore, #tpu.memory_space<semaphore_mem>>, %arg10: memref<!tpu.dma_semaphore, #tpu.memory_space<semaphore_mem>>, %arg11: memref<!tpu.dma_semaphore, #tpu.memory_space<semaphore_mem>>, %arg12: memref<!tpu.dma_semaphore, #tpu.memory_space<semaphore_mem>>) attributes {dimension_semantics = [#tpu.dimension_semantics<core_parallel>, #tpu.dimension_semantics<subcore_parallel>], iteration_bounds = array<i64: 2, 16>, scalar_prefetch = 0 : i64, scratch_operands = 8 : i64, tpu.core_type = #tpu.core_type<sc_vector_subcore>, window_params = [{transform_indices = #map}, {transform_indices = #map1}, {transform_indices = #map1}]} {
    %mul3A = arith.constant 2 : i32
    %mul3A_0 = arith.muli %arg1, %mul3A : i32
    %add3A = arith.addi %mul3A_0, %arg0 : i32
    %mul3A_1 = arith.constant 5120 : i32
    %mul3A_2 = arith.muli %add3A, %mul3A_1 : i32
    "tpu.region"() ({
      %run_scoped3A = tpu.sem_alloc : memref<!tpu.dma_semaphore, #tpu.memory_space<semaphore_mem>>
      %dma_start3A_656 = arith.constant 0 : i32
      %dma_start3A_657 = arith.constant 0 : i32
      %dma_start3A_658 = tpu.memref_slice %arg2[%add3A, %dma_start3A_656, %dma_start3A_657] : memref<32x5x1024xi32, #tpu.memory_space<hbm>> -> memref<1x5x1024xi32, #tpu.memory_space<hbm>>
      %dma_start3A_659 = tpu.memref_squeeze %dma_start3A_658 : memref<1x5x1024xi32, #tpu.memory_space<hbm>> -> memref<5x1024xi32, #tpu.memory_space<hbm>>
      %dma_start3A_660 = arith.constant 0 : i32
      %dma_start3A_661 = arith.constant 0 : i32
      %dma_start3A_662 = tpu.memref_slice %arg2[%add3A, %dma_start3A_660, %dma_start3A_661] : memref<32x5x1024xi32, #tpu.memory_space<hbm>> -> memref<1x5x1024xi32, #tpu.memory_space<hbm>>
      %dma_start3A_663 = tpu.memref_squeeze %dma_start3A_662 : memref<1x5x1024xi32, #tpu.memory_space<hbm>> -> memref<5x1024xi32, #tpu.memory_space<hbm>>
      tpu.enqueue_dma source(%dma_start3A_663 : memref<5x1024xi32, #tpu.memory_space<hbm>>) target(%arg5 : memref<5x1024xi32, #tpu.memory_space<vmem>>) target_semaphore(%run_scoped3A : memref<!tpu.dma_semaphore, #tpu.memory_space<semaphore_mem>>)
      %dma_wait3A_664 = arith.constant 0 : i32
      %dma_wait3A_665 = arith.constant 0 : i32
      %dma_wait3A_666 = tpu.memref_slice %arg2[%add3A, %dma_wait3A_664, %dma_wait3A_665] : memref<32x5x1024xi32, #tpu.memory_space<hbm>> -> memref<1x5x1024xi32, #tpu.memory_space<hbm>>
      %dma_wait3A_667 = tpu.memref_squeeze %dma_wait3A_666 : memref<1x5x1024xi32, #tpu.memory_space<hbm>> -> memref<5x1024xi32, #tpu.memory_space<hbm>>
      %dma_wait3A_668 = arith.constant 0 : i32
      %dma_wait3A_669 = arith.constant 0 : i32
      %dma_wait3A_670 = tpu.memref_slice %arg2[%add3A, %dma_wait3A_668, %dma_wait3A_669] : memref<32x5x1024xi32, #tpu.memory_space<hbm>> -> memref<1x5x1024xi32, #tpu.memory_space<hbm>>
      %dma_wait3A_671 = tpu.memref_squeeze %dma_wait3A_670 : memref<1x5x1024xi32, #tpu.memory_space<hbm>> -> memref<5x1024xi32, #tpu.memory_space<hbm>>
      tpu.wait_dma2 semaphore(%run_scoped3A : memref<!tpu.dma_semaphore, #tpu.memory_space<semaphore_mem>>) src(%dma_wait3A_671 : memref<5x1024xi32, #tpu.memory_space<hbm>>) dst(%arg5 : memref<5x1024xi32, #tpu.memory_space<vmem>>)
      tpu.yield
    }) : () -> ()
    %dma_start3A = arith.constant 0 : i32
    %dma_start3A_3 = arith.constant 0 : i32
    %dma_start3A_4 = arith.constant 0 : i32
    %dma_start3A_5 = arith.constant 0 : i32
    %dma_start3A_6 = tpu.memref_slice %arg6[%dma_start3A_3, %dma_start3A_4, %dma_start3A_5] : memref<3x1024x32xf32, #tpu.memory_space<vmem>> -> memref<1x1024x32xf32, #tpu.memory_space<vmem>>
    %dma_start3A_7 = tpu.memref_squeeze %dma_start3A_6 : memref<1x1024x32xf32, #tpu.memory_space<vmem>> -> memref<1024x32xf32, #tpu.memory_space<vmem>>
    %dma_start3A_8 = arith.constant 0 : i32
    %dma_start3A_9 = tpu.memref_slice %arg5[%dma_start3A, %dma_start3A_8] : memref<5x1024xi32, #tpu.memory_space<vmem>> -> memref<1x1024xi32, #tpu.memory_space<vmem>>
    %dma_start3A_10 = tpu.memref_squeeze %dma_start3A_9 : memref<1x1024xi32, #tpu.memory_space<vmem>> -> memref<1024xi32, #tpu.memory_space<vmem>>
    %dma_start3A_11 = arith.constant 0 : i32
    %dma_start3A_12 = arith.constant 0 : i32
    %dma_start3A_13 = tpu.memref_slice %arg3[%dma_start3A_11, %dma_start3A_12] : memref<1048576x32xf32, #tpu.memory_space<hbm>> -> memref<1048576x32xf32, #tpu.memory_space<hbm>>
    tpu.enqueue_indirect_dma source(%dma_start3A_13 : memref<1048576x32xf32, #tpu.memory_space<hbm>>) target(%dma_start3A_7 : memref<1024x32xf32, #tpu.memory_space<vmem>>) offsets(%dma_start3A_10 : memref<1024xi32, #tpu.memory_space<vmem>>) semaphore(%arg7 : memref<!tpu.dma_semaphore, #tpu.memory_space<semaphore_mem>>)
    %dma_start3A_14 = arith.constant 1 : i32
    %dma_start3A_15 = arith.constant 1 : i32
    %dma_start3A_16 = arith.constant 0 : i32
    %dma_start3A_17 = arith.constant 0 : i32
    %dma_start3A_18 = tpu.memref_slice %arg6[%dma_start3A_15, %dma_start3A_16, %dma_start3A_17] : memref<3x1024x32xf32, #tpu.memory_space<vmem>> -> memref<1x1024x32xf32, #tpu.memory_space<vmem>>
    %dma_start3A_19 = tpu.memref_squeeze %dma_start3A_18 : memref<1x1024x32xf32, #tpu.memory_space<vmem>> -> memref<1024x32xf32, #tpu.memory_space<vmem>>
    %dma_start3A_20 = arith.constant 0 : i32
    %dma_start3A_21 = tpu.memref_slice %arg5[%dma_start3A_14, %dma_start3A_20] : memref<5x1024xi32, #tpu.memory_space<vmem>> -> memref<1x1024xi32, #tpu.memory_space<vmem>>
    %dma_start3A_22 = tpu.memref_squeeze %dma_start3A_21 : memref<1x1024xi32, #tpu.memory_space<vmem>> -> memref<1024xi32, #tpu.memory_space<vmem>>
    %dma_start3A_23 = arith.constant 0 : i32
    %dma_start3A_24 = arith.constant 0 : i32
    %dma_start3A_25 = tpu.memref_slice %arg3[%dma_start3A_23, %dma_start3A_24] : memref<1048576x32xf32, #tpu.memory_space<hbm>> -> memref<1048576x32xf32, #tpu.memory_space<hbm>>
    tpu.enqueue_indirect_dma source(%dma_start3A_25 : memref<1048576x32xf32, #tpu.memory_space<hbm>>) target(%dma_start3A_19 : memref<1024x32xf32, #tpu.memory_space<vmem>>) offsets(%dma_start3A_22 : memref<1024xi32, #tpu.memory_space<vmem>>) semaphore(%arg8 : memref<!tpu.dma_semaphore, #tpu.memory_space<semaphore_mem>>)
    %dma_start3A_26 = arith.constant 2 : i32
    %dma_start3A_27 = arith.constant 2 : i32
    %dma_start3A_28 = arith.constant 0 : i32
    %dma_start3A_29 = arith.constant 0 : i32
    %dma_start3A_30 = tpu.memref_slice %arg6[%dma_start3A_27, %dma_start3A_28, %dma_start3A_29] : memref<3x1024x32xf32, #tpu.memory_space<vmem>> -> memref<1x1024x32xf32, #tpu.memory_space<vmem>>
    %dma_start3A_31 = tpu.memref_squeeze %dma_start3A_30 : memref<1x1024x32xf32, #tpu.memory_space<vmem>> -> memref<1024x32xf32, #tpu.memory_space<vmem>>
    %dma_start3A_32 = arith.constant 0 : i32
    %dma_start3A_33 = tpu.memref_slice %arg5[%dma_start3A_26, %dma_start3A_32] : memref<5x1024xi32, #tpu.memory_space<vmem>> -> memref<1x1024xi32, #tpu.memory_space<vmem>>
    %dma_start3A_34 = tpu.memref_squeeze %dma_start3A_33 : memref<1x1024xi32, #tpu.memory_space<vmem>> -> memref<1024xi32, #tpu.memory_space<vmem>>
    %dma_start3A_35 = arith.constant 0 : i32
    %dma_start3A_36 = arith.constant 0 : i32
    %dma_start3A_37 = tpu.memref_slice %arg3[%dma_start3A_35, %dma_start3A_36] : memref<1048576x32xf32, #tpu.memory_space<hbm>> -> memref<1048576x32xf32, #tpu.memory_space<hbm>>
    tpu.enqueue_indirect_dma source(%dma_start3A_37 : memref<1048576x32xf32, #tpu.memory_space<hbm>>) target(%dma_start3A_31 : memref<1024x32xf32, #tpu.memory_space<vmem>>) offsets(%dma_start3A_34 : memref<1024xi32, #tpu.memory_space<vmem>>) semaphore(%arg9 : memref<!tpu.dma_semaphore, #tpu.memory_space<semaphore_mem>>)
    %dma_wait3A = arith.constant 0 : i32
    %dma_wait3A_38 = arith.constant 0 : i32
    %dma_wait3A_39 = arith.constant 0 : i32
    %dma_wait3A_40 = arith.constant 0 : i32
    %dma_wait3A_41 = tpu.memref_slice %arg6[%dma_wait3A_38, %dma_wait3A_39, %dma_wait3A_40] : memref<3x1024x32xf32, #tpu.memory_space<vmem>> -> memref<1x1024x32xf32, #tpu.memory_space<vmem>>
    %dma_wait3A_42 = tpu.memref_squeeze %dma_wait3A_41 : memref<1x1024x32xf32, #tpu.memory_space<vmem>> -> memref<1024x32xf32, #tpu.memory_space<vmem>>
    %dma_wait3A_43 = arith.constant 0 : i32
    %dma_wait3A_44 = tpu.memref_slice %arg5[%dma_wait3A, %dma_wait3A_43] : memref<5x1024xi32, #tpu.memory_space<vmem>> -> memref<1x1024xi32, #tpu.memory_space<vmem>>
    %dma_wait3A_45 = tpu.memref_squeeze %dma_wait3A_44 : memref<1x1024xi32, #tpu.memory_space<vmem>> -> memref<1024xi32, #tpu.memory_space<vmem>>
    %dma_wait3A_46 = arith.constant 0 : i32
    %dma_wait3A_47 = arith.constant 0 : i32
    %dma_wait3A_48 = tpu.memref_slice %arg3[%dma_wait3A_46, %dma_wait3A_47] : memref<1048576x32xf32, #tpu.memory_space<hbm>> -> memref<1048576x32xf32, #tpu.memory_space<hbm>>
    tpu.wait_indirect_dma semaphore(%arg7 : memref<!tpu.dma_semaphore, #tpu.memory_space<semaphore_mem>>) src(%dma_wait3A_48 : memref<1048576x32xf32, #tpu.memory_space<hbm>>) dst(%dma_wait3A_42 : memref<1024x32xf32, #tpu.memory_space<vmem>>)
    %add3A_49 = arith.constant 0 : i32
    %add3A_50 = arith.addi %mul3A_2, %add3A_49 : i32
    %jit3A = arith.constant 16384 : i32
    %div3A = arith.divsi %add3A_50, %jit3A : i32
    %sign3A = arith.constant 0 : i32
    %sign3A_51 = arith.cmpi sgt, %add3A_50, %sign3A : i32
    %sign3A_52 = arith.extui %sign3A_51 : i1 to i32
    %sign3A_53 = arith.constant 0 : i32
    %sign3A_54 = arith.cmpi slt, %add3A_50, %sign3A_53 : i32
    %sign3A_55 = arith.extui %sign3A_54 : i1 to i32
    %sign3A_56 = arith.subi %sign3A_52, %sign3A_55 : i32
    %sign3A_57 = arith.constant 0 : i32
    %sign3A_58 = arith.cmpi sgt, %jit3A, %sign3A_57 : i32
    %sign3A_59 = arith.extui %sign3A_58 : i1 to i32
    %sign3A_60 = arith.constant 0 : i32
    %sign3A_61 = arith.cmpi slt, %jit3A, %sign3A_60 : i32
    %sign3A_62 = arith.extui %sign3A_61 : i1 to i32
    %sign3A_63 = arith.subi %sign3A_59, %sign3A_62 : i32
    %ne3A = arith.cmpi ne, %sign3A_56, %sign3A_63 : i32
    %rem3A = arith.remsi %add3A_50, %jit3A : i32
    %ne3A_64 = arith.constant 0 : i32
    %ne3A_65 = arith.cmpi ne, %rem3A, %ne3A_64 : i32
    %and3A = arith.andi %ne3A, %ne3A_65 : i1
    %sub3A = arith.constant 1 : i32
    %sub3A_66 = arith.subi %div3A, %sub3A : i32
    %select_n3A = arith.select %and3A, %sub3A_66, %div3A : i32
    %jit3A_67 = arith.constant 16384 : i32
    %eq3A = arith.constant 0 : i32
    %eq3A_68 = arith.cmpi eq, %jit3A_67, %eq3A : i32
    %jit3A_69 = arith.constant 1 : i32
    %select_n3A_70 = arith.select %eq3A_68, %jit3A_69, %jit3A_67 : i32
    %rem3A_71 = arith.remsi %add3A_50, %select_n3A_70 : i32
    %ne3A_72 = arith.constant 0 : i32
    %ne3A_73 = arith.cmpi ne, %rem3A_71, %ne3A_72 : i32
    %lt3A = arith.constant 0 : i32
    %lt3A_74 = arith.cmpi slt, %rem3A_71, %lt3A : i32
    %lt3A_75 = arith.constant 0 : i32
    %lt3A_76 = arith.cmpi slt, %select_n3A_70, %lt3A_75 : i32
    %ne3A_77 = arith.xori %lt3A_74, %lt3A_76 : i1
    %and3A_78 = arith.andi %ne3A_77, %ne3A_73 : i1
    %add3A_79 = arith.addi %rem3A_71, %select_n3A_70 : i32
    %select_n3A_80 = arith.select %and3A_78, %add3A_79, %rem3A_71 : i32
    %jit3A_81 = arith.constant 4096 : i32
    %div3A_82 = arith.divsi %select_n3A_80, %jit3A_81 : i32
    %sign3A_83 = arith.constant 0 : i32
    %sign3A_84 = arith.cmpi sgt, %select_n3A_80, %sign3A_83 : i32
    %sign3A_85 = arith.extui %sign3A_84 : i1 to i32
    %sign3A_86 = arith.constant 0 : i32
    %sign3A_87 = arith.cmpi slt, %select_n3A_80, %sign3A_86 : i32
    %sign3A_88 = arith.extui %sign3A_87 : i1 to i32
    %sign3A_89 = arith.subi %sign3A_85, %sign3A_88 : i32
    %sign3A_90 = arith.constant 0 : i32
    %sign3A_91 = arith.cmpi sgt, %jit3A_81, %sign3A_90 : i32
    %sign3A_92 = arith.extui %sign3A_91 : i1 to i32
    %sign3A_93 = arith.constant 0 : i32
    %sign3A_94 = arith.cmpi slt, %jit3A_81, %sign3A_93 : i32
    %sign3A_95 = arith.extui %sign3A_94 : i1 to i32
    %sign3A_96 = arith.subi %sign3A_92, %sign3A_95 : i32
    %ne3A_97 = arith.cmpi ne, %sign3A_89, %sign3A_96 : i32
    %rem3A_98 = arith.remsi %select_n3A_80, %jit3A_81 : i32
    %ne3A_99 = arith.constant 0 : i32
    %ne3A_100 = arith.cmpi ne, %rem3A_98, %ne3A_99 : i32
    %and3A_101 = arith.andi %ne3A_97, %ne3A_100 : i1
    %sub3A_102 = arith.constant 1 : i32
    %sub3A_103 = arith.subi %div3A_82, %sub3A_102 : i32
    %select_n3A_104 = arith.select %and3A_101, %sub3A_103, %div3A_82 : i32
    %jit3A_105 = arith.constant 4096 : i32
    %eq3A_106 = arith.constant 0 : i32
    %eq3A_107 = arith.cmpi eq, %jit3A_105, %eq3A_106 : i32
    %jit3A_108 = arith.constant 1 : i32
    %select_n3A_109 = arith.select %eq3A_107, %jit3A_108, %jit3A_105 : i32
    %rem3A_110 = arith.remsi %select_n3A_80, %select_n3A_109 : i32
    %ne3A_111 = arith.constant 0 : i32
    %ne3A_112 = arith.cmpi ne, %rem3A_110, %ne3A_111 : i32
    %lt3A_113 = arith.constant 0 : i32
    %lt3A_114 = arith.cmpi slt, %rem3A_110, %lt3A_113 : i32
    %lt3A_115 = arith.constant 0 : i32
    %lt3A_116 = arith.cmpi slt, %select_n3A_109, %lt3A_115 : i32
    %ne3A_117 = arith.xori %lt3A_114, %lt3A_116 : i1
    %and3A_118 = arith.andi %ne3A_117, %ne3A_112 : i1
    %add3A_119 = arith.addi %rem3A_110, %select_n3A_109 : i32
    %select_n3A_120 = arith.select %and3A_118, %add3A_119, %rem3A_110 : i32
    %mul3A_121 = arith.constant 4096 : i32
    %mul3A_122 = arith.muli %select_n3A, %mul3A_121 : i32
    %add3A_123 = arith.addi %mul3A_122, %select_n3A_120 : i32
    %mul3A_124 = arith.constant 32 : i32
    %mul3A_125 = arith.muli %select_n3A_104, %mul3A_124 : i32
    %dma_start3A_126 = arith.constant 0 : i32
    %dma_start3A_127 = arith.constant 0 : i32
    %dma_start3A_128 = arith.constant 0 : i32
    %dma_start3A_129 = tpu.memref_slice %arg6[%dma_start3A_126, %dma_start3A_127, %dma_start3A_128] : memref<3x1024x32xf32, #tpu.memory_space<vmem>> -> memref<1x1024x32xf32, #tpu.memory_space<vmem>>
    %dma_start3A_130 = tpu.memref_squeeze %dma_start3A_129 : memref<1x1024x32xf32, #tpu.memory_space<vmem>> -> memref<1024x32xf32, #tpu.memory_space<vmem>>
    %dma_start3A_131 = tpu.memref_slice %arg4[%add3A_123, %mul3A_125] : memref<40960x128xf32, #tpu.memory_space<hbm>> -> memref<1024x32xf32, #tpu.memory_space<hbm>>
    %dma_start3A_132 = tpu.memref_slice %arg4[%add3A_123, %mul3A_125] : memref<40960x128xf32, #tpu.memory_space<hbm>> -> memref<1024x32xf32, #tpu.memory_space<hbm>>
    %dma_start3A_133 = arith.constant 0 : i32
    %dma_start3A_134 = arith.constant 0 : i32
    %dma_start3A_135 = tpu.memref_slice %arg6[%dma_start3A_126, %dma_start3A_133, %dma_start3A_134] : memref<3x1024x32xf32, #tpu.memory_space<vmem>> -> memref<1x1024x32xf32, #tpu.memory_space<vmem>>
    %dma_start3A_136 = tpu.memref_squeeze %dma_start3A_135 : memref<1x1024x32xf32, #tpu.memory_space<vmem>> -> memref<1024x32xf32, #tpu.memory_space<vmem>>
    tpu.enqueue_dma source(%dma_start3A_136 : memref<1024x32xf32, #tpu.memory_space<vmem>>) target(%dma_start3A_132 : memref<1024x32xf32, #tpu.memory_space<hbm>>) target_semaphore(%arg10 : memref<!tpu.dma_semaphore, #tpu.memory_space<semaphore_mem>>)
    %dma_wait3A_137 = arith.constant 0 : i32
    %dma_wait3A_138 = arith.constant 0 : i32
    %dma_wait3A_139 = arith.constant 0 : i32
    %dma_wait3A_140 = tpu.memref_slice %arg6[%dma_wait3A_137, %dma_wait3A_138, %dma_wait3A_139] : memref<3x1024x32xf32, #tpu.memory_space<vmem>> -> memref<1x1024x32xf32, #tpu.memory_space<vmem>>
    %dma_wait3A_141 = tpu.memref_squeeze %dma_wait3A_140 : memref<1x1024x32xf32, #tpu.memory_space<vmem>> -> memref<1024x32xf32, #tpu.memory_space<vmem>>
    %dma_wait3A_142 = tpu.memref_slice %arg4[%add3A_123, %mul3A_125] : memref<40960x128xf32, #tpu.memory_space<hbm>> -> memref<1024x32xf32, #tpu.memory_space<hbm>>
    %dma_wait3A_143 = tpu.memref_slice %arg4[%add3A_123, %mul3A_125] : memref<40960x128xf32, #tpu.memory_space<hbm>> -> memref<1024x32xf32, #tpu.memory_space<hbm>>
    %dma_wait3A_144 = arith.constant 0 : i32
    %dma_wait3A_145 = arith.constant 0 : i32
    %dma_wait3A_146 = tpu.memref_slice %arg6[%dma_wait3A_137, %dma_wait3A_144, %dma_wait3A_145] : memref<3x1024x32xf32, #tpu.memory_space<vmem>> -> memref<1x1024x32xf32, #tpu.memory_space<vmem>>
    %dma_wait3A_147 = tpu.memref_squeeze %dma_wait3A_146 : memref<1x1024x32xf32, #tpu.memory_space<vmem>> -> memref<1024x32xf32, #tpu.memory_space<vmem>>
    tpu.wait_dma2 semaphore(%arg10 : memref<!tpu.dma_semaphore, #tpu.memory_space<semaphore_mem>>) src(%dma_wait3A_147 : memref<1024x32xf32, #tpu.memory_space<vmem>>) dst(%dma_wait3A_143 : memref<1024x32xf32, #tpu.memory_space<hbm>>)
    %dma_start3A_148 = arith.constant 3 : i32
    %dma_start3A_149 = arith.constant 0 : i32
    %dma_start3A_150 = arith.constant 0 : i32
    %dma_start3A_151 = arith.constant 0 : i32
    %dma_start3A_152 = tpu.memref_slice %arg6[%dma_start3A_149, %dma_start3A_150, %dma_start3A_151] : memref<3x1024x32xf32, #tpu.memory_space<vmem>> -> memref<1x1024x32xf32, #tpu.memory_space<vmem>>
    %dma_start3A_153 = tpu.memref_squeeze %dma_start3A_152 : memref<1x1024x32xf32, #tpu.memory_space<vmem>> -> memref<1024x32xf32, #tpu.memory_space<vmem>>
    %dma_start3A_154 = arith.constant 0 : i32
    %dma_start3A_155 = tpu.memref_slice %arg5[%dma_start3A_148, %dma_start3A_154] : memref<5x1024xi32, #tpu.memory_space<vmem>> -> memref<1x1024xi32, #tpu.memory_space<vmem>>
    %dma_start3A_156 = tpu.memref_squeeze %dma_start3A_155 : memref<1x1024xi32, #tpu.memory_space<vmem>> -> memref<1024xi32, #tpu.memory_space<vmem>>
    %dma_start3A_157 = arith.constant 0 : i32
    %dma_start3A_158 = arith.constant 0 : i32
    %dma_start3A_159 = tpu.memref_slice %arg3[%dma_start3A_157, %dma_start3A_158] : memref<1048576x32xf32, #tpu.memory_space<hbm>> -> memref<1048576x32xf32, #tpu.memory_space<hbm>>
    tpu.enqueue_indirect_dma source(%dma_start3A_159 : memref<1048576x32xf32, #tpu.memory_space<hbm>>) target(%dma_start3A_153 : memref<1024x32xf32, #tpu.memory_space<vmem>>) offsets(%dma_start3A_156 : memref<1024xi32, #tpu.memory_space<vmem>>) semaphore(%arg7 : memref<!tpu.dma_semaphore, #tpu.memory_space<semaphore_mem>>)
    %dma_wait3A_160 = arith.constant 1 : i32
    %dma_wait3A_161 = arith.constant 1 : i32
    %dma_wait3A_162 = arith.constant 0 : i32
    %dma_wait3A_163 = arith.constant 0 : i32
    %dma_wait3A_164 = tpu.memref_slice %arg6[%dma_wait3A_161, %dma_wait3A_162, %dma_wait3A_163] : memref<3x1024x32xf32, #tpu.memory_space<vmem>> -> memref<1x1024x32xf32, #tpu.memory_space<vmem>>
    %dma_wait3A_165 = tpu.memref_squeeze %dma_wait3A_164 : memref<1x1024x32xf32, #tpu.memory_space<vmem>> -> memref<1024x32xf32, #tpu.memory_space<vmem>>
    %dma_wait3A_166 = arith.constant 0 : i32
    %dma_wait3A_167 = tpu.memref_slice %arg5[%dma_wait3A_160, %dma_wait3A_166] : memref<5x1024xi32, #tpu.memory_space<vmem>> -> memref<1x1024xi32, #tpu.memory_space<vmem>>
    %dma_wait3A_168 = tpu.memref_squeeze %dma_wait3A_167 : memref<1x1024xi32, #tpu.memory_space<vmem>> -> memref<1024xi32, #tpu.memory_space<vmem>>
    %dma_wait3A_169 = arith.constant 0 : i32
    %dma_wait3A_170 = arith.constant 0 : i32
    %dma_wait3A_171 = tpu.memref_slice %arg3[%dma_wait3A_169, %dma_wait3A_170] : memref<1048576x32xf32, #tpu.memory_space<hbm>> -> memref<1048576x32xf32, #tpu.memory_space<hbm>>
    tpu.wait_indirect_dma semaphore(%arg8 : memref<!tpu.dma_semaphore, #tpu.memory_space<semaphore_mem>>) src(%dma_wait3A_171 : memref<1048576x32xf32, #tpu.memory_space<hbm>>) dst(%dma_wait3A_165 : memref<1024x32xf32, #tpu.memory_space<vmem>>)
    %add3A_172 = arith.constant 1024 : i32
    %add3A_173 = arith.addi %mul3A_2, %add3A_172 : i32
    %jit3A_174 = arith.constant 16384 : i32
    %div3A_175 = arith.divsi %add3A_173, %jit3A_174 : i32
    %sign3A_176 = arith.constant 0 : i32
    %sign3A_177 = arith.cmpi sgt, %add3A_173, %sign3A_176 : i32
    %sign3A_178 = arith.extui %sign3A_177 : i1 to i32
    %sign3A_179 = arith.constant 0 : i32
    %sign3A_180 = arith.cmpi slt, %add3A_173, %sign3A_179 : i32
    %sign3A_181 = arith.extui %sign3A_180 : i1 to i32
    %sign3A_182 = arith.subi %sign3A_178, %sign3A_181 : i32
    %sign3A_183 = arith.constant 0 : i32
    %sign3A_184 = arith.cmpi sgt, %jit3A_174, %sign3A_183 : i32
    %sign3A_185 = arith.extui %sign3A_184 : i1 to i32
    %sign3A_186 = arith.constant 0 : i32
    %sign3A_187 = arith.cmpi slt, %jit3A_174, %sign3A_186 : i32
    %sign3A_188 = arith.extui %sign3A_187 : i1 to i32
    %sign3A_189 = arith.subi %sign3A_185, %sign3A_188 : i32
    %ne3A_190 = arith.cmpi ne, %sign3A_182, %sign3A_189 : i32
    %rem3A_191 = arith.remsi %add3A_173, %jit3A_174 : i32
    %ne3A_192 = arith.constant 0 : i32
    %ne3A_193 = arith.cmpi ne, %rem3A_191, %ne3A_192 : i32
    %and3A_194 = arith.andi %ne3A_190, %ne3A_193 : i1
    %sub3A_195 = arith.constant 1 : i32
    %sub3A_196 = arith.subi %div3A_175, %sub3A_195 : i32
    %select_n3A_197 = arith.select %and3A_194, %sub3A_196, %div3A_175 : i32
    %jit3A_198 = arith.constant 16384 : i32
    %eq3A_199 = arith.constant 0 : i32
    %eq3A_200 = arith.cmpi eq, %jit3A_198, %eq3A_199 : i32
    %jit3A_201 = arith.constant 1 : i32
    %select_n3A_202 = arith.select %eq3A_200, %jit3A_201, %jit3A_198 : i32
    %rem3A_203 = arith.remsi %add3A_173, %select_n3A_202 : i32
    %ne3A_204 = arith.constant 0 : i32
    %ne3A_205 = arith.cmpi ne, %rem3A_203, %ne3A_204 : i32
    %lt3A_206 = arith.constant 0 : i32
    %lt3A_207 = arith.cmpi slt, %rem3A_203, %lt3A_206 : i32
    %lt3A_208 = arith.constant 0 : i32
    %lt3A_209 = arith.cmpi slt, %select_n3A_202, %lt3A_208 : i32
    %ne3A_210 = arith.xori %lt3A_207, %lt3A_209 : i1
    %and3A_211 = arith.andi %ne3A_210, %ne3A_205 : i1
    %add3A_212 = arith.addi %rem3A_203, %select_n3A_202 : i32
    %select_n3A_213 = arith.select %and3A_211, %add3A_212, %rem3A_203 : i32
    %jit3A_214 = arith.constant 4096 : i32
    %div3A_215 = arith.divsi %select_n3A_213, %jit3A_214 : i32
    %sign3A_216 = arith.constant 0 : i32
    %sign3A_217 = arith.cmpi sgt, %select_n3A_213, %sign3A_216 : i32
    %sign3A_218 = arith.extui %sign3A_217 : i1 to i32
    %sign3A_219 = arith.constant 0 : i32
    %sign3A_220 = arith.cmpi slt, %select_n3A_213, %sign3A_219 : i32
    %sign3A_221 = arith.extui %sign3A_220 : i1 to i32
    %sign3A_222 = arith.subi %sign3A_218, %sign3A_221 : i32
    %sign3A_223 = arith.constant 0 : i32
    %sign3A_224 = arith.cmpi sgt, %jit3A_214, %sign3A_223 : i32
    %sign3A_225 = arith.extui %sign3A_224 : i1 to i32
    %sign3A_226 = arith.constant 0 : i32
    %sign3A_227 = arith.cmpi slt, %jit3A_214, %sign3A_226 : i32
    %sign3A_228 = arith.extui %sign3A_227 : i1 to i32
    %sign3A_229 = arith.subi %sign3A_225, %sign3A_228 : i32
    %ne3A_230 = arith.cmpi ne, %sign3A_222, %sign3A_229 : i32
    %rem3A_231 = arith.remsi %select_n3A_213, %jit3A_214 : i32
    %ne3A_232 = arith.constant 0 : i32
    %ne3A_233 = arith.cmpi ne, %rem3A_231, %ne3A_232 : i32
    %and3A_234 = arith.andi %ne3A_230, %ne3A_233 : i1
    %sub3A_235 = arith.constant 1 : i32
    %sub3A_236 = arith.subi %div3A_215, %sub3A_235 : i32
    %select_n3A_237 = arith.select %and3A_234, %sub3A_236, %div3A_215 : i32
    %jit3A_238 = arith.constant 4096 : i32
    %eq3A_239 = arith.constant 0 : i32
    %eq3A_240 = arith.cmpi eq, %jit3A_238, %eq3A_239 : i32
    %jit3A_241 = arith.constant 1 : i32
    %select_n3A_242 = arith.select %eq3A_240, %jit3A_241, %jit3A_238 : i32
    %rem3A_243 = arith.remsi %select_n3A_213, %select_n3A_242 : i32
    %ne3A_244 = arith.constant 0 : i32
    %ne3A_245 = arith.cmpi ne, %rem3A_243, %ne3A_244 : i32
    %lt3A_246 = arith.constant 0 : i32
    %lt3A_247 = arith.cmpi slt, %rem3A_243, %lt3A_246 : i32
    %lt3A_248 = arith.constant 0 : i32
    %lt3A_249 = arith.cmpi slt, %select_n3A_242, %lt3A_248 : i32
    %ne3A_250 = arith.xori %lt3A_247, %lt3A_249 : i1
    %and3A_251 = arith.andi %ne3A_250, %ne3A_245 : i1
    %add3A_252 = arith.addi %rem3A_243, %select_n3A_242 : i32
    %select_n3A_253 = arith.select %and3A_251, %add3A_252, %rem3A_243 : i32
    %mul3A_254 = arith.constant 4096 : i32
    %mul3A_255 = arith.muli %select_n3A_197, %mul3A_254 : i32
    %add3A_256 = arith.addi %mul3A_255, %select_n3A_253 : i32
    %mul3A_257 = arith.constant 32 : i32
    %mul3A_258 = arith.muli %select_n3A_237, %mul3A_257 : i32
    %dma_start3A_259 = arith.constant 1 : i32
    %dma_start3A_260 = arith.constant 0 : i32
    %dma_start3A_261 = arith.constant 0 : i32
    %dma_start3A_262 = tpu.memref_slice %arg6[%dma_start3A_259, %dma_start3A_260, %dma_start3A_261] : memref<3x1024x32xf32, #tpu.memory_space<vmem>> -> memref<1x1024x32xf32, #tpu.memory_space<vmem>>
    %dma_start3A_263 = tpu.memref_squeeze %dma_start3A_262 : memref<1x1024x32xf32, #tpu.memory_space<vmem>> -> memref<1024x32xf32, #tpu.memory_space<vmem>>
    %dma_start3A_264 = tpu.memref_slice %arg4[%add3A_256, %mul3A_258] : memref<40960x128xf32, #tpu.memory_space<hbm>> -> memref<1024x32xf32, #tpu.memory_space<hbm>>
    %dma_start3A_265 = tpu.memref_slice %arg4[%add3A_256, %mul3A_258] : memref<40960x128xf32, #tpu.memory_space<hbm>> -> memref<1024x32xf32, #tpu.memory_space<hbm>>
    %dma_start3A_266 = arith.constant 0 : i32
    %dma_start3A_267 = arith.constant 0 : i32
    %dma_start3A_268 = tpu.memref_slice %arg6[%dma_start3A_259, %dma_start3A_266, %dma_start3A_267] : memref<3x1024x32xf32, #tpu.memory_space<vmem>> -> memref<1x1024x32xf32, #tpu.memory_space<vmem>>
    %dma_start3A_269 = tpu.memref_squeeze %dma_start3A_268 : memref<1x1024x32xf32, #tpu.memory_space<vmem>> -> memref<1024x32xf32, #tpu.memory_space<vmem>>
    tpu.enqueue_dma source(%dma_start3A_269 : memref<1024x32xf32, #tpu.memory_space<vmem>>) target(%dma_start3A_265 : memref<1024x32xf32, #tpu.memory_space<hbm>>) target_semaphore(%arg11 : memref<!tpu.dma_semaphore, #tpu.memory_space<semaphore_mem>>)
    %dma_wait3A_270 = arith.constant 1 : i32
    %dma_wait3A_271 = arith.constant 0 : i32
    %dma_wait3A_272 = arith.constant 0 : i32
    %dma_wait3A_273 = tpu.memref_slice %arg6[%dma_wait3A_270, %dma_wait3A_271, %dma_wait3A_272] : memref<3x1024x32xf32, #tpu.memory_space<vmem>> -> memref<1x1024x32xf32, #tpu.memory_space<vmem>>
    %dma_wait3A_274 = tpu.memref_squeeze %dma_wait3A_273 : memref<1x1024x32xf32, #tpu.memory_space<vmem>> -> memref<1024x32xf32, #tpu.memory_space<vmem>>
    %dma_wait3A_275 = tpu.memref_slice %arg4[%add3A_256, %mul3A_258] : memref<40960x128xf32, #tpu.memory_space<hbm>> -> memref<1024x32xf32, #tpu.memory_space<hbm>>
    %dma_wait3A_276 = tpu.memref_slice %arg4[%add3A_256, %mul3A_258] : memref<40960x128xf32, #tpu.memory_space<hbm>> -> memref<1024x32xf32, #tpu.memory_space<hbm>>
    %dma_wait3A_277 = arith.constant 0 : i32
    %dma_wait3A_278 = arith.constant 0 : i32
    %dma_wait3A_279 = tpu.memref_slice %arg6[%dma_wait3A_270, %dma_wait3A_277, %dma_wait3A_278] : memref<3x1024x32xf32, #tpu.memory_space<vmem>> -> memref<1x1024x32xf32, #tpu.memory_space<vmem>>
    %dma_wait3A_280 = tpu.memref_squeeze %dma_wait3A_279 : memref<1x1024x32xf32, #tpu.memory_space<vmem>> -> memref<1024x32xf32, #tpu.memory_space<vmem>>
    tpu.wait_dma2 semaphore(%arg11 : memref<!tpu.dma_semaphore, #tpu.memory_space<semaphore_mem>>) src(%dma_wait3A_280 : memref<1024x32xf32, #tpu.memory_space<vmem>>) dst(%dma_wait3A_276 : memref<1024x32xf32, #tpu.memory_space<hbm>>)
    %dma_start3A_281 = arith.constant 4 : i32
    %dma_start3A_282 = arith.constant 1 : i32
    %dma_start3A_283 = arith.constant 0 : i32
    %dma_start3A_284 = arith.constant 0 : i32
    %dma_start3A_285 = tpu.memref_slice %arg6[%dma_start3A_282, %dma_start3A_283, %dma_start3A_284] : memref<3x1024x32xf32, #tpu.memory_space<vmem>> -> memref<1x1024x32xf32, #tpu.memory_space<vmem>>
    %dma_start3A_286 = tpu.memref_squeeze %dma_start3A_285 : memref<1x1024x32xf32, #tpu.memory_space<vmem>> -> memref<1024x32xf32, #tpu.memory_space<vmem>>
    %dma_start3A_287 = arith.constant 0 : i32
    %dma_start3A_288 = tpu.memref_slice %arg5[%dma_start3A_281, %dma_start3A_287] : memref<5x1024xi32, #tpu.memory_space<vmem>> -> memref<1x1024xi32, #tpu.memory_space<vmem>>
    %dma_start3A_289 = tpu.memref_squeeze %dma_start3A_288 : memref<1x1024xi32, #tpu.memory_space<vmem>> -> memref<1024xi32, #tpu.memory_space<vmem>>
    %dma_start3A_290 = arith.constant 0 : i32
    %dma_start3A_291 = arith.constant 0 : i32
    %dma_start3A_292 = tpu.memref_slice %arg3[%dma_start3A_290, %dma_start3A_291] : memref<1048576x32xf32, #tpu.memory_space<hbm>> -> memref<1048576x32xf32, #tpu.memory_space<hbm>>
    tpu.enqueue_indirect_dma source(%dma_start3A_292 : memref<1048576x32xf32, #tpu.memory_space<hbm>>) target(%dma_start3A_286 : memref<1024x32xf32, #tpu.memory_space<vmem>>) offsets(%dma_start3A_289 : memref<1024xi32, #tpu.memory_space<vmem>>) semaphore(%arg8 : memref<!tpu.dma_semaphore, #tpu.memory_space<semaphore_mem>>)
    %dma_wait3A_293 = arith.constant 2 : i32
    %dma_wait3A_294 = arith.constant 2 : i32
    %dma_wait3A_295 = arith.constant 0 : i32
    %dma_wait3A_296 = arith.constant 0 : i32
    %dma_wait3A_297 = tpu.memref_slice %arg6[%dma_wait3A_294, %dma_wait3A_295, %dma_wait3A_296] : memref<3x1024x32xf32, #tpu.memory_space<vmem>> -> memref<1x1024x32xf32, #tpu.memory_space<vmem>>
    %dma_wait3A_298 = tpu.memref_squeeze %dma_wait3A_297 : memref<1x1024x32xf32, #tpu.memory_space<vmem>> -> memref<1024x32xf32, #tpu.memory_space<vmem>>
    %dma_wait3A_299 = arith.constant 0 : i32
    %dma_wait3A_300 = tpu.memref_slice %arg5[%dma_wait3A_293, %dma_wait3A_299] : memref<5x1024xi32, #tpu.memory_space<vmem>> -> memref<1x1024xi32, #tpu.memory_space<vmem>>
    %dma_wait3A_301 = tpu.memref_squeeze %dma_wait3A_300 : memref<1x1024xi32, #tpu.memory_space<vmem>> -> memref<1024xi32, #tpu.memory_space<vmem>>
    %dma_wait3A_302 = arith.constant 0 : i32
    %dma_wait3A_303 = arith.constant 0 : i32
    %dma_wait3A_304 = tpu.memref_slice %arg3[%dma_wait3A_302, %dma_wait3A_303] : memref<1048576x32xf32, #tpu.memory_space<hbm>> -> memref<1048576x32xf32, #tpu.memory_space<hbm>>
    tpu.wait_indirect_dma semaphore(%arg9 : memref<!tpu.dma_semaphore, #tpu.memory_space<semaphore_mem>>) src(%dma_wait3A_304 : memref<1048576x32xf32, #tpu.memory_space<hbm>>) dst(%dma_wait3A_298 : memref<1024x32xf32, #tpu.memory_space<vmem>>)
    %add3A_305 = arith.constant 2048 : i32
    %add3A_306 = arith.addi %mul3A_2, %add3A_305 : i32
    %jit3A_307 = arith.constant 16384 : i32
    %div3A_308 = arith.divsi %add3A_306, %jit3A_307 : i32
    %sign3A_309 = arith.constant 0 : i32
    %sign3A_310 = arith.cmpi sgt, %add3A_306, %sign3A_309 : i32
    %sign3A_311 = arith.extui %sign3A_310 : i1 to i32
    %sign3A_312 = arith.constant 0 : i32
    %sign3A_313 = arith.cmpi slt, %add3A_306, %sign3A_312 : i32
    %sign3A_314 = arith.extui %sign3A_313 : i1 to i32
    %sign3A_315 = arith.subi %sign3A_311, %sign3A_314 : i32
    %sign3A_316 = arith.constant 0 : i32
    %sign3A_317 = arith.cmpi sgt, %jit3A_307, %sign3A_316 : i32
    %sign3A_318 = arith.extui %sign3A_317 : i1 to i32
    %sign3A_319 = arith.constant 0 : i32
    %sign3A_320 = arith.cmpi slt, %jit3A_307, %sign3A_319 : i32
    %sign3A_321 = arith.extui %sign3A_320 : i1 to i32
    %sign3A_322 = arith.subi %sign3A_318, %sign3A_321 : i32
    %ne3A_323 = arith.cmpi ne, %sign3A_315, %sign3A_322 : i32
    %rem3A_324 = arith.remsi %add3A_306, %jit3A_307 : i32
    %ne3A_325 = arith.constant 0 : i32
    %ne3A_326 = arith.cmpi ne, %rem3A_324, %ne3A_325 : i32
    %and3A_327 = arith.andi %ne3A_323, %ne3A_326 : i1
    %sub3A_328 = arith.constant 1 : i32
    %sub3A_329 = arith.subi %div3A_308, %sub3A_328 : i32
    %select_n3A_330 = arith.select %and3A_327, %sub3A_329, %div3A_308 : i32
    %jit3A_331 = arith.constant 16384 : i32
    %eq3A_332 = arith.constant 0 : i32
    %eq3A_333 = arith.cmpi eq, %jit3A_331, %eq3A_332 : i32
    %jit3A_334 = arith.constant 1 : i32
    %select_n3A_335 = arith.select %eq3A_333, %jit3A_334, %jit3A_331 : i32
    %rem3A_336 = arith.remsi %add3A_306, %select_n3A_335 : i32
    %ne3A_337 = arith.constant 0 : i32
    %ne3A_338 = arith.cmpi ne, %rem3A_336, %ne3A_337 : i32
    %lt3A_339 = arith.constant 0 : i32
    %lt3A_340 = arith.cmpi slt, %rem3A_336, %lt3A_339 : i32
    %lt3A_341 = arith.constant 0 : i32
    %lt3A_342 = arith.cmpi slt, %select_n3A_335, %lt3A_341 : i32
    %ne3A_343 = arith.xori %lt3A_340, %lt3A_342 : i1
    %and3A_344 = arith.andi %ne3A_343, %ne3A_338 : i1
    %add3A_345 = arith.addi %rem3A_336, %select_n3A_335 : i32
    %select_n3A_346 = arith.select %and3A_344, %add3A_345, %rem3A_336 : i32
    %jit3A_347 = arith.constant 4096 : i32
    %div3A_348 = arith.divsi %select_n3A_346, %jit3A_347 : i32
    %sign3A_349 = arith.constant 0 : i32
    %sign3A_350 = arith.cmpi sgt, %select_n3A_346, %sign3A_349 : i32
    %sign3A_351 = arith.extui %sign3A_350 : i1 to i32
    %sign3A_352 = arith.constant 0 : i32
    %sign3A_353 = arith.cmpi slt, %select_n3A_346, %sign3A_352 : i32
    %sign3A_354 = arith.extui %sign3A_353 : i1 to i32
    %sign3A_355 = arith.subi %sign3A_351, %sign3A_354 : i32
    %sign3A_356 = arith.constant 0 : i32
    %sign3A_357 = arith.cmpi sgt, %jit3A_347, %sign3A_356 : i32
    %sign3A_358 = arith.extui %sign3A_357 : i1 to i32
    %sign3A_359 = arith.constant 0 : i32
    %sign3A_360 = arith.cmpi slt, %jit3A_347, %sign3A_359 : i32
    %sign3A_361 = arith.extui %sign3A_360 : i1 to i32
    %sign3A_362 = arith.subi %sign3A_358, %sign3A_361 : i32
    %ne3A_363 = arith.cmpi ne, %sign3A_355, %sign3A_362 : i32
    %rem3A_364 = arith.remsi %select_n3A_346, %jit3A_347 : i32
    %ne3A_365 = arith.constant 0 : i32
    %ne3A_366 = arith.cmpi ne, %rem3A_364, %ne3A_365 : i32
    %and3A_367 = arith.andi %ne3A_363, %ne3A_366 : i1
    %sub3A_368 = arith.constant 1 : i32
    %sub3A_369 = arith.subi %div3A_348, %sub3A_368 : i32
    %select_n3A_370 = arith.select %and3A_367, %sub3A_369, %div3A_348 : i32
    %jit3A_371 = arith.constant 4096 : i32
    %eq3A_372 = arith.constant 0 : i32
    %eq3A_373 = arith.cmpi eq, %jit3A_371, %eq3A_372 : i32
    %jit3A_374 = arith.constant 1 : i32
    %select_n3A_375 = arith.select %eq3A_373, %jit3A_374, %jit3A_371 : i32
    %rem3A_376 = arith.remsi %select_n3A_346, %select_n3A_375 : i32
    %ne3A_377 = arith.constant 0 : i32
    %ne3A_378 = arith.cmpi ne, %rem3A_376, %ne3A_377 : i32
    %lt3A_379 = arith.constant 0 : i32
    %lt3A_380 = arith.cmpi slt, %rem3A_376, %lt3A_379 : i32
    %lt3A_381 = arith.constant 0 : i32
    %lt3A_382 = arith.cmpi slt, %select_n3A_375, %lt3A_381 : i32
    %ne3A_383 = arith.xori %lt3A_380, %lt3A_382 : i1
    %and3A_384 = arith.andi %ne3A_383, %ne3A_378 : i1
    %add3A_385 = arith.addi %rem3A_376, %select_n3A_375 : i32
    %select_n3A_386 = arith.select %and3A_384, %add3A_385, %rem3A_376 : i32
    %mul3A_387 = arith.constant 4096 : i32
    %mul3A_388 = arith.muli %select_n3A_330, %mul3A_387 : i32
    %add3A_389 = arith.addi %mul3A_388, %select_n3A_386 : i32
    %mul3A_390 = arith.constant 32 : i32
    %mul3A_391 = arith.muli %select_n3A_370, %mul3A_390 : i32
    %dma_start3A_392 = arith.constant 2 : i32
    %dma_start3A_393 = arith.constant 0 : i32
    %dma_start3A_394 = arith.constant 0 : i32
    %dma_start3A_395 = tpu.memref_slice %arg6[%dma_start3A_392, %dma_start3A_393, %dma_start3A_394] : memref<3x1024x32xf32, #tpu.memory_space<vmem>> -> memref<1x1024x32xf32, #tpu.memory_space<vmem>>
    %dma_start3A_396 = tpu.memref_squeeze %dma_start3A_395 : memref<1x1024x32xf32, #tpu.memory_space<vmem>> -> memref<1024x32xf32, #tpu.memory_space<vmem>>
    %dma_start3A_397 = tpu.memref_slice %arg4[%add3A_389, %mul3A_391] : memref<40960x128xf32, #tpu.memory_space<hbm>> -> memref<1024x32xf32, #tpu.memory_space<hbm>>
    %dma_start3A_398 = tpu.memref_slice %arg4[%add3A_389, %mul3A_391] : memref<40960x128xf32, #tpu.memory_space<hbm>> -> memref<1024x32xf32, #tpu.memory_space<hbm>>
    %dma_start3A_399 = arith.constant 0 : i32
    %dma_start3A_400 = arith.constant 0 : i32
    %dma_start3A_401 = tpu.memref_slice %arg6[%dma_start3A_392, %dma_start3A_399, %dma_start3A_400] : memref<3x1024x32xf32, #tpu.memory_space<vmem>> -> memref<1x1024x32xf32, #tpu.memory_space<vmem>>
    %dma_start3A_402 = tpu.memref_squeeze %dma_start3A_401 : memref<1x1024x32xf32, #tpu.memory_space<vmem>> -> memref<1024x32xf32, #tpu.memory_space<vmem>>
    tpu.enqueue_dma source(%dma_start3A_402 : memref<1024x32xf32, #tpu.memory_space<vmem>>) target(%dma_start3A_398 : memref<1024x32xf32, #tpu.memory_space<hbm>>) target_semaphore(%arg12 : memref<!tpu.dma_semaphore, #tpu.memory_space<semaphore_mem>>)
    %dma_wait3A_403 = arith.constant 2 : i32
    %dma_wait3A_404 = arith.constant 0 : i32
    %dma_wait3A_405 = arith.constant 0 : i32
    %dma_wait3A_406 = tpu.memref_slice %arg6[%dma_wait3A_403, %dma_wait3A_404, %dma_wait3A_405] : memref<3x1024x32xf32, #tpu.memory_space<vmem>> -> memref<1x1024x32xf32, #tpu.memory_space<vmem>>
    %dma_wait3A_407 = tpu.memref_squeeze %dma_wait3A_406 : memref<1x1024x32xf32, #tpu.memory_space<vmem>> -> memref<1024x32xf32, #tpu.memory_space<vmem>>
    %dma_wait3A_408 = tpu.memref_slice %arg4[%add3A_389, %mul3A_391] : memref<40960x128xf32, #tpu.memory_space<hbm>> -> memref<1024x32xf32, #tpu.memory_space<hbm>>
    %dma_wait3A_409 = tpu.memref_slice %arg4[%add3A_389, %mul3A_391] : memref<40960x128xf32, #tpu.memory_space<hbm>> -> memref<1024x32xf32, #tpu.memory_space<hbm>>
    %dma_wait3A_410 = arith.constant 0 : i32
    %dma_wait3A_411 = arith.constant 0 : i32
    %dma_wait3A_412 = tpu.memref_slice %arg6[%dma_wait3A_403, %dma_wait3A_410, %dma_wait3A_411] : memref<3x1024x32xf32, #tpu.memory_space<vmem>> -> memref<1x1024x32xf32, #tpu.memory_space<vmem>>
    %dma_wait3A_413 = tpu.memref_squeeze %dma_wait3A_412 : memref<1x1024x32xf32, #tpu.memory_space<vmem>> -> memref<1024x32xf32, #tpu.memory_space<vmem>>
    tpu.wait_dma2 semaphore(%arg12 : memref<!tpu.dma_semaphore, #tpu.memory_space<semaphore_mem>>) src(%dma_wait3A_413 : memref<1024x32xf32, #tpu.memory_space<vmem>>) dst(%dma_wait3A_409 : memref<1024x32xf32, #tpu.memory_space<hbm>>)
    %dma_wait3A_414 = arith.constant 3 : i32
    %dma_wait3A_415 = arith.constant 0 : i32
    %dma_wait3A_416 = arith.constant 0 : i32
    %dma_wait3A_417 = arith.constant 0 : i32
    %dma_wait3A_418 = tpu.memref_slice %arg6[%dma_wait3A_415, %dma_wait3A_416, %dma_wait3A_417] : memref<3x1024x32xf32, #tpu.memory_space<vmem>> -> memref<1x1024x32xf32, #tpu.memory_space<vmem>>
    %dma_wait3A_419 = tpu.memref_squeeze %dma_wait3A_418 : memref<1x1024x32xf32, #tpu.memory_space<vmem>> -> memref<1024x32xf32, #tpu.memory_space<vmem>>
    %dma_wait3A_420 = arith.constant 0 : i32
    %dma_wait3A_421 = tpu.memref_slice %arg5[%dma_wait3A_414, %dma_wait3A_420] : memref<5x1024xi32, #tpu.memory_space<vmem>> -> memref<1x1024xi32, #tpu.memory_space<vmem>>
    %dma_wait3A_422 = tpu.memref_squeeze %dma_wait3A_421 : memref<1x1024xi32, #tpu.memory_space<vmem>> -> memref<1024xi32, #tpu.memory_space<vmem>>
    %dma_wait3A_423 = arith.constant 0 : i32
    %dma_wait3A_424 = arith.constant 0 : i32
    %dma_wait3A_425 = tpu.memref_slice %arg3[%dma_wait3A_423, %dma_wait3A_424] : memref<1048576x32xf32, #tpu.memory_space<hbm>> -> memref<1048576x32xf32, #tpu.memory_space<hbm>>
    tpu.wait_indirect_dma semaphore(%arg7 : memref<!tpu.dma_semaphore, #tpu.memory_space<semaphore_mem>>) src(%dma_wait3A_425 : memref<1048576x32xf32, #tpu.memory_space<hbm>>) dst(%dma_wait3A_419 : memref<1024x32xf32, #tpu.memory_space<vmem>>)
    %add3A_426 = arith.constant 3072 : i32
    %add3A_427 = arith.addi %mul3A_2, %add3A_426 : i32
    %jit3A_428 = arith.constant 16384 : i32
    %div3A_429 = arith.divsi %add3A_427, %jit3A_428 : i32
    %sign3A_430 = arith.constant 0 : i32
    %sign3A_431 = arith.cmpi sgt, %add3A_427, %sign3A_430 : i32
    %sign3A_432 = arith.extui %sign3A_431 : i1 to i32
    %sign3A_433 = arith.constant 0 : i32
    %sign3A_434 = arith.cmpi slt, %add3A_427, %sign3A_433 : i32
    %sign3A_435 = arith.extui %sign3A_434 : i1 to i32
    %sign3A_436 = arith.subi %sign3A_432, %sign3A_435 : i32
    %sign3A_437 = arith.constant 0 : i32
    %sign3A_438 = arith.cmpi sgt, %jit3A_428, %sign3A_437 : i32
    %sign3A_439 = arith.extui %sign3A_438 : i1 to i32
    %sign3A_440 = arith.constant 0 : i32
    %sign3A_441 = arith.cmpi slt, %jit3A_428, %sign3A_440 : i32
    %sign3A_442 = arith.extui %sign3A_441 : i1 to i32
    %sign3A_443 = arith.subi %sign3A_439, %sign3A_442 : i32
    %ne3A_444 = arith.cmpi ne, %sign3A_436, %sign3A_443 : i32
    %rem3A_445 = arith.remsi %add3A_427, %jit3A_428 : i32
    %ne3A_446 = arith.constant 0 : i32
    %ne3A_447 = arith.cmpi ne, %rem3A_445, %ne3A_446 : i32
    %and3A_448 = arith.andi %ne3A_444, %ne3A_447 : i1
    %sub3A_449 = arith.constant 1 : i32
    %sub3A_450 = arith.subi %div3A_429, %sub3A_449 : i32
    %select_n3A_451 = arith.select %and3A_448, %sub3A_450, %div3A_429 : i32
    %jit3A_452 = arith.constant 16384 : i32
    %eq3A_453 = arith.constant 0 : i32
    %eq3A_454 = arith.cmpi eq, %jit3A_452, %eq3A_453 : i32
    %jit3A_455 = arith.constant 1 : i32
    %select_n3A_456 = arith.select %eq3A_454, %jit3A_455, %jit3A_452 : i32
    %rem3A_457 = arith.remsi %add3A_427, %select_n3A_456 : i32
    %ne3A_458 = arith.constant 0 : i32
    %ne3A_459 = arith.cmpi ne, %rem3A_457, %ne3A_458 : i32
    %lt3A_460 = arith.constant 0 : i32
    %lt3A_461 = arith.cmpi slt, %rem3A_457, %lt3A_460 : i32
    %lt3A_462 = arith.constant 0 : i32
    %lt3A_463 = arith.cmpi slt, %select_n3A_456, %lt3A_462 : i32
    %ne3A_464 = arith.xori %lt3A_461, %lt3A_463 : i1
    %and3A_465 = arith.andi %ne3A_464, %ne3A_459 : i1
    %add3A_466 = arith.addi %rem3A_457, %select_n3A_456 : i32
    %select_n3A_467 = arith.select %and3A_465, %add3A_466, %rem3A_457 : i32
    %jit3A_468 = arith.constant 4096 : i32
    %div3A_469 = arith.divsi %select_n3A_467, %jit3A_468 : i32
    %sign3A_470 = arith.constant 0 : i32
    %sign3A_471 = arith.cmpi sgt, %select_n3A_467, %sign3A_470 : i32
    %sign3A_472 = arith.extui %sign3A_471 : i1 to i32
    %sign3A_473 = arith.constant 0 : i32
    %sign3A_474 = arith.cmpi slt, %select_n3A_467, %sign3A_473 : i32
    %sign3A_475 = arith.extui %sign3A_474 : i1 to i32
    %sign3A_476 = arith.subi %sign3A_472, %sign3A_475 : i32
    %sign3A_477 = arith.constant 0 : i32
    %sign3A_478 = arith.cmpi sgt, %jit3A_468, %sign3A_477 : i32
    %sign3A_479 = arith.extui %sign3A_478 : i1 to i32
    %sign3A_480 = arith.constant 0 : i32
    %sign3A_481 = arith.cmpi slt, %jit3A_468, %sign3A_480 : i32
    %sign3A_482 = arith.extui %sign3A_481 : i1 to i32
    %sign3A_483 = arith.subi %sign3A_479, %sign3A_482 : i32
    %ne3A_484 = arith.cmpi ne, %sign3A_476, %sign3A_483 : i32
    %rem3A_485 = arith.remsi %select_n3A_467, %jit3A_468 : i32
    %ne3A_486 = arith.constant 0 : i32
    %ne3A_487 = arith.cmpi ne, %rem3A_485, %ne3A_486 : i32
    %and3A_488 = arith.andi %ne3A_484, %ne3A_487 : i1
    %sub3A_489 = arith.constant 1 : i32
    %sub3A_490 = arith.subi %div3A_469, %sub3A_489 : i32
    %select_n3A_491 = arith.select %and3A_488, %sub3A_490, %div3A_469 : i32
    %jit3A_492 = arith.constant 4096 : i32
    %eq3A_493 = arith.constant 0 : i32
    %eq3A_494 = arith.cmpi eq, %jit3A_492, %eq3A_493 : i32
    %jit3A_495 = arith.constant 1 : i32
    %select_n3A_496 = arith.select %eq3A_494, %jit3A_495, %jit3A_492 : i32
    %rem3A_497 = arith.remsi %select_n3A_467, %select_n3A_496 : i32
    %ne3A_498 = arith.constant 0 : i32
    %ne3A_499 = arith.cmpi ne, %rem3A_497, %ne3A_498 : i32
    %lt3A_500 = arith.constant 0 : i32
    %lt3A_501 = arith.cmpi slt, %rem3A_497, %lt3A_500 : i32
    %lt3A_502 = arith.constant 0 : i32
    %lt3A_503 = arith.cmpi slt, %select_n3A_496, %lt3A_502 : i32
    %ne3A_504 = arith.xori %lt3A_501, %lt3A_503 : i1
    %and3A_505 = arith.andi %ne3A_504, %ne3A_499 : i1
    %add3A_506 = arith.addi %rem3A_497, %select_n3A_496 : i32
    %select_n3A_507 = arith.select %and3A_505, %add3A_506, %rem3A_497 : i32
    %mul3A_508 = arith.constant 4096 : i32
    %mul3A_509 = arith.muli %select_n3A_451, %mul3A_508 : i32
    %add3A_510 = arith.addi %mul3A_509, %select_n3A_507 : i32
    %mul3A_511 = arith.constant 32 : i32
    %mul3A_512 = arith.muli %select_n3A_491, %mul3A_511 : i32
    %dma_start3A_513 = arith.constant 0 : i32
    %dma_start3A_514 = arith.constant 0 : i32
    %dma_start3A_515 = arith.constant 0 : i32
    %dma_start3A_516 = tpu.memref_slice %arg6[%dma_start3A_513, %dma_start3A_514, %dma_start3A_515] : memref<3x1024x32xf32, #tpu.memory_space<vmem>> -> memref<1x1024x32xf32, #tpu.memory_space<vmem>>
    %dma_start3A_517 = tpu.memref_squeeze %dma_start3A_516 : memref<1x1024x32xf32, #tpu.memory_space<vmem>> -> memref<1024x32xf32, #tpu.memory_space<vmem>>
    %dma_start3A_518 = tpu.memref_slice %arg4[%add3A_510, %mul3A_512] : memref<40960x128xf32, #tpu.memory_space<hbm>> -> memref<1024x32xf32, #tpu.memory_space<hbm>>
    %dma_start3A_519 = tpu.memref_slice %arg4[%add3A_510, %mul3A_512] : memref<40960x128xf32, #tpu.memory_space<hbm>> -> memref<1024x32xf32, #tpu.memory_space<hbm>>
    %dma_start3A_520 = arith.constant 0 : i32
    %dma_start3A_521 = arith.constant 0 : i32
    %dma_start3A_522 = tpu.memref_slice %arg6[%dma_start3A_513, %dma_start3A_520, %dma_start3A_521] : memref<3x1024x32xf32, #tpu.memory_space<vmem>> -> memref<1x1024x32xf32, #tpu.memory_space<vmem>>
    %dma_start3A_523 = tpu.memref_squeeze %dma_start3A_522 : memref<1x1024x32xf32, #tpu.memory_space<vmem>> -> memref<1024x32xf32, #tpu.memory_space<vmem>>
    tpu.enqueue_dma source(%dma_start3A_523 : memref<1024x32xf32, #tpu.memory_space<vmem>>) target(%dma_start3A_519 : memref<1024x32xf32, #tpu.memory_space<hbm>>) target_semaphore(%arg10 : memref<!tpu.dma_semaphore, #tpu.memory_space<semaphore_mem>>)
    %dma_wait3A_524 = arith.constant 0 : i32
    %dma_wait3A_525 = arith.constant 0 : i32
    %dma_wait3A_526 = arith.constant 0 : i32
    %dma_wait3A_527 = tpu.memref_slice %arg6[%dma_wait3A_524, %dma_wait3A_525, %dma_wait3A_526] : memref<3x1024x32xf32, #tpu.memory_space<vmem>> -> memref<1x1024x32xf32, #tpu.memory_space<vmem>>
    %dma_wait3A_528 = tpu.memref_squeeze %dma_wait3A_527 : memref<1x1024x32xf32, #tpu.memory_space<vmem>> -> memref<1024x32xf32, #tpu.memory_space<vmem>>
    %dma_wait3A_529 = tpu.memref_slice %arg4[%add3A_510, %mul3A_512] : memref<40960x128xf32, #tpu.memory_space<hbm>> -> memref<1024x32xf32, #tpu.memory_space<hbm>>
    %dma_wait3A_530 = tpu.memref_slice %arg4[%add3A_510, %mul3A_512] : memref<40960x128xf32, #tpu.memory_space<hbm>> -> memref<1024x32xf32, #tpu.memory_space<hbm>>
    %dma_wait3A_531 = arith.constant 0 : i32
    %dma_wait3A_532 = arith.constant 0 : i32
    %dma_wait3A_533 = tpu.memref_slice %arg6[%dma_wait3A_524, %dma_wait3A_531, %dma_wait3A_532] : memref<3x1024x32xf32, #tpu.memory_space<vmem>> -> memref<1x1024x32xf32, #tpu.memory_space<vmem>>
    %dma_wait3A_534 = tpu.memref_squeeze %dma_wait3A_533 : memref<1x1024x32xf32, #tpu.memory_space<vmem>> -> memref<1024x32xf32, #tpu.memory_space<vmem>>
    tpu.wait_dma2 semaphore(%arg10 : memref<!tpu.dma_semaphore, #tpu.memory_space<semaphore_mem>>) src(%dma_wait3A_534 : memref<1024x32xf32, #tpu.memory_space<vmem>>) dst(%dma_wait3A_530 : memref<1024x32xf32, #tpu.memory_space<hbm>>)
    %dma_wait3A_535 = arith.constant 4 : i32
    %dma_wait3A_536 = arith.constant 1 : i32
    %dma_wait3A_537 = arith.constant 0 : i32
    %dma_wait3A_538 = arith.constant 0 : i32
    %dma_wait3A_539 = tpu.memref_slice %arg6[%dma_wait3A_536, %dma_wait3A_537, %dma_wait3A_538] : memref<3x1024x32xf32, #tpu.memory_space<vmem>> -> memref<1x1024x32xf32, #tpu.memory_space<vmem>>
    %dma_wait3A_540 = tpu.memref_squeeze %dma_wait3A_539 : memref<1x1024x32xf32, #tpu.memory_space<vmem>> -> memref<1024x32xf32, #tpu.memory_space<vmem>>
    %dma_wait3A_541 = arith.constant 0 : i32
    %dma_wait3A_542 = tpu.memref_slice %arg5[%dma_wait3A_535, %dma_wait3A_541] : memref<5x1024xi32, #tpu.memory_space<vmem>> -> memref<1x1024xi32, #tpu.memory_space<vmem>>
    %dma_wait3A_543 = tpu.memref_squeeze %dma_wait3A_542 : memref<1x1024xi32, #tpu.memory_space<vmem>> -> memref<1024xi32, #tpu.memory_space<vmem>>
    %dma_wait3A_544 = arith.constant 0 : i32
    %dma_wait3A_545 = arith.constant 0 : i32
    %dma_wait3A_546 = tpu.memref_slice %arg3[%dma_wait3A_544, %dma_wait3A_545] : memref<1048576x32xf32, #tpu.memory_space<hbm>> -> memref<1048576x32xf32, #tpu.memory_space<hbm>>
    tpu.wait_indirect_dma semaphore(%arg8 : memref<!tpu.dma_semaphore, #tpu.memory_space<semaphore_mem>>) src(%dma_wait3A_546 : memref<1048576x32xf32, #tpu.memory_space<hbm>>) dst(%dma_wait3A_540 : memref<1024x32xf32, #tpu.memory_space<vmem>>)
    %add3A_547 = arith.constant 4096 : i32
    %add3A_548 = arith.addi %mul3A_2, %add3A_547 : i32
    %jit3A_549 = arith.constant 16384 : i32
    %div3A_550 = arith.divsi %add3A_548, %jit3A_549 : i32
    %sign3A_551 = arith.constant 0 : i32
    %sign3A_552 = arith.cmpi sgt, %add3A_548, %sign3A_551 : i32
    %sign3A_553 = arith.extui %sign3A_552 : i1 to i32
    %sign3A_554 = arith.constant 0 : i32
    %sign3A_555 = arith.cmpi slt, %add3A_548, %sign3A_554 : i32
    %sign3A_556 = arith.extui %sign3A_555 : i1 to i32
    %sign3A_557 = arith.subi %sign3A_553, %sign3A_556 : i32
    %sign3A_558 = arith.constant 0 : i32
    %sign3A_559 = arith.cmpi sgt, %jit3A_549, %sign3A_558 : i32
    %sign3A_560 = arith.extui %sign3A_559 : i1 to i32
    %sign3A_561 = arith.constant 0 : i32
    %sign3A_562 = arith.cmpi slt, %jit3A_549, %sign3A_561 : i32
    %sign3A_563 = arith.extui %sign3A_562 : i1 to i32
    %sign3A_564 = arith.subi %sign3A_560, %sign3A_563 : i32
    %ne3A_565 = arith.cmpi ne, %sign3A_557, %sign3A_564 : i32
    %rem3A_566 = arith.remsi %add3A_548, %jit3A_549 : i32
    %ne3A_567 = arith.constant 0 : i32
    %ne3A_568 = arith.cmpi ne, %rem3A_566, %ne3A_567 : i32
    %and3A_569 = arith.andi %ne3A_565, %ne3A_568 : i1
    %sub3A_570 = arith.constant 1 : i32
    %sub3A_571 = arith.subi %div3A_550, %sub3A_570 : i32
    %select_n3A_572 = arith.select %and3A_569, %sub3A_571, %div3A_550 : i32
    %jit3A_573 = arith.constant 16384 : i32
    %eq3A_574 = arith.constant 0 : i32
    %eq3A_575 = arith.cmpi eq, %jit3A_573, %eq3A_574 : i32
    %jit3A_576 = arith.constant 1 : i32
    %select_n3A_577 = arith.select %eq3A_575, %jit3A_576, %jit3A_573 : i32
    %rem3A_578 = arith.remsi %add3A_548, %select_n3A_577 : i32
    %ne3A_579 = arith.constant 0 : i32
    %ne3A_580 = arith.cmpi ne, %rem3A_578, %ne3A_579 : i32
    %lt3A_581 = arith.constant 0 : i32
    %lt3A_582 = arith.cmpi slt, %rem3A_578, %lt3A_581 : i32
    %lt3A_583 = arith.constant 0 : i32
    %lt3A_584 = arith.cmpi slt, %select_n3A_577, %lt3A_583 : i32
    %ne3A_585 = arith.xori %lt3A_582, %lt3A_584 : i1
    %and3A_586 = arith.andi %ne3A_585, %ne3A_580 : i1
    %add3A_587 = arith.addi %rem3A_578, %select_n3A_577 : i32
    %select_n3A_588 = arith.select %and3A_586, %add3A_587, %rem3A_578 : i32
    %jit3A_589 = arith.constant 4096 : i32
    %div3A_590 = arith.divsi %select_n3A_588, %jit3A_589 : i32
    %sign3A_591 = arith.constant 0 : i32
    %sign3A_592 = arith.cmpi sgt, %select_n3A_588, %sign3A_591 : i32
    %sign3A_593 = arith.extui %sign3A_592 : i1 to i32
    %sign3A_594 = arith.constant 0 : i32
    %sign3A_595 = arith.cmpi slt, %select_n3A_588, %sign3A_594 : i32
    %sign3A_596 = arith.extui %sign3A_595 : i1 to i32
    %sign3A_597 = arith.subi %sign3A_593, %sign3A_596 : i32
    %sign3A_598 = arith.constant 0 : i32
    %sign3A_599 = arith.cmpi sgt, %jit3A_589, %sign3A_598 : i32
    %sign3A_600 = arith.extui %sign3A_599 : i1 to i32
    %sign3A_601 = arith.constant 0 : i32
    %sign3A_602 = arith.cmpi slt, %jit3A_589, %sign3A_601 : i32
    %sign3A_603 = arith.extui %sign3A_602 : i1 to i32
    %sign3A_604 = arith.subi %sign3A_600, %sign3A_603 : i32
    %ne3A_605 = arith.cmpi ne, %sign3A_597, %sign3A_604 : i32
    %rem3A_606 = arith.remsi %select_n3A_588, %jit3A_589 : i32
    %ne3A_607 = arith.constant 0 : i32
    %ne3A_608 = arith.cmpi ne, %rem3A_606, %ne3A_607 : i32
    %and3A_609 = arith.andi %ne3A_605, %ne3A_608 : i1
    %sub3A_610 = arith.constant 1 : i32
    %sub3A_611 = arith.subi %div3A_590, %sub3A_610 : i32
    %select_n3A_612 = arith.select %and3A_609, %sub3A_611, %div3A_590 : i32
    %jit3A_613 = arith.constant 4096 : i32
    %eq3A_614 = arith.constant 0 : i32
    %eq3A_615 = arith.cmpi eq, %jit3A_613, %eq3A_614 : i32
    %jit3A_616 = arith.constant 1 : i32
    %select_n3A_617 = arith.select %eq3A_615, %jit3A_616, %jit3A_613 : i32
    %rem3A_618 = arith.remsi %select_n3A_588, %select_n3A_617 : i32
    %ne3A_619 = arith.constant 0 : i32
    %ne3A_620 = arith.cmpi ne, %rem3A_618, %ne3A_619 : i32
    %lt3A_621 = arith.constant 0 : i32
    %lt3A_622 = arith.cmpi slt, %rem3A_618, %lt3A_621 : i32
    %lt3A_623 = arith.constant 0 : i32
    %lt3A_624 = arith.cmpi slt, %select_n3A_617, %lt3A_623 : i32
    %ne3A_625 = arith.xori %lt3A_622, %lt3A_624 : i1
    %and3A_626 = arith.andi %ne3A_625, %ne3A_620 : i1
    %add3A_627 = arith.addi %rem3A_618, %select_n3A_617 : i32
    %select_n3A_628 = arith.select %and3A_626, %add3A_627, %rem3A_618 : i32
    %mul3A_629 = arith.constant 4096 : i32
    %mul3A_630 = arith.muli %select_n3A_572, %mul3A_629 : i32
    %add3A_631 = arith.addi %mul3A_630, %select_n3A_628 : i32
    %mul3A_632 = arith.constant 32 : i32
    %mul3A_633 = arith.muli %select_n3A_612, %mul3A_632 : i32
    %dma_start3A_634 = arith.constant 1 : i32
    %dma_start3A_635 = arith.constant 0 : i32
    %dma_start3A_636 = arith.constant 0 : i32
    %dma_start3A_637 = tpu.memref_slice %arg6[%dma_start3A_634, %dma_start3A_635, %dma_start3A_636] : memref<3x1024x32xf32, #tpu.memory_space<vmem>> -> memref<1x1024x32xf32, #tpu.memory_space<vmem>>
    %dma_start3A_638 = tpu.memref_squeeze %dma_start3A_637 : memref<1x1024x32xf32, #tpu.memory_space<vmem>> -> memref<1024x32xf32, #tpu.memory_space<vmem>>
    %dma_start3A_639 = tpu.memref_slice %arg4[%add3A_631, %mul3A_633] : memref<40960x128xf32, #tpu.memory_space<hbm>> -> memref<1024x32xf32, #tpu.memory_space<hbm>>
    %dma_start3A_640 = tpu.memref_slice %arg4[%add3A_631, %mul3A_633] : memref<40960x128xf32, #tpu.memory_space<hbm>> -> memref<1024x32xf32, #tpu.memory_space<hbm>>
    %dma_start3A_641 = arith.constant 0 : i32
    %dma_start3A_642 = arith.constant 0 : i32
    %dma_start3A_643 = tpu.memref_slice %arg6[%dma_start3A_634, %dma_start3A_641, %dma_start3A_642] : memref<3x1024x32xf32, #tpu.memory_space<vmem>> -> memref<1x1024x32xf32, #tpu.memory_space<vmem>>
    %dma_start3A_644 = tpu.memref_squeeze %dma_start3A_643 : memref<1x1024x32xf32, #tpu.memory_space<vmem>> -> memref<1024x32xf32, #tpu.memory_space<vmem>>
    tpu.enqueue_dma source(%dma_start3A_644 : memref<1024x32xf32, #tpu.memory_space<vmem>>) target(%dma_start3A_640 : memref<1024x32xf32, #tpu.memory_space<hbm>>) target_semaphore(%arg11 : memref<!tpu.dma_semaphore, #tpu.memory_space<semaphore_mem>>)
    %dma_wait3A_645 = arith.constant 1 : i32
    %dma_wait3A_646 = arith.constant 0 : i32
    %dma_wait3A_647 = arith.constant 0 : i32
    %dma_wait3A_648 = tpu.memref_slice %arg6[%dma_wait3A_645, %dma_wait3A_646, %dma_wait3A_647] : memref<3x1024x32xf32, #tpu.memory_space<vmem>> -> memref<1x1024x32xf32, #tpu.memory_space<vmem>>
    %dma_wait3A_649 = tpu.memref_squeeze %dma_wait3A_648 : memref<1x1024x32xf32, #tpu.memory_space<vmem>> -> memref<1024x32xf32, #tpu.memory_space<vmem>>
    %dma_wait3A_650 = tpu.memref_slice %arg4[%add3A_631, %mul3A_633] : memref<40960x128xf32, #tpu.memory_space<hbm>> -> memref<1024x32xf32, #tpu.memory_space<hbm>>
    %dma_wait3A_651 = tpu.memref_slice %arg4[%add3A_631, %mul3A_633] : memref<40960x128xf32, #tpu.memory_space<hbm>> -> memref<1024x32xf32, #tpu.memory_space<hbm>>
    %dma_wait3A_652 = arith.constant 0 : i32
    %dma_wait3A_653 = arith.constant 0 : i32
    %dma_wait3A_654 = tpu.memref_slice %arg6[%dma_wait3A_645, %dma_wait3A_652, %dma_wait3A_653] : memref<3x1024x32xf32, #tpu.memory_space<vmem>> -> memref<1x1024x32xf32, #tpu.memory_space<vmem>>
    %dma_wait3A_655 = tpu.memref_squeeze %dma_wait3A_654 : memref<1x1024x32xf32, #tpu.memory_space<vmem>> -> memref<1024x32xf32, #tpu.memory_space<vmem>>
    tpu.wait_dma2 semaphore(%arg11 : memref<!tpu.dma_semaphore, #tpu.memory_space<semaphore_mem>>) src(%dma_wait3A_655 : memref<1024x32xf32, #tpu.memory_space<vmem>>) dst(%dma_wait3A_651 : memref<1024x32xf32, #tpu.memory_space<hbm>>)
    return
  }
}

module attributes {stable_mosaic.version = 14 : i64} {
  func.func @_retile_body(%arg0: i32, %arg1: memref<32x65536xf32, #tpu.memory_space<vmem>>, %arg2: memref<16384x128xf32, #tpu.memory_space<vmem>>) attributes {dimension_semantics = [#tpu.dimension_semantics<arbitrary>], iteration_bounds = array<i64: 16>, scalar_prefetch = 0 : i64, scratch_operands = 0 : i64, tpu.core_type = #tpu.core_type<tc>, window_params = [{transform_indices = @transform_0, window_bounds = array<i64: 32, 65536>}, {transform_indices = @transform_1, window_bounds = array<i64: 16384, 128>}]} {
    %get3A = arith.constant 0 : index
    %get3A_0 = arith.constant 0 : index
    %get3A_1 = vector.load %arg1[%get3A, %get3A_0] : memref<32x65536xf32, #tpu.memory_space<vmem>>, vector<32x65536xf32>
    %slice3A = vector.extract_strided_slice %get3A_1 {offsets = [0, 0], sizes = [32, 16384], strides = [1, 1]} : vector<32x65536xf32> to vector<32x16384xf32>
    %slice3A_2 = vector.extract_strided_slice %get3A_1 {offsets = [0, 16384], sizes = [32, 16384], strides = [1, 1]} : vector<32x65536xf32> to vector<32x16384xf32>
    %slice3A_3 = vector.extract_strided_slice %get3A_1 {offsets = [0, 32768], sizes = [32, 16384], strides = [1, 1]} : vector<32x65536xf32> to vector<32x16384xf32>
    %slice3A_4 = vector.extract_strided_slice %get3A_1 {offsets = [0, 49152], sizes = [32, 16384], strides = [1, 1]} : vector<32x65536xf32> to vector<32x16384xf32>
    %concatenate3A = tpu.concatenate %slice3A, %slice3A_2, %slice3A_3, %slice3A_4 in 0 : vector<32x16384xf32>, vector<32x16384xf32>, vector<32x16384xf32>, vector<32x16384xf32> -> vector<128x16384xf32>
    %transpose3A = tpu.transpose %concatenate3A, [1, 0] : vector<128x16384xf32> -> vector<16384x128xf32>
    %swap3A = arith.constant 0 : index
    %swap3A_5 = arith.constant 0 : index
    %swap3A_6 = vector.load %arg2[%swap3A, %swap3A_5] : memref<16384x128xf32, #tpu.memory_space<vmem>>, vector<16384x128xf32>
    tpu.vector_store %arg2[%swap3A, %swap3A_5], %transpose3A {strides = array<i32>} : memref<16384x128xf32, #tpu.memory_space<vmem>>, vector<16384x128xf32>,
    return
  }
  func.func @transform_0(%arg0: i32) -> (i32, i32) {
    %c0_i32 = arith.constant 0 : i32
    %c0_i32_0 = arith.constant 0 : i32
    return %c0_i32, %arg0 : i32, i32
  }
  func.func @transform_1(%arg0: i32) -> (i32, i32) {
    %c0_i32 = arith.constant 0 : i32
    %c0_i32_0 = arith.constant 0 : i32
    return %arg0, %c0_i32 : i32, i32
  }
}

module attributes {stable_mosaic.version = 14 : i64} {
  func.func @_unflatten_body(%arg0: i32, %arg1: memref<4096x128xf32, #tpu.memory_space<vmem>>, %arg2: memref<1x32x16384xf32, #tpu.memory_space<vmem>>) attributes {dimension_semantics = [#tpu.dimension_semantics<arbitrary>], iteration_bounds = array<i64: 16>, scalar_prefetch = 0 : i64, scratch_operands = 0 : i64, tpu.core_type = #tpu.core_type<tc>, window_params = [{transform_indices = @transform_0, window_bounds = array<i64: 4096, 128>}, {transform_indices = @transform_1, window_bounds = array<i64: 1, 32, 16384>}]} {
    %get3A = arith.constant 0 : index
    %get3A_0 = arith.constant 0 : index
    %get3A_1 = vector.load %arg1[%get3A, %get3A_0] : memref<4096x128xf32, #tpu.memory_space<vmem>>, vector<4096x128xf32>
    %transpose3A = tpu.transpose %get3A_1, [1, 0] : vector<4096x128xf32> -> vector<128x4096xf32>
    %slice3A = vector.extract_strided_slice %transpose3A {offsets = [0, 0], sizes = [32, 4096], strides = [1, 1]} : vector<128x4096xf32> to vector<32x4096xf32>
    %swap3A = arith.constant 0 : index
    %swap3A_2 = arith.constant 0 : index
    %swap3A_3 = arith.constant 0 : index
    %swap3A_4 = vector.load %arg2[%swap3A, %swap3A_2, %swap3A_3] : memref<1x32x16384xf32, #tpu.memory_space<vmem>>, vector<1x32x4096xf32>
    %swap3A_5 = vector.shape_cast %swap3A_4 : vector<1x32x4096xf32> to vector<32x4096xf32>
    %swap3A_6 = vector.shape_cast %slice3A : vector<32x4096xf32> to vector<1x32x4096xf32>
    tpu.vector_store %arg2[%swap3A, %swap3A_2, %swap3A_3], %swap3A_6 {strides = array<i32>} : memref<1x32x16384xf32, #tpu.memory_space<vmem>>, vector<1x32x4096xf32>,
    %slice3A_7 = vector.extract_strided_slice %transpose3A {offsets = [32, 0], sizes = [32, 4096], strides = [1, 1]} : vector<128x4096xf32> to vector<32x4096xf32>
    %swap3A_8 = arith.constant 0 : index
    %swap3A_9 = arith.constant 0 : index
    %swap3A_10 = arith.constant 4096 : index
    %swap3A_11 = vector.load %arg2[%swap3A_8, %swap3A_9, %swap3A_10] : memref<1x32x16384xf32, #tpu.memory_space<vmem>>, vector<1x32x4096xf32>
    %swap3A_12 = vector.shape_cast %swap3A_11 : vector<1x32x4096xf32> to vector<32x4096xf32>
    %swap3A_13 = vector.shape_cast %slice3A_7 : vector<32x4096xf32> to vector<1x32x4096xf32>
    tpu.vector_store %arg2[%swap3A_8, %swap3A_9, %swap3A_10], %swap3A_13 {strides = array<i32>} : memref<1x32x16384xf32, #tpu.memory_space<vmem>>, vector<1x32x4096xf32>,
    %slice3A_14 = vector.extract_strided_slice %transpose3A {offsets = [64, 0], sizes = [32, 4096], strides = [1, 1]} : vector<128x4096xf32> to vector<32x4096xf32>
    %swap3A_15 = arith.constant 0 : index
    %swap3A_16 = arith.constant 0 : index
    %swap3A_17 = arith.constant 8192 : index
    %swap3A_18 = vector.load %arg2[%swap3A_15, %swap3A_16, %swap3A_17] : memref<1x32x16384xf32, #tpu.memory_space<vmem>>, vector<1x32x4096xf32>
    %swap3A_19 = vector.shape_cast %swap3A_18 : vector<1x32x4096xf32> to vector<32x4096xf32>
    %swap3A_20 = vector.shape_cast %slice3A_14 : vector<32x4096xf32> to vector<1x32x4096xf32>
    tpu.vector_store %arg2[%swap3A_15, %swap3A_16, %swap3A_17], %swap3A_20 {strides = array<i32>} : memref<1x32x16384xf32, #tpu.memory_space<vmem>>, vector<1x32x4096xf32>,
    %slice3A_21 = vector.extract_strided_slice %transpose3A {offsets = [96, 0], sizes = [32, 4096], strides = [1, 1]} : vector<128x4096xf32> to vector<32x4096xf32>
    %swap3A_22 = arith.constant 0 : index
    %swap3A_23 = arith.constant 0 : index
    %swap3A_24 = arith.constant 12288 : index
    %swap3A_25 = vector.load %arg2[%swap3A_22, %swap3A_23, %swap3A_24] : memref<1x32x16384xf32, #tpu.memory_space<vmem>>, vector<1x32x4096xf32>
    %swap3A_26 = vector.shape_cast %swap3A_25 : vector<1x32x4096xf32> to vector<32x4096xf32>
    %swap3A_27 = vector.shape_cast %slice3A_21 : vector<32x4096xf32> to vector<1x32x4096xf32>
    tpu.vector_store %arg2[%swap3A_22, %swap3A_23, %swap3A_24], %swap3A_27 {strides = array<i32>} : memref<1x32x16384xf32, #tpu.memory_space<vmem>>, vector<1x32x4096xf32>,
    return
  }
  func.func @transform_0(%arg0: i32) -> (i32, i32) {
    %c0_i32 = arith.constant 0 : i32
    %c0_i32_0 = arith.constant 0 : i32
    return %arg0, %c0_i32 : i32, i32
  }
  func.func @transform_1(%arg0: i32) -> (i32, i32, i32) {
    %add3A = arith.constant 0 : i32
    %add3A_0 = arith.addi %arg0, %add3A : i32
    %c0_i32 = arith.constant 0 : i32
    %c0_i32_1 = arith.constant 0 : i32
    %c0_i32_2 = arith.constant 0 : i32
    return %add3A_0, %c0_i32, %c0_i32_1 : i32, i32, i32
  }
}

module attributes {stable_mosaic.version = 14 : i64} {
  func.func @_unflatten_alias_body(%arg0: i32, %arg1: memref<4096x128xf32, #tpu.memory_space<vmem>>, %arg2: memref<26x32x16384xf32, #tpu.memory_space<hbm>>, %arg3: memref<1x32x16384xf32, #tpu.memory_space<vmem>>) attributes {dimension_semantics = [#tpu.dimension_semantics<arbitrary>], iteration_bounds = array<i64: 10>, scalar_prefetch = 0 : i64, scratch_operands = 0 : i64, tpu.core_type = #tpu.core_type<tc>, window_params = [{transform_indices = @transform_0, window_bounds = array<i64: 4096, 128>}, {}, {transform_indices = @transform_2, window_bounds = array<i64: 1, 32, 16384>}]} {
    %get3A = arith.constant 0 : index
    %get3A_0 = arith.constant 0 : index
    %get3A_1 = vector.load %arg1[%get3A, %get3A_0] : memref<4096x128xf32, #tpu.memory_space<vmem>>, vector<4096x128xf32>
    %transpose3A = tpu.transpose %get3A_1, [1, 0] : vector<4096x128xf32> -> vector<128x4096xf32>
    %slice3A = vector.extract_strided_slice %transpose3A {offsets = [0, 0], sizes = [32, 4096], strides = [1, 1]} : vector<128x4096xf32> to vector<32x4096xf32>
    %swap3A = arith.constant 0 : index
    %swap3A_2 = arith.constant 0 : index
    %swap3A_3 = arith.constant 0 : index
    %swap3A_4 = vector.load %arg3[%swap3A, %swap3A_2, %swap3A_3] : memref<1x32x16384xf32, #tpu.memory_space<vmem>>, vector<1x32x4096xf32>
    %swap3A_5 = vector.shape_cast %swap3A_4 : vector<1x32x4096xf32> to vector<32x4096xf32>
    %swap3A_6 = vector.shape_cast %slice3A : vector<32x4096xf32> to vector<1x32x4096xf32>
    tpu.vector_store %arg3[%swap3A, %swap3A_2, %swap3A_3], %swap3A_6 {strides = array<i32>} : memref<1x32x16384xf32, #tpu.memory_space<vmem>>, vector<1x32x4096xf32>,
    %slice3A_7 = vector.extract_strided_slice %transpose3A {offsets = [32, 0], sizes = [32, 4096], strides = [1, 1]} : vector<128x4096xf32> to vector<32x4096xf32>
    %swap3A_8 = arith.constant 0 : index
    %swap3A_9 = arith.constant 0 : index
    %swap3A_10 = arith.constant 4096 : index
    %swap3A_11 = vector.load %arg3[%swap3A_8, %swap3A_9, %swap3A_10] : memref<1x32x16384xf32, #tpu.memory_space<vmem>>, vector<1x32x4096xf32>
    %swap3A_12 = vector.shape_cast %swap3A_11 : vector<1x32x4096xf32> to vector<32x4096xf32>
    %swap3A_13 = vector.shape_cast %slice3A_7 : vector<32x4096xf32> to vector<1x32x4096xf32>
    tpu.vector_store %arg3[%swap3A_8, %swap3A_9, %swap3A_10], %swap3A_13 {strides = array<i32>} : memref<1x32x16384xf32, #tpu.memory_space<vmem>>, vector<1x32x4096xf32>,
    %slice3A_14 = vector.extract_strided_slice %transpose3A {offsets = [64, 0], sizes = [32, 4096], strides = [1, 1]} : vector<128x4096xf32> to vector<32x4096xf32>
    %swap3A_15 = arith.constant 0 : index
    %swap3A_16 = arith.constant 0 : index
    %swap3A_17 = arith.constant 8192 : index
    %swap3A_18 = vector.load %arg3[%swap3A_15, %swap3A_16, %swap3A_17] : memref<1x32x16384xf32, #tpu.memory_space<vmem>>, vector<1x32x4096xf32>
    %swap3A_19 = vector.shape_cast %swap3A_18 : vector<1x32x4096xf32> to vector<32x4096xf32>
    %swap3A_20 = vector.shape_cast %slice3A_14 : vector<32x4096xf32> to vector<1x32x4096xf32>
    tpu.vector_store %arg3[%swap3A_15, %swap3A_16, %swap3A_17], %swap3A_20 {strides = array<i32>} : memref<1x32x16384xf32, #tpu.memory_space<vmem>>, vector<1x32x4096xf32>,
    %slice3A_21 = vector.extract_strided_slice %transpose3A {offsets = [96, 0], sizes = [32, 4096], strides = [1, 1]} : vector<128x4096xf32> to vector<32x4096xf32>
    %swap3A_22 = arith.constant 0 : index
    %swap3A_23 = arith.constant 0 : index
    %swap3A_24 = arith.constant 12288 : index
    %swap3A_25 = vector.load %arg3[%swap3A_22, %swap3A_23, %swap3A_24] : memref<1x32x16384xf32, #tpu.memory_space<vmem>>, vector<1x32x4096xf32>
    %swap3A_26 = vector.shape_cast %swap3A_25 : vector<1x32x4096xf32> to vector<32x4096xf32>
    %swap3A_27 = vector.shape_cast %slice3A_21 : vector<32x4096xf32> to vector<1x32x4096xf32>
    tpu.vector_store %arg3[%swap3A_22, %swap3A_23, %swap3A_24], %swap3A_27 {strides = array<i32>} : memref<1x32x16384xf32, #tpu.memory_space<vmem>>, vector<1x32x4096xf32>,
    return
  }
  func.func @transform_0(%arg0: i32) -> (i32, i32) {
    %c0_i32 = arith.constant 0 : i32
    %c0_i32_0 = arith.constant 0 : i32
    return %arg0, %c0_i32 : i32, i32
  }
  func.func @transform_2(%arg0: i32) -> (i32, i32, i32) {
    %add3A = arith.constant 16 : i32
    %add3A_0 = arith.addi %arg0, %add3A : i32
    %c0_i32 = arith.constant 0 : i32
    %c0_i32_1 = arith.constant 0 : i32
    %c0_i32_2 = arith.constant 0 : i32
    return %add3A_0, %c0_i32, %c0_i32_1 : i32, i32, i32
  }
}

</mosaic_0001>

<sc_bundles>
// kernel: kernel.10.cloned.1.call-start
scs
__scs_entry_jumppad:
0x0: {  	(pc) =	sbr.rel $0x88, $3  }
0x1: {  	(tag) =	ssettag $0x0;
	lr =	simm.s32 $0x1  }
0x2: {  	[smem:$0x3F9F] =	sst lr;
	_ =	strace $0xD0000000  }
0x3: {  	_ = 	snop  }
0x4: {  	_ = 	snop  }
0x5: {  	_ = 	snop  }
0x6: {  	_ = 	snop  }
0x7: {  	_ = 	snop  }
__scs_overlays_trampoline_lowered:
0x8: {  	[smem:$0x3FAE] =	sst s0  }
0x9: {  	[smem:$0x3FAF] =	sst s1  }
0xa: {  	[smem:$0x3FB0] =	sst s2  }
0xb: {  	[smem:$0x3FB1] =	sst s3  }
0xc: {  	[smem:$0x3FB2] =	sst s4  }
0xd: {  	[smem:$0x3FB3] =	sst s5  }
0xe: {  	[smem:$0x3FB4] =	sst s6  }
0xf: {  	[smem:$0x3FB5] =	sst s7  }
0x10: {  	[smem:$0x3FB6] =	sst s8  }
0x11: {  	[smem:$0x3FB7] =	sst s9;
	s0 =	simm.s32 @!p0 $0x0  }
0x12: {  	s1 =	sld [smem:$0x3F9D];
	s0 =	simm.s32 @p0 $0x1  }
0x13: {  	[smem:$0x3FB8] =	sst s0;
	s0 =	simm.s32 @!p1 $0x0  }
0x14: {  	s2 =	sld [smem:$0x3F9C];
	s0 =	simm.s32 @p1 $0x1  }
0x15: {  	[smem:$0x3FB9] =	sst s0;
	s0 =	simm.s32 @!p2 $0x0  }
0x16: {  	s3 =	sld [smem:$0x3FDB];
	s0 =	simm.s32 @p2 $0x1  }
0x17: {  	s4 =	simm.s32 $0x1BF5;
	[smem:$0x3FBB] =	sst s0  }
0x18: {  	s0 =	sld [smem:$0x3F9E];
	_ =	swait.ge [sflag:s4], $0x0  }
0x19: {  	s7 =	sld [smem:$0x3F9F]  }
0x1a: {  	s8 =	sadd.s32 $0xFFFFE003, lr  }
0x1b: {  	s9 =	sadd.s32 $0xFFFFFEF7, lr;
	s5 =	simm.s32 $0xFFFFFFFF;
	p2 =	slt.u32 s8, $0xFFFFF086  }
0x1c: {  	p1 =	slt.u32 s9, $0xF7A;
	s5 =	simm.s32 @!p2 $0x0  }
0x1d: {  	s5 =	simm.s32 @p1 $0x1;
	p0 =	seq.s32 s7, s2  }
0x1e: {  	s7 =	smul.u32 @!p0 $0xF7A, s2;
	p2 =	seq.s32 @!p0 s5, $0x0  }
0x1f: {  	s9 =	smul.u32 $0xF7A, s1;
	s8 =	simm.s32 @!p0 $0x1BF5;
	p2 =	por !p2, p0  }
0x20: {  	[sflag:s8] =	ssyncset.s32 @!p0 $0xFFFFF086;
	s6 =	sadd.s32 @!p0 s3, s7;
	s7 =	simm.s32 @!p0 $0x108  }
0x21: {  	s3 =	sadd.s32 s3, s9;
	s6 =	sadd.s32 @!p0 $0x88, s6;
	s7 =	simm.s32 @p2 $0x1082  }
0x22: {  	[simem:s7], [sflag:s8] =	dma.local @!p0 [hbm:s6], $0xF7A  }
0x23: {  	s9 =	sor.u32 $0xD0000000, s2;
	s6 =	simm.s32 $0x108;
	_ =	swait.ge @!p0 [sflag:s8], $0x0  }
0x24: {  	s3 =	sadd.s32 $0x88, s3;
	s6 =	simm.s32 @!p1 $0x1082;
	[sflag:s4] =	ssyncset.s32 $0xFFFFF086  }
0x25: {  	[simem:s6], [sflag:s4] =	dma.local [hbm:s3], $0xF7A  }
0x26: {  	[smem:$0x3F9F] =	sst s1;
	(tag) =	ssettag s2;
	_ =	strace s9  }
0x27: {  	s1 =	sld [smem:$0x3FAF]  }
0x28: {  	s2 =	sld [smem:$0x3FB0]  }
0x29: {  	s4 =	sld [smem:$0x3FB2]  }
0x2a: {  	p0 =	seq.s32 s5, $0x0;
	s5 =	sld [smem:$0x3FB3]  }
0x2b: {  	s6 =	sld [smem:$0x3FB4]  }
0x2c: {  	s7 =	sld [smem:$0x3FB5]  }
0x2d: {  	s3 =	simm.s32 $0x108;
	s8 =	sld [smem:$0x3FB6]  }
0x2e: {  	s3 =	simm.s32 @!p0 $0x1082;
	s9 =	sld [smem:$0x3FB7]  }
0x2f: {  	lr =	sadd.s32 s0, s3;
	s0 =	sld [smem:$0x3FAE]  }
0x30: {  	s3 =	sld [smem:$0x3FB1]  }
0x31: {  	[smem:$0x3FBA] =	sst s10  }
0x32: {  	s10 =	sld [smem:$0x3FB8];
	_ =	sdelay $0x3  }
0x33: {  	p0 =	seq.s32 s10, $0x1;
	s10 =	sld [smem:$0x3FBA];
	_ =	sdelay $0x3  }
0x34: {  	[smem:$0x3FBA] =	sst s10  }
0x35: {  	s10 =	sld [smem:$0x3FB9];
	_ =	sdelay $0x3  }
0x36: {  	p1 =	seq.s32 s10, $0x1;
	s10 =	sld [smem:$0x3FBA];
	_ =	sdelay $0x3  }
0x37: {  	[smem:$0x3FBA] =	sst s10  }
0x38: {  	s10 =	sld [smem:$0x3FBB]  }
0x39: {  	_ = 	snop;
	(pc) =	sbr.ind lr, $3  }
0x3a: {  	_ = 	snop  }
0x3b: {  	_ = 	snop  }
0x3c: {  	p2 =	seq.s32 s10, $0x1;
	s10 =	sld [smem:$0x3FBA]  }
0x3d: {  	_ =	shalt  }
0x3e: {  	_ =	shalt  }
0x3f: {  	_ =	shalt  }
0x40: {  	_ =	shalt  }
0x41: {  	_ =	shalt  }
0x42: {  	_ =	shalt  }
0x43: {  	_ =	shalt  }
0x44: {  	_ =	shalt  }
0x45: {  	_ =	shalt  }
0x46: {  	_ =	shalt  }
0x47: {  	_ =	shalt  }
0x48: {  	_ =	shalt  }
0x49: {  	_ =	shalt  }
0x4a: {  	_ =	shalt  }
0x4b: {  	_ =	shalt  }
0x4c: {  	_ =	shalt  }
0x4d: {  	_ =	shalt  }
0x4e: {  	_ =	shalt  }
0x4f: {  	_ =	shalt  }
0x50: {  	_ =	shalt  }
0x51: {  	_ =	shalt  }
0x52: {  	_ =	shalt  }
0x53: {  	_ =	shalt  }
0x54: {  	_ =	shalt  }
0x55: {  	_ =	shalt  }
0x56: {  	_ =	shalt  }
0x57: {  	_ =	shalt  }
0x58: {  	_ =	shalt  }
0x59: {  	_ =	shalt  }
0x5a: {  	_ =	shalt  }
0x5b: {  	_ =	shalt  }
0x5c: {  	_ =	shalt  }
0x5d: {  	_ =	shalt  }
0x5e: {  	_ =	shalt  }
0x5f: {  	_ =	shalt  }
0x60: {  	_ =	shalt  }
0x61: {  	_ =	shalt  }
0x62: {  	_ =	shalt  }
0x63: {  	_ =	shalt  }
0x64: {  	_ =	shalt  }
0x65: {  	_ =	shalt  }
0x66: {  	_ =	shalt  }
0x67: {  	_ =	shalt  }
0x68: {  	_ =	shalt  }
0x69: {  	_ =	shalt  }
0x6a: {  	_ =	shalt  }
0x6b: {  	_ =	shalt  }
0x6c: {  	_ =	shalt  }
0x6d: {  	_ =	shalt  }
0x6e: {  	_ =	shalt  }
0x6f: {  	_ =	shalt  }
0x70: {  	_ =	shalt  }
0x71: {  	_ =	shalt  }
0x72: {  	_ =	shalt  }
0x73: {  	_ =	shalt  }
0x74: {  	_ =	shalt  }
0x75: {  	_ =	shalt  }
0x76: {  	_ =	shalt  }
0x77: {  	_ =	shalt  }
0x78: {  	_ =	shalt  }
0x79: {  	_ =	shalt  }
0x7a: {  	_ =	shalt  }
0x7b: {  	_ =	shalt  }
0x7c: {  	_ =	shalt  }
0x7d: {  	_ =	shalt  }
0x7e: {  	_ =	shalt  }
0x7f: {  	_ =	shalt  }
0x80: {  	_ =	shalt  }
0x81: {  	_ =	shalt  }
0x82: {  	_ =	shalt  }
0x83: {  	_ =	shalt  }
0x84: {  	_ =	shalt  }
0x85: {  	_ =	shalt  }
0x86: {  	_ =	shalt  }
0x87: {  	_ =	shalt  }
.Lfunc_end0:
.L_simem_size_0:
called_computation.1_lowered:
.L_overlay_start_0:
0x88: {  	s2 =	sld [smem:$0x3FD9]  }
0x89: {  	s3 =	sld [smem:$0x3FFE];
	_ =	sdelay $0x1  }
0x8a: {  	s1 =	srdreg.scid  }
0x8b: {  	s0 =	sand.u32 $0x1, s1  }
0x8c: {  	s17 =	sshll.u32 s0, $0xA;
	s2 =	sadd.s32 s3, s2  }
0x8d: {  	s2 =	sadd.s32 s2, s17  }
0x8e: {  	[smem:$0x3FC6] =	sst s2  }
0x8f: {  	_ = 	snop  }
0x90: {  	(tm) =	ssettm $0x1  }
0x91: {  	s18 =	sld [smem:$0x3FFB];
	_ =	sdelay $0x3  }
0x92: {  	_ =	strace s18  }
0x93: {  	s2 =	sld [smem:$0x3FFC];
	_ =	sdelay $0x3  }
0x94: {  	_ =	strace s2  }
0x95: {  	s2 =	sld [smem:$0x3FFD];
	_ =	sdelay $0x3  }
0x96: {  	_ =	strace s2  }
0x97: {  	_ =	strace $0x8FFFFFFF  }
0x98: {  	s19 =	sld [smem:$0x3FDB];
	_ =	sdelay $0x1  }
0x99: {  	s20 =	simm.s32 $_scs_section_size  }
0x9a: {  	s4 =	simm.s32 $_size__tile_overlayer_lowered;
	s5 =	simm.s32 $_tile_overlayer_lowered  }
0x9b: {  	s6 =	simm.s32 $0x1BFF;
	s21 =	sshll.u32 s5, $0x1;
	s3 =	sadd.s32 s20, s19  }
0x9c: {  	s22 =	simm.s32 $0x0;
	s4 =	sshll.u32 s4, $0x1;
	s5 =	sadd.s32 s21, s3  }
0x9d: {  	[timem:s22], [sflag:s6] =	dma.local [hbm:s5], s4  }
0x9e: {  	_ =	swait.ge [sflag:s6], s4  }
0x9f: {  	s4 =	ssub.s32 $0x0, s4;
	[sflag:s6] =	ssyncset.done $0x0  }
0xa0: {  	[sflag:s6] =	ssyncadd.s32 s4;
	_ =	sdelay $0x1  }
0xa1: {  	s23 =	simm.s32 $0x1B8B  }
0xa2: {  	_ =	swait.ge [sflag:s23], $0x1  }
0xa3: {  	[sflag:s23] =	ssyncset.done $0x0  }
0xa4: {  	[sflag:s23] =	ssyncadd.s32 $0xFFFFFFFF  }
0xa5: {  	s4 =	sld [smem:$0x0]  }
0xa6: {  	s5 =	sand.u32 $0xFFFFFFFE, s1  }
0xa7: {  	p0 =	sne.s32 s1, s5  }
0xa8: {  	s5 =	sshll.u32 @p0 s5, $0xE  }
0xa9: {  	s5 =	sadd.s32 @p0 $0x11B8D, s5;
	s6 =	sshll.u32 @p0 s4, $0x11  }
0xaa: {  	s5 =	sor.u32 @p0 s6, s5  }
0xab: {  	[sflag:s5] =	ssyncadd.remote.s32 @p0 $0x1;
	_ =	sdelay $0x1  }
0xac: {  	s5 =	simm.s32 @p0 $0x1B8D  }
0xad: {  	_ =	swait.eq @p0 [sflag:s5], $0x1  }
0xae: {  	[sflag:s5] =	ssyncadd.s32 @p0 $0xFFFFFFFF  }
0xaf: {  	s6 =	sshll.u32 @!p0 s1, $0xE  }
0xb0: {  	s6 =	sor.u32 @!p0 $0x4000, s6;
	s5 =	simm.s32 @!p0 $0x1B8D  }
0xb1: {  	s4 =	sshll.u32 @!p0 s4, $0x11;
	s6 =	sadd.s32 @!p0 $0x11B8D, s6;
	_ =	swait.eq @!p0 [sflag:s5], $0x1  }
0xb2: {  	s4 =	sor.u32 @!p0 s4, s6;
	[sflag:s5] =	ssyncadd.s32 @!p0 $0xFFFFFFFF  }
0xb3: {  	s25 =	simm.s32 $0x1B8E;
	s24 =	sld [smem:$0x3FFE];
	[sflag:s4] =	ssyncadd.remote.s32 @!p0 $0x1  }
0xb4: {  	s26 =	simm.s32 $execute0_lowered;
	[smem:$0x3FD2] =	sst s25  }
0xb5: {  	s5 =	sshll.u32 s26, $0x1;
	_ =	strace $0x80000049;
	[dreg:$0x1] =	wrdreg $0xFFFFFFFF  }
0xb6: {  	s28 =	simm.s32 $_size_execute0_lowered;
	s3 =	sadd.s32 s3, s5;
	[dreg:$0x0] =	wrdreg $0x0  }
0xb7: {  	s5 =	sshll.u32 s28, $0x1;
	[dreg:$0x2] =	wrdreg s3  }
0xb8: {  	[dreg:$0x3] =	wrdreg s5  }
0xb9: {  	[dreg:$0x4] =	wrdreg $0xC0  }
0xba: {  	_ =	task [dreg:s22], $0x5FFFF  }
0xbb: {  	[dreg:$0x1] =	wrdreg $0xFFFFFFFF  }
0xbc: {  	[dreg:$0x0] =	wrdreg $0x60  }
0xbd: {  	[dreg:$0x2] =	wrdreg s24  }
0xbe: {  	[dreg:$0x3] =	wrdreg $0xA  }
0xbf: {  	_ =	task.clear_ibuf [dreg:s22], $0x4FFFF;
	_ =	strace $0x90000049  }
0xc0: {  	s29 =	simm.s32 $0xA;
	_ =	strace $0x8000004B  }
0xc1: {  	_ =	swait.ge [sflag:s29], $0x1  }
0xc2: {  	[sflag:s29] =	ssyncadd.s32 $0xFFFFFFFF  }
0xc3: {  	_ =	strace $0x9000004B  }
0xc4: {  	_ =	sfence  }
0xc5: {  	s30 =	sld [smem:$0x0];
	_ =	sdelay $0x2  }
0xc6: {  	s31 =	sshll.u32 s1, $0xD;
	s1 =	sshrl.u32 s1, $0x2  }
0xc7: {  	s4 =	sand.u32 $0x4000, s31;
	s1 =	sadd.s32 s1, s30  }
0xc8: {  	s0 =	sor.u32 s4, s0;
	s1 =	sshll.u32 s1, $0x11  }
0xc9: {  	s0 =	sor.u32 s1, s0  }
0xca: {  	s0 =	sadd.s32 $0x8F2B, s0  }
0xcb: {  	[sflag:s0] =	ssyncadd.remote.s32 $0x1  }
0xcc: {  	_ =	sfence.sel $0xFFFF  }
0xcd: {  	[dreg:$0x0] =	wrdreg $0xFFFFFFFF;
	(pc) =	sbr.abs _section_cstart, $3  }
0xce: {  	[dreg:$0x1] =	wrdreg $0xFFFFFFFF  }
0xcf: {  	_ =	task.clear_ibuf [dreg:s22], $0x2FFFF;
	_ =	strace $0x9FFFFFFF  }
0xd0: {  	(tm) =	ssettm $0x7FFFFFFF  }
0xd1: {  	_ =	shalt  }
tec
execute0_lowered:
.L_overlay_start_1:
0x0: {  	(tag) =	ssettag $0x1  }
0x1: {  	s1 =	srdreg.scid  }
0x2: {  	s0 =	stileid.u32;
	s6 =	rddreg [dreg:$0x0];
	s2 =	simm.s32 $0x0  }
0x3: {  	s8 =	simm.s32 $0x1400;
	s25 =	sand.u32 $0x1, s1;
	s21 =	sshll.u32 s0, $0x1  }
0x4: {  	s9 =	simm.s32 $0x9400;
	s10 =	simm.s32 $0x800;
	s3 =	sor.u32 s25, s21  }
0x5: {  	s11 =	simm.s32 $0x11400;
	s1 =	rddreg [dreg:$0x1];
	s29 =	smul.u32 $0x1400, s3  }
0x6: {  	s12 =	simm.s32 $0x1;
	[smem:$0x7FF] =	sst s2;
	s4 =	smul.u32 $0x28000, s3  }
0x7: {  	_ =	strace $0x8000004A;
	s5 =	sshrl.u32 s29, $0x3;
	s7 =	sshrl.u32 s29, $0x7  }
0x8: {  	s22 =	sshll.u32 s3, $0x11;
	s5 =	sadd.s32 s5, s6;
	s4 =	sor.u32 s7, s4  }
0x9: {  	s23 =	sand.u32 $0x780060, s4;
	s4 =	sadd.s32 $0x509000, s5;
	s5 =	simm.s32 $0x7  }
0xa: {  	[tilespmem:s2], [sflag:$0x7] =	stream.linear.gather [hbm4b:s4+s2], $0x1400, $0x38;
	[tilespmem:$0x19400] =	vst v63  }
0xb: {  	s19 =	simm.s32 $0x5;
	s28 =	sand.u32 $0x60000, s22;
	_ =	swait.ge [sflag:s5], $0x1400  }
0xc: {  	s3 =	sadd.s32 $0x9000, s6;
	s7 =	sor.u32 s28, s23;
	[sflag:s5] =	ssyncset.done $0x0  }
0xd: {  	s24 =	sshrl.u32 s7, $0x3;
	s7 =	simm.s32 $0x400;
	[sflag:s5] =	ssyncadd.s32 $0xFFFFEC00  }
0xe: {  	[tilespmem:s8], [sflag:$0x1] =	stream.indirect.gather [hbm4b:s3+s7], $0x20, s2, s7, $0xb8;
	[tilespmem:$0x19400] =	vst v63  }
0xf: {  	s26 =	sadd.s32 $0x50E000, s6;
	s25 =	ssub.s32 $0x2, s25;
	s13 =	sadd.s32 $0x400, s29  }
0x10: {  	[tilespmem:s9], [sflag:$0x2] =	stream.indirect.gather [hbm4b:s3+s7], $0x20, s7, s7, $0xb8;
	[tilespmem:$0x19400] =	vst v63  }
0x11: {  	s14 =	sshll.u32 s13, $0x5;
	s15 =	sshll.u32 s13, $0x7;
	s18 =	sshrl.u32 s13, $0x7  }
0x12: {  	[tilespmem:s11], [sflag:$0x3] =	stream.indirect.gather [hbm4b:s3+s7], $0x20, s10, s7, $0xb8;
	[tilespmem:$0x19400] =	vst v63  }
0x13: {  	s13 =	simm.s32 $0x20;
	s16 =	sand.u32 $0xF80000, s14;
	_ =	swait.ge [sflag:s12], $0x8000  }
0x14: {  	s17 =	sand.u32 $0x60000, s15;
	s14 =	simm.s32 $0x80;
	[sflag:s12] =	ssyncset.done $0x0  }
0x15: {  	s15 =	simm.s32 $0x4;
	s6 =	sadd.s32 s26, s24;
	[sflag:s12] =	ssyncadd.s32 $0xFFFF8000  }
0x16: {  	[hbm4b:s6+s13] =	stream.strided.scatter [tilespmem:s8], [sflag:$0x4], $0x8000, s14, s13, $0x38;
	[tilespmem:$0x19400] =	vst v63  }
0x17: {  	s20 =	sadd.s32 $0x800, s29;
	s30 =	sand.u32 $0x60, s18;
	_ =	swait.ge [sflag:s15], $0x8000  }
0x18: {  	s16 =	sor.u32 s17, s16;
	s17 =	simm.s32 $0x2;
	[sflag:s15] =	ssyncset.done $0x0  }
0x19: {  	s18 =	sor.u32 s30, s16;
	s16 =	simm.s32 $0xC00;
	[sflag:s15] =	ssyncadd.s32 $0xFFFF8000  }
0x1a: {  	[tilespmem:s8], [sflag:$0x1] =	stream.indirect.gather [hbm4b:s3+s7], $0x20, s16, s7, $0xb8;
	[tilespmem:$0x19400] =	vst v63  }
0x1b: {  	s21 =	sshll.u32 s20, $0x5;
	s22 =	sshll.u32 s20, $0x7;
	_ =	swait.ge [sflag:s17], $0x8000  }
0x1c: {  	s21 =	sand.u32 $0xF80000, s21;
	s18 =	sshrl.u32 s18, $0x3;
	[sflag:s17] =	ssyncset.done $0x0  }
0x1d: {  	s22 =	sand.u32 $0x60000, s22;
	s18 =	sadd.s32 s26, s18;
	[sflag:s17] =	ssyncadd.s32 $0xFFFF8000  }
0x1e: {  	[hbm4b:s18+s13] =	stream.strided.scatter [tilespmem:s9], [sflag:$0x5], $0x8000, s14, s13, $0x38;
	[tilespmem:$0x19400] =	vst v63  }
0x1f: {  	s23 =	sshrl.u32 s20, $0x7;
	s20 =	simm.s32 $0x1000;
	_ =	swait.ge [sflag:s19], $0x8000  }
0x20: {  	s22 =	sor.u32 s22, s21;
	s23 =	sand.u32 $0x60, s23;
	[sflag:s19] =	ssyncset.done $0x0  }
0x21: {  	s21 =	simm.s32 $0x3;
	s22 =	sor.u32 s23, s22;
	[sflag:s19] =	ssyncadd.s32 $0xFFFF8000  }
0x22: {  	[tilespmem:s9], [sflag:$0x2] =	stream.indirect.gather [hbm4b:s3+s7], $0x20, s20, s7, $0xb8;
	[tilespmem:$0x19400] =	vst v63  }
0x23: {  	s24 =	sadd.s32 $0xC00, s29;
	s23 =	simm.s32 $0x6;
	_ =	swait.ge [sflag:s21], $0x8000  }
0x24: {  	s29 =	sadd.s32 $0x1000, s29;
	s22 =	sshrl.u32 s22, $0x3;
	[sflag:s21] =	ssyncset.done $0x0  }
0x25: {  	s30 =	sshll.u32 s24, $0x5;
	s22 =	sadd.s32 s26, s22;
	[sflag:s21] =	ssyncadd.s32 $0xFFFF8000  }
0x26: {  	[hbm4b:s22+s13] =	stream.strided.scatter [tilespmem:s11], [sflag:$0x6], $0x8000, s14, s13, $0x38;
	[tilespmem:$0x19400] =	vst v63  }
0x27: {  	s31 =	sshll.u32 s24, $0x7;
	s24 =	sshrl.u32 s24, $0x7;
	_ =	swait.ge [sflag:s23], $0x8000  }
0x28: {  	s30 =	sand.u32 $0xF80000, s30;
	s31 =	sand.u32 $0x60000, s31;
	[sflag:s23] =	ssyncset.done $0x0  }
0x29: {  	s24 =	sand.u32 $0x60, s24;
	s30 =	sor.u32 s31, s30;
	[sflag:s23] =	ssyncadd.s32 $0xFFFF8000  }
0x2a: {  	s31 =	sshll.u32 s29, $0x5;
	s24 =	sor.u32 s24, s30;
	_ =	swait.ge [sflag:s12], $0x8000  }
0x2b: {  	s29 =	sshrl.u32 s29, $0x7;
	s24 =	sshrl.u32 s24, $0x3;
	[sflag:s12] =	ssyncset.done $0x0  }
0x2c: {  	s29 =	sor.u32 s31, s29;
	s24 =	sadd.s32 s26, s24;
	[sflag:s12] =	ssyncadd.s32 $0xFFFF8000  }
0x2d: {  	[hbm4b:s24+s13] =	stream.strided.scatter [tilespmem:s8], [sflag:$0x4], $0x8000, s14, s13, $0x38;
	[tilespmem:$0x19400] =	vst v63  }
0x2e: {  	s31 =	sshrl.u32 s25, $0x1;
	s29 =	sand.u32 $0x7FF80060, s29;
	_ =	swait.ge [sflag:s15], $0x8000  }
0x2f: {  	s28 =	sor.u32 s28, s29;
	s29 =	ssub.s32 s25, s31;
	[sflag:s15] =	ssyncset.done $0x0  }
0x30: {  	s31 =	smax.u32 s29, $0x1;
	[sflag:s15] =	ssyncadd.s32 $0xFFFF8000  }
0x31: {  	p0 =	sne.s32 s31, $0x1;
	_ =	swait.ge [sflag:s17], $0x8000  }
.Ltmp0:
0x32: {  	s30 =	sshrl.u32 s28, $0x3;
	[sflag:s17] =	ssyncset.done $0x0;
	(pc) =	sbr.rel @!p0 .LBB2_2-.Ltmp0, $4  }
0x33: {  	s25 =	sadd.s32 s26, s30;
	[sflag:s17] =	ssyncadd.s32 $0xFFFF8000  }
0x34: {  	[hbm4b:s25+s13] =	stream.strided.scatter [tilespmem:s9], [sflag:$0x5], $0x8000, s14, s13, $0x38;
	[tilespmem:$0x19400] =	vst v63  }
0x35: {  	_ =	swait.ge [sflag:s19], $0x8000  }
0x36: {  	s26 =	sadd.s32 $0xFFFFFFFF, s31;
	[sflag:s19] =	ssyncset.done $0x0  }
.LBB2_1:
0x37: {  	p0 =	sne.s32 s26, $0x1;
	s26 =	sadd.s32 $0xFFFFFFFF, s26;
	[sflag:s19] =	ssyncadd.s32 $0xFFFF8000  }
0x38: {  	[tilespmem:s2], [sflag:$0x7] =	stream.linear.gather [hbm4b:s4+s2], $0x1400, $0x38;
	[tilespmem:$0x19400] =	vst v63  }
0x39: {  	_ =	swait.ge [sflag:s5], $0x1400  }
0x3a: {  	[sflag:s5] =	ssyncset.done $0x0  }
0x3b: {  	[sflag:s5] =	ssyncadd.s32 $0xFFFFEC00  }
0x3c: {  	[tilespmem:s8], [sflag:$0x1] =	stream.indirect.gather [hbm4b:s3+s7], $0x20, s2, s7, $0xb8;
	[tilespmem:$0x19400] =	vst v63  }
0x3d: {  	_ = 	snop  }
0x3e: {  	[tilespmem:s9], [sflag:$0x2] =	stream.indirect.gather [hbm4b:s3+s7], $0x20, s7, s7, $0xb8;
	[tilespmem:$0x19400] =	vst v63  }
0x3f: {  	_ = 	snop  }
0x40: {  	[tilespmem:s11], [sflag:$0x3] =	stream.indirect.gather [hbm4b:s3+s7], $0x20, s10, s7, $0xb8;
	[tilespmem:$0x19400] =	vst v63  }
0x41: {  	_ =	swait.ge [sflag:s12], $0x8000  }
0x42: {  	[sflag:s12] =	ssyncset.done $0x0  }
0x43: {  	[sflag:s12] =	ssyncadd.s32 $0xFFFF8000  }
0x44: {  	[hbm4b:s6+s13] =	stream.strided.scatter [tilespmem:s8], [sflag:$0x4], $0x8000, s14, s13, $0x38;
	[tilespmem:$0x19400] =	vst v63  }
0x45: {  	_ =	swait.ge [sflag:s15], $0x8000  }
0x46: {  	[sflag:s15] =	ssyncset.done $0x0  }
0x47: {  	[sflag:s15] =	ssyncadd.s32 $0xFFFF8000  }
0x48: {  	[tilespmem:s8], [sflag:$0x1] =	stream.indirect.gather [hbm4b:s3+s7], $0x20, s16, s7, $0xb8;
	[tilespmem:$0x19400] =	vst v63  }
0x49: {  	_ =	swait.ge [sflag:s17], $0x8000  }
0x4a: {  	[sflag:s17] =	ssyncset.done $0x0  }
0x4b: {  	[sflag:s17] =	ssyncadd.s32 $0xFFFF8000  }
0x4c: {  	[hbm4b:s18+s13] =	stream.strided.scatter [tilespmem:s9], [sflag:$0x5], $0x8000, s14, s13, $0x38;
	[tilespmem:$0x19400] =	vst v63  }
0x4d: {  	_ =	swait.ge [sflag:s19], $0x8000  }
0x4e: {  	[sflag:s19] =	ssyncset.done $0x0  }
0x4f: {  	[sflag:s19] =	ssyncadd.s32 $0xFFFF8000  }
0x50: {  	[tilespmem:s9], [sflag:$0x2] =	stream.indirect.gather [hbm4b:s3+s7], $0x20, s20, s7, $0xb8;
	[tilespmem:$0x19400] =	vst v63  }
0x51: {  	_ =	swait.ge [sflag:s21], $0x8000  }
0x52: {  	[sflag:s21] =	ssyncset.done $0x0  }
0x53: {  	[sflag:s21] =	ssyncadd.s32 $0xFFFF8000  }
0x54: {  	[hbm4b:s22+s13] =	stream.strided.scatter [tilespmem:s11], [sflag:$0x6], $0x8000, s14, s13, $0x38;
	[tilespmem:$0x19400] =	vst v63  }
0x55: {  	_ =	swait.ge [sflag:s23], $0x8000  }
0x56: {  	[sflag:s23] =	ssyncset.done $0x0  }
0x57: {  	[sflag:s23] =	ssyncadd.s32 $0xFFFF8000  }
0x58: {  	_ =	swait.ge [sflag:s12], $0x8000  }
0x59: {  	[sflag:s12] =	ssyncset.done $0x0  }
0x5a: {  	[sflag:s12] =	ssyncadd.s32 $0xFFFF8000  }
0x5b: {  	[hbm4b:s24+s13] =	stream.strided.scatter [tilespmem:s8], [sflag:$0x4], $0x8000, s14, s13, $0x38;
	[tilespmem:$0x19400] =	vst v63  }
0x5c: {  	_ =	swait.ge [sflag:s15], $0x8000  }
0x5d: {  	[sflag:s15] =	ssyncset.done $0x0  }
0x5e: {  	[sflag:s15] =	ssyncadd.s32 $0xFFFF8000  }
0x5f: {  	_ =	swait.ge [sflag:s17], $0x8000  }
.Ltmp1:
0x60: {  	[sflag:s17] =	ssyncset.done $0x0;
	(pc) =	sbr.rel @p0 .LBB2_1-.Ltmp1, $4  }
0x61: {  	[sflag:s17] =	ssyncadd.s32 $0xFFFF8000  }
0x62: {  	[hbm4b:s25+s13] =	stream.strided.scatter [tilespmem:s9], [sflag:$0x5], $0x8000, s14, s13, $0x38;
	[tilespmem:$0x19400] =	vst v63  }
0x63: {  	_ =	swait.ge [sflag:s19], $0x8000  }
0x64: {  	[sflag:s19] =	ssyncset.done $0x0  }
.LBB2_2:
0x65: {  	[sflag:s19] =	ssyncadd.s32 $0xFFFF8000  }
0x66: {  	_ =	sfence.sel $0x180000  }
0x67: {  	[bflag:$0x0] =	sbarrier.arrive $0xFFFF  }
0x68: {  	p0 =	sne.s32 s0, $0x0;
	_ =	strace $0x9000004A  }
0x69: {  	s0 =	sadd.s32 @!p0 $0x100000, s1;
	[bflag:$0x2] =	sbarrier.arrive $0xFFFF  }
0x6a: {  	[sflag:s0] =	ssyncadd.tile.s32 @!p0 $0x1;
	_ =	shalt  }
.Lfunc_end2:
_tile_overlayer_lowered:
.L_overlay_start_2:
0x6b: {  	(tag) =	ssettag $0x2  }
0x6c: {  	s0 =	rddreg [dreg:$0x0];
	s2 =	stileid.u32  }
0x6d: {  	s1 =	rddreg [dreg:$0x1];
	p0 =	sne.s32 s2, $0x0  }
0x6e: {  	s3 =	rddreg [dreg:$0x2];
	[bflag:$0x3] =	sbarrier.arrive $0xFFFF;
	s2 =	simm.s32 @!p0 $0x1C07  }
0x6f: {  	[timem:s3], [sflag:s2] =	dma.local @!p0 [hbm:s0], s1  }
0x70: {  	s0 =	simm.s32 @!p0 $0x7  }
0x71: {  	_ =	swait.ge @!p0 [sflag:s0], s1  }
0x72: {  	s1 =	ssub.s32 @!p0 $0x0, s1;
	[sflag:s0] =	ssyncset.done @!p0 $0x0  }
0x73: {  	[sflag:s0] =	ssyncadd.s32 @!p0 s1  }
0x74: {  	[bflag:$0x3] =	sbarrier.arrive $0xFFFF  }
0x75: {  	_ =	shalt  }

// kernel: kernel.7.cloned.1.call-start
scs
__scs_entry_jumppad:
0x0: {  	(pc) =	sbr.rel $0x88, $3  }
0x1: {  	(tag) =	ssettag $0x0;
	lr =	simm.s32 $0x1  }
0x2: {  	[smem:$0x3F9F] =	sst lr;
	_ =	strace $0xD0000000  }
0x3: {  	_ = 	snop  }
0x4: {  	_ = 	snop  }
0x5: {  	_ = 	snop  }
0x6: {  	_ = 	snop  }
0x7: {  	_ = 	snop  }
__scs_overlays_trampoline_lowered:
0x8: {  	[smem:$0x3FAE] =	sst s0  }
0x9: {  	[smem:$0x3FAF] =	sst s1  }
0xa: {  	[smem:$0x3FB0] =	sst s2  }
0xb: {  	[smem:$0x3FB1] =	sst s3  }
0xc: {  	[smem:$0x3FB2] =	sst s4  }
0xd: {  	[smem:$0x3FB3] =	sst s5  }
0xe: {  	[smem:$0x3FB4] =	sst s6  }
0xf: {  	[smem:$0x3FB5] =	sst s7  }
0x10: {  	[smem:$0x3FB6] =	sst s8  }
0x11: {  	[smem:$0x3FB7] =	sst s9;
	s0 =	simm.s32 @!p0 $0x0  }
0x12: {  	s1 =	sld [smem:$0x3F9D];
	s0 =	simm.s32 @p0 $0x1  }
0x13: {  	[smem:$0x3FB8] =	sst s0;
	s0 =	simm.s32 @!p1 $0x0  }
0x14: {  	s2 =	sld [smem:$0x3F9C];
	s0 =	simm.s32 @p1 $0x1  }
0x15: {  	[smem:$0x3FB9] =	sst s0;
	s0 =	simm.s32 @!p2 $0x0  }
0x16: {  	s3 =	sld [smem:$0x3FDB];
	s0 =	simm.s32 @p2 $0x1  }
0x17: {  	s4 =	simm.s32 $0x1BF5;
	[smem:$0x3FBB] =	sst s0  }
0x18: {  	s0 =	sld [smem:$0x3F9E];
	_ =	swait.ge [sflag:s4], $0x0  }
0x19: {  	s7 =	sld [smem:$0x3F9F]  }
0x1a: {  	s8 =	sadd.s32 $0xFFFFE003, lr  }
0x1b: {  	s9 =	sadd.s32 $0xFFFFFEF7, lr;
	s5 =	simm.s32 $0xFFFFFFFF;
	p2 =	slt.u32 s8, $0xFFFFF086  }
0x1c: {  	p1 =	slt.u32 s9, $0xF7A;
	s5 =	simm.s32 @!p2 $0x0  }
0x1d: {  	s5 =	simm.s32 @p1 $0x1;
	p0 =	seq.s32 s7, s2  }
0x1e: {  	s7 =	smul.u32 @!p0 $0xF7A, s2;
	p2 =	seq.s32 @!p0 s5, $0x0  }
0x1f: {  	s9 =	smul.u32 $0xF7A, s1;
	s8 =	simm.s32 @!p0 $0x1BF5;
	p2 =	por !p2, p0  }
0x20: {  	[sflag:s8] =	ssyncset.s32 @!p0 $0xFFFFF086;
	s6 =	sadd.s32 @!p0 s3, s7;
	s7 =	simm.s32 @!p0 $0x108  }
0x21: {  	s3 =	sadd.s32 s3, s9;
	s6 =	sadd.s32 @!p0 $0x88, s6;
	s7 =	simm.s32 @p2 $0x1082  }
0x22: {  	[simem:s7], [sflag:s8] =	dma.local @!p0 [hbm:s6], $0xF7A  }
0x23: {  	s9 =	sor.u32 $0xD0000000, s2;
	s6 =	simm.s32 $0x108;
	_ =	swait.ge @!p0 [sflag:s8], $0x0  }
0x24: {  	s3 =	sadd.s32 $0x88, s3;
	s6 =	simm.s32 @!p1 $0x1082;
	[sflag:s4] =	ssyncset.s32 $0xFFFFF086  }
0x25: {  	[simem:s6], [sflag:s4] =	dma.local [hbm:s3], $0xF7A  }
0x26: {  	[smem:$0x3F9F] =	sst s1;
	(tag) =	ssettag s2;
	_ =	strace s9  }
0x27: {  	s1 =	sld [smem:$0x3FAF]  }
0x28: {  	s2 =	sld [smem:$0x3FB0]  }
0x29: {  	s4 =	sld [smem:$0x3FB2]  }
0x2a: {  	p0 =	seq.s32 s5, $0x0;
	s5 =	sld [smem:$0x3FB3]  }
0x2b: {  	s6 =	sld [smem:$0x3FB4]  }
0x2c: {  	s7 =	sld [smem:$0x3FB5]  }
0x2d: {  	s3 =	simm.s32 $0x108;
	s8 =	sld [smem:$0x3FB6]  }
0x2e: {  	s3 =	simm.s32 @!p0 $0x1082;
	s9 =	sld [smem:$0x3FB7]  }
0x2f: {  	lr =	sadd.s32 s0, s3;
	s0 =	sld [smem:$0x3FAE]  }
0x30: {  	s3 =	sld [smem:$0x3FB1]  }
0x31: {  	[smem:$0x3FBA] =	sst s10  }
0x32: {  	s10 =	sld [smem:$0x3FB8];
	_ =	sdelay $0x3  }
0x33: {  	p0 =	seq.s32 s10, $0x1;
	s10 =	sld [smem:$0x3FBA];
	_ =	sdelay $0x3  }
0x34: {  	[smem:$0x3FBA] =	sst s10  }
0x35: {  	s10 =	sld [smem:$0x3FB9];
	_ =	sdelay $0x3  }
0x36: {  	p1 =	seq.s32 s10, $0x1;
	s10 =	sld [smem:$0x3FBA];
	_ =	sdelay $0x3  }
0x37: {  	[smem:$0x3FBA] =	sst s10  }
0x38: {  	s10 =	sld [smem:$0x3FBB]  }
0x39: {  	_ = 	snop;
	(pc) =	sbr.ind lr, $3  }
0x3a: {  	_ = 	snop  }
0x3b: {  	_ = 	snop  }
0x3c: {  	p2 =	seq.s32 s10, $0x1;
	s10 =	sld [smem:$0x3FBA]  }
0x3d: {  	_ =	shalt  }
0x3e: {  	_ =	shalt  }
0x3f: {  	_ =	shalt  }
0x40: {  	_ =	shalt  }
0x41: {  	_ =	shalt  }
0x42: {  	_ =	shalt  }
0x43: {  	_ =	shalt  }
0x44: {  	_ =	shalt  }
0x45: {  	_ =	shalt  }
0x46: {  	_ =	shalt  }
0x47: {  	_ =	shalt  }
0x48: {  	_ =	shalt  }
0x49: {  	_ =	shalt  }
0x4a: {  	_ =	shalt  }
0x4b: {  	_ =	shalt  }
0x4c: {  	_ =	shalt  }
0x4d: {  	_ =	shalt  }
0x4e: {  	_ =	shalt  }
0x4f: {  	_ =	shalt  }
0x50: {  	_ =	shalt  }
0x51: {  	_ =	shalt  }
0x52: {  	_ =	shalt  }
0x53: {  	_ =	shalt  }
0x54: {  	_ =	shalt  }
0x55: {  	_ =	shalt  }
0x56: {  	_ =	shalt  }
0x57: {  	_ =	shalt  }
0x58: {  	_ =	shalt  }
0x59: {  	_ =	shalt  }
0x5a: {  	_ =	shalt  }
0x5b: {  	_ =	shalt  }
0x5c: {  	_ =	shalt  }
0x5d: {  	_ =	shalt  }
0x5e: {  	_ =	shalt  }
0x5f: {  	_ =	shalt  }
0x60: {  	_ =	shalt  }
0x61: {  	_ =	shalt  }
0x62: {  	_ =	shalt  }
0x63: {  	_ =	shalt  }
0x64: {  	_ =	shalt  }
0x65: {  	_ =	shalt  }
0x66: {  	_ =	shalt  }
0x67: {  	_ =	shalt  }
0x68: {  	_ =	shalt  }
0x69: {  	_ =	shalt  }
0x6a: {  	_ =	shalt  }
0x6b: {  	_ =	shalt  }
0x6c: {  	_ =	shalt  }
0x6d: {  	_ =	shalt  }
0x6e: {  	_ =	shalt  }
0x6f: {  	_ =	shalt  }
0x70: {  	_ =	shalt  }
0x71: {  	_ =	shalt  }
0x72: {  	_ =	shalt  }
0x73: {  	_ =	shalt  }
0x74: {  	_ =	shalt  }
0x75: {  	_ =	shalt  }
0x76: {  	_ =	shalt  }
0x77: {  	_ =	shalt  }
0x78: {  	_ =	shalt  }
0x79: {  	_ =	shalt  }
0x7a: {  	_ =	shalt  }
0x7b: {  	_ =	shalt  }
0x7c: {  	_ =	shalt  }
0x7d: {  	_ =	shalt  }
0x7e: {  	_ =	shalt  }
0x7f: {  	_ =	shalt  }
0x80: {  	_ =	shalt  }
0x81: {  	_ =	shalt  }
0x82: {  	_ =	shalt  }
0x83: {  	_ =	shalt  }
0x84: {  	_ =	shalt  }
0x85: {  	_ =	shalt  }
0x86: {  	_ =	shalt  }
0x87: {  	_ =	shalt  }
.Lfunc_end0:
.L_simem_size_0:
called_computation_lowered:
.L_overlay_start_0:
0x88: {  	s2 =	sld [smem:$0x3FD9]  }
0x89: {  	s3 =	sld [smem:$0x3FFE];
	_ =	sdelay $0x1  }
0x8a: {  	s1 =	srdreg.scid  }
0x8b: {  	s0 =	sand.u32 $0x1, s1  }
0x8c: {  	s16 =	sshll.u32 s0, $0xA;
	s2 =	sadd.s32 s3, s2  }
0x8d: {  	s2 =	sadd.s32 s2, s16  }
0x8e: {  	[smem:$0x3FC6] =	sst s2  }
0x8f: {  	_ = 	snop  }
0x90: {  	(tm) =	ssettm $0x1  }
0x91: {  	s17 =	sld [smem:$0x3FFB];
	_ =	sdelay $0x3  }
0x92: {  	_ =	strace s17  }
0x93: {  	s2 =	sld [smem:$0x3FFC];
	_ =	sdelay $0x3  }
0x94: {  	_ =	strace s2  }
0x95: {  	s2 =	sld [smem:$0x3FFD];
	_ =	sdelay $0x3  }
0x96: {  	_ =	strace s2  }
0x97: {  	_ =	strace $0x8FFFFFFF  }
0x98: {  	s18 =	sld [smem:$0x3FDB];
	_ =	sdelay $0x1  }
0x99: {  	s19 =	simm.s32 $_scs_section_size  }
0x9a: {  	s4 =	simm.s32 $_size__tile_overlayer_lowered;
	s5 =	simm.s32 $_tile_overlayer_lowered  }
0x9b: {  	s22 =	simm.s32 $0x1BFF;
	s21 =	sshll.u32 s5, $0x1;
	s2 =	sadd.s32 s19, s18  }
0x9c: {  	s6 =	simm.s32 $0x0;
	s20 =	sshll.u32 s4, $0x1;
	s4 =	sadd.s32 s21, s2  }
0x9d: {  	[timem:s6], [sflag:s22] =	dma.local [hbm:s4], s20  }
0x9e: {  	_ =	swait.ge [sflag:s22], s20  }
0x9f: {  	s3 =	ssub.s32 $0x0, s20;
	[sflag:s22] =	ssyncset.done $0x0  }
0xa0: {  	[sflag:s22] =	ssyncadd.s32 s3;
	_ =	sdelay $0x1  }
0xa1: {  	s23 =	simm.s32 $0x1B8B  }
0xa2: {  	_ =	swait.ge [sflag:s23], $0x1  }
0xa3: {  	[sflag:s23] =	ssyncset.done $0x0  }
0xa4: {  	s25 =	simm.s32 $0x1B8E;
	s24 =	sld [smem:$0x3FFE];
	[sflag:s23] =	ssyncadd.s32 $0xFFFFFFFF  }
0xa5: {  	s26 =	simm.s32 $execute0_lowered;
	[smem:$0x3FD2] =	sst s25  }
0xa6: {  	s4 =	sshll.u32 s26, $0x1;
	_ =	strace $0x80000046;
	[dreg:$0x1] =	wrdreg $0xFFFFFFFF  }
0xa7: {  	s28 =	simm.s32 $_size_execute0_lowered;
	s2 =	sadd.s32 s2, s4;
	[dreg:$0x0] =	wrdreg $0x0  }
0xa8: {  	s4 =	sshll.u32 s28, $0x1;
	[dreg:$0x2] =	wrdreg s2  }
0xa9: {  	[dreg:$0x3] =	wrdreg s4  }
0xaa: {  	[dreg:$0x4] =	wrdreg $0xC0  }
0xab: {  	_ =	task [dreg:s6], $0x5FFFF  }
0xac: {  	[dreg:$0x1] =	wrdreg $0xFFFFFFFF  }
0xad: {  	[dreg:$0x0] =	wrdreg $0x60  }
0xae: {  	[dreg:$0x2] =	wrdreg s24  }
0xaf: {  	[dreg:$0x3] =	wrdreg $0x9  }
0xb0: {  	_ =	task.clear_ibuf [dreg:s6], $0x4FFFF;
	_ =	strace $0x90000046  }
0xb1: {  	s29 =	simm.s32 $0x9;
	_ =	strace $0x80000048  }
0xb2: {  	_ =	swait.ge [sflag:s29], $0x1  }
0xb3: {  	[sflag:s29] =	ssyncadd.s32 $0xFFFFFFFF  }
0xb4: {  	_ =	strace $0x90000048  }
0xb5: {  	_ =	sfence  }
0xb6: {  	s30 =	sld [smem:$0x0];
	_ =	sdelay $0x2  }
0xb7: {  	s31 =	sshll.u32 s1, $0xD;
	s1 =	sshrl.u32 s1, $0x2  }
0xb8: {  	s3 =	sand.u32 $0x4000, s31;
	s1 =	sadd.s32 s1, s30  }
0xb9: {  	s0 =	sor.u32 s3, s0;
	s1 =	sshll.u32 s1, $0x11  }
0xba: {  	s0 =	sor.u32 s1, s0  }
0xbb: {  	s0 =	sadd.s32 $0x8F2B, s0  }
0xbc: {  	[sflag:s0] =	ssyncadd.remote.s32 $0x1  }
0xbd: {  	_ =	sfence.sel $0xFFFF  }
0xbe: {  	[dreg:$0x0] =	wrdreg $0xFFFFFFFF;
	(pc) =	sbr.abs _section_cstart, $3  }
0xbf: {  	[dreg:$0x1] =	wrdreg $0xFFFFFFFF  }
0xc0: {  	_ =	task.clear_ibuf [dreg:s6], $0x2FFFF;
	_ =	strace $0x9FFFFFFF  }
0xc1: {  	(tm) =	ssettm $0x7FFFFFFF  }
tec
execute0_lowered:
.L_overlay_start_1:
0x0: {  	(tag) =	ssettag $0x1  }
0x1: {  	s1 =	srdreg.scid  }
0x2: {  	s0 =	stileid.u32;
	s1 =	sand.u32 $0x1, s1  }
0x3: {  	s2 =	sshll.u32 s0, $0xE;
	s3 =	sshll.u32 s1, $0xD  }
0x4: {  	s3 =	sor.u32 s3, s2  }
0x5: {  	s24 =	rddreg [dreg:$0x0];
	s6 =	simm.s32 $0x1;
	s4 =	sshrl.u32 s3, $0x3  }
0x6: {  	p1 =	seq.s32 s1, $0x1;
	s2 =	simm.s32 $0x0;
	s4 =	sadd.s32 s4, s24  }
0x7: {  	[smem:$0x7FF] =	sst s2;
	p0 =	seq.s32 s3, $0x0;
	s4 =	sadd.s32 $0x1000, s4  }
0x8: {  	_ =	strace $0x80000047;
	p0 =	por !p0, !p1;
	[dreg:$0x2] =	wrdreg s4  }
0x9: {  	s3 =	simm.s32 $0x7;
	p0 =	por !p0, !p0;
	s4 =	rddreg [dreg:$0x2]  }
0xa: {  	[tilespmem:s2], [sflag:$0x7] =	stream.linear.gather [hbm4b:s4+s2], $0x2000, $0x38;
	[tilespmem:$0x1A000] =	vst v63  }
0xb: {  	s5 =	simm.s32 $0x1;
	s6 =	simm.s32 @!p0 $0x0;
	_ =	swait.ge [sflag:s3], $0x2000  }
0xc: {  	s7 =	simm.s32 $0x2000;
	s8 =	ssub.s32 s0, s6;
	[sflag:s3] =	ssyncset.done $0x0  }
0xd: {  	s6 =	simm.s32 $0x400;
	s4 =	sadd.s32 $0x9000, s24;
	[sflag:s3] =	ssyncadd.s32 $0xFFFFE000  }
0xe: {  	[tilespmem:s7], [sflag:$0x1] =	stream.indirect.gather [hbm4b:s4+s6], $0x20, s2, s6, $0xb8;
	[tilespmem:$0x1A000] =	vst v63  }
0xf: {  	s17 =	sshll.u32 s1, $0x6;
	s9 =	sshll.u32 s8, $0x13;
	s8 =	simm.s32 $0xA000  }
0x10: {  	[tilespmem:s8], [sflag:$0x2] =	stream.indirect.gather [hbm4b:s4+s6], $0x20, s6, s6, $0xb8;
	[tilespmem:$0x1A000] =	vst v63  }
0x11: {  	s10 =	simm.s32 $0x12000;
	s11 =	sor.u32 s17, s9;
	s9 =	simm.s32 $0x800  }
0x12: {  	[tilespmem:s10], [sflag:$0x3] =	stream.indirect.gather [hbm4b:s4+s6], $0x20, s9, s6, $0xb8;
	[tilespmem:$0x1A000] =	vst v63  }
0x13: {  	s12 =	simm.s32 $0x20;
	s13 =	simm.s32 $0x80;
	_ =	swait.ge [sflag:s5], $0x8000  }
0x14: {  	s26 =	sadd.s32 $0x409000, s24;
	s11 =	sshrl.u32 s11, $0x3;
	[sflag:s5] =	ssyncset.done $0x0  }
0x15: {  	s14 =	simm.s32 $0x4;
	s11 =	sadd.s32 s26, s11;
	[sflag:s5] =	ssyncadd.s32 $0xFFFF8000  }
0x16: {  	[hbm4b:s11+s12] =	stream.strided.scatter [tilespmem:s7], [sflag:$0x4], $0x8000, s13, s12, $0x38;
	[tilespmem:$0x1A000] =	vst v63  }
0x17: {  	_ =	swait.ge [sflag:s14], $0x8000  }
0x18: {  	s15 =	simm.s32 $0xC00;
	[sflag:s14] =	ssyncset.done $0x0  }
0x19: {  	s16 =	simm.s32 $0x2;
	s18 =	sshll.u32 s0, $0x13;
	[sflag:s14] =	ssyncadd.s32 $0xFFFF8000  }
0x1a: {  	[tilespmem:s7], [sflag:$0x1] =	stream.indirect.gather [hbm4b:s4+s6], $0x20, s15, s6, $0xb8;
	[tilespmem:$0x1A000] =	vst v63  }
0x1b: {  	s17 =	sor.u32 s17, s18;
	_ =	swait.ge [sflag:s16], $0x8000  }
0x1c: {  	s29 =	sadd.s32 $0x40D000, s24;
	s28 =	sshrl.u32 s17, $0x3;
	[sflag:s16] =	ssyncset.done $0x0  }
0x1d: {  	s17 =	simm.s32 $0x5;
	s18 =	sadd.s32 s28, s29;
	[sflag:s16] =	ssyncadd.s32 $0xFFFF8000  }
0x1e: {  	[hbm4b:s18+s12] =	stream.strided.scatter [tilespmem:s8], [sflag:$0x5], $0x8000, s13, s12, $0x38;
	[tilespmem:$0x1A000] =	vst v63  }
0x1f: {  	_ =	swait.ge [sflag:s17], $0x8000  }
0x20: {  	[sflag:s17] =	ssyncset.done $0x0  }
0x21: {  	s19 =	simm.s32 $0x1000;
	s20 =	simm.s32 $0x3;
	[sflag:s17] =	ssyncadd.s32 $0xFFFF8000  }
0x22: {  	[tilespmem:s8], [sflag:$0x2] =	stream.indirect.gather [hbm4b:s4+s6], $0x20, s19, s6, $0xb8;
	[tilespmem:$0x1A000] =	vst v63  }
0x23: {  	_ =	swait.ge [sflag:s20], $0x8000  }
0x24: {  	s30 =	sadd.s32 $0x411000, s24;
	[sflag:s20] =	ssyncset.done $0x0  }
0x25: {  	s22 =	simm.s32 $0x6;
	s21 =	sadd.s32 s28, s30;
	[sflag:s20] =	ssyncadd.s32 $0xFFFF8000  }
0x26: {  	[hbm4b:s21+s12] =	stream.strided.scatter [tilespmem:s10], [sflag:$0x6], $0x8000, s13, s12, $0x38;
	[tilespmem:$0x1A000] =	vst v63  }
0x27: {  	_ =	swait.ge [sflag:s22], $0x8000  }
0x28: {  	[sflag:s22] =	ssyncset.done $0x0  }
0x29: {  	s23 =	simm.s32 $0x1400;
	[sflag:s22] =	ssyncadd.s32 $0xFFFF8000  }
0x2a: {  	[tilespmem:s10], [sflag:$0x3] =	stream.indirect.gather [hbm4b:s4+s6], $0x20, s23, s6, $0xb8;
	[tilespmem:$0x1A000] =	vst v63  }
0x2b: {  	_ =	swait.ge [sflag:s5], $0x8000  }
0x2c: {  	s25 =	sadd.s32 $0x415000, s24;
	[sflag:s5] =	ssyncset.done $0x0  }
0x2d: {  	s24 =	sadd.s32 s28, s25;
	[dreg:$0x3] =	wrdreg s25;
	[sflag:s5] =	ssyncadd.s32 $0xFFFF8000  }
0x2e: {  	[hbm4b:s24+s12] =	stream.strided.scatter [tilespmem:s7], [sflag:$0x4], $0x8000, s13, s12, $0x38;
	[tilespmem:$0x1A000] =	vst v63  }
0x2f: {  	_ =	swait.ge [sflag:s14], $0x8000  }
0x30: {  	[sflag:s14] =	ssyncset.done $0x0  }
0x31: {  	s25 =	simm.s32 $0x1800;
	[sflag:s14] =	ssyncadd.s32 $0xFFFF8000  }
0x32: {  	[tilespmem:s7], [sflag:$0x1] =	stream.indirect.gather [hbm4b:s4+s6], $0x20, s25, s6, $0xb8;
	[tilespmem:$0x1A000] =	vst v63  }
0x33: {  	_ =	swait.ge [sflag:s16], $0x8000  }
0x34: {  	s0 =	sor.u32 $0x4, s28;
	[sflag:s16] =	ssyncset.done $0x0  }
0x35: {  	s26 =	sadd.s32 s26, s0;
	[sflag:s16] =	ssyncadd.s32 $0xFFFF8000  }
0x36: {  	[hbm4b:s26+s12] =	stream.strided.scatter [tilespmem:s8], [sflag:$0x5], $0x8000, s13, s12, $0x38;
	[tilespmem:$0x1A000] =	vst v63  }
0x37: {  	_ =	swait.ge [sflag:s17], $0x8000  }
0x38: {  	[sflag:s17] =	ssyncset.done $0x0  }
0x39: {  	s28 =	simm.s32 $0x1C00;
	[sflag:s17] =	ssyncadd.s32 $0xFFFF8000  }
0x3a: {  	[tilespmem:s8], [sflag:$0x2] =	stream.indirect.gather [hbm4b:s4+s6], $0x20, s28, s6, $0xb8;
	[tilespmem:$0x1A000] =	vst v63  }
0x3b: {  	_ =	swait.ge [sflag:s20], $0x8000  }
0x3c: {  	[sflag:s20] =	ssyncset.done $0x0  }
0x3d: {  	s29 =	sadd.s32 s0, s29;
	[sflag:s20] =	ssyncadd.s32 $0xFFFF8000  }
0x3e: {  	[hbm4b:s29+s12] =	stream.strided.scatter [tilespmem:s10], [sflag:$0x6], $0x8000, s13, s12, $0x38;
	[tilespmem:$0x1A000] =	vst v63  }
0x3f: {  	_ =	swait.ge [sflag:s22], $0x8000  }
0x40: {  	[sflag:s22] =	ssyncset.done $0x0  }
0x41: {  	[sflag:s22] =	ssyncadd.s32 $0xFFFF8000  }
0x42: {  	_ =	swait.ge [sflag:s5], $0x8000  }
0x43: {  	s1 =	ssub.s32 $0x2, s1;
	[sflag:s5] =	ssyncset.done $0x0  }
0x44: {  	s31 =	sshrl.u32 s1, $0x1;
	s30 =	sadd.s32 s0, s30;
	[sflag:s5] =	ssyncadd.s32 $0xFFFF8000  }
0x45: {  	[hbm4b:s30+s12] =	stream.strided.scatter [tilespmem:s7], [sflag:$0x4], $0x8000, s13, s12, $0x38;
	[tilespmem:$0x1A000] =	vst v63  }
0x46: {  	s1 =	ssub.s32 s1, s31;
	_ =	swait.ge [sflag:s14], $0x8000  }
0x47: {  	s1 =	smax.u32 s1, $0x1;
	[sflag:s14] =	ssyncset.done $0x0  }
0x48: {  	p0 =	sne.s32 s1, $0x1;
	[sflag:s14] =	ssyncadd.s32 $0xFFFF8000  }
.Ltmp0:
0x49: {  	_ =	swait.ge [sflag:s16], $0x8000;
	(pc) =	sbr.rel @!p0 .LBB2_2-.Ltmp0, $4  }
0x4a: {  	[sflag:s16] =	ssyncset.done $0x0;
	s31 =	rddreg [dreg:$0x3]  }
0x4b: {  	s31 =	sadd.s32 s0, s31;
	[sflag:s16] =	ssyncadd.s32 $0xFFFF8000  }
0x4c: {  	[hbm4b:s31+s12] =	stream.strided.scatter [tilespmem:s8], [sflag:$0x5], $0x8000, s13, s12, $0x38;
	[tilespmem:$0x1A000] =	vst v63  }
0x4d: {  	s1 =	sadd.s32 $0xFFFFFFFF, s1;
	_ =	swait.ge [sflag:s17], $0x8000  }
.LBB2_1:
0x4e: {  	[sflag:s17] =	ssyncset.done $0x0  }
0x4f: {  	s0 =	rddreg [dreg:$0x2];
	[sflag:s17] =	ssyncadd.s32 $0xFFFF8000  }
0x50: {  	[tilespmem:s2], [sflag:$0x7] =	stream.linear.gather [hbm4b:s0+s2], $0x2000, $0x38;
	[tilespmem:$0x1A000] =	vst v63  }
0x51: {  	_ =	swait.ge [sflag:s3], $0x2000  }
0x52: {  	[sflag:s3] =	ssyncset.done $0x0  }
0x53: {  	[sflag:s3] =	ssyncadd.s32 $0xFFFFE000  }
0x54: {  	[tilespmem:s7], [sflag:$0x1] =	stream.indirect.gather [hbm4b:s4+s6], $0x20, s2, s6, $0xb8;
	[tilespmem:$0x1A000] =	vst v63  }
0x55: {  	_ = 	snop  }
0x56: {  	[tilespmem:s8], [sflag:$0x2] =	stream.indirect.gather [hbm4b:s4+s6], $0x20, s6, s6, $0xb8;
	[tilespmem:$0x1A000] =	vst v63  }
0x57: {  	_ = 	snop  }
0x58: {  	[tilespmem:s10], [sflag:$0x3] =	stream.indirect.gather [hbm4b:s4+s6], $0x20, s9, s6, $0xb8;
	[tilespmem:$0x1A000] =	vst v63  }
0x59: {  	_ =	swait.ge [sflag:s5], $0x8000  }
0x5a: {  	[sflag:s5] =	ssyncset.done $0x0  }
0x5b: {  	[sflag:s5] =	ssyncadd.s32 $0xFFFF8000  }
0x5c: {  	[hbm4b:s11+s12] =	stream.strided.scatter [tilespmem:s7], [sflag:$0x4], $0x8000, s13, s12, $0x38;
	[tilespmem:$0x1A000] =	vst v63  }
0x5d: {  	_ =	swait.ge [sflag:s14], $0x8000  }
0x5e: {  	[sflag:s14] =	ssyncset.done $0x0  }
0x5f: {  	[sflag:s14] =	ssyncadd.s32 $0xFFFF8000  }
0x60: {  	[tilespmem:s7], [sflag:$0x1] =	stream.indirect.gather [hbm4b:s4+s6], $0x20, s15, s6, $0xb8;
	[tilespmem:$0x1A000] =	vst v63  }
0x61: {  	_ =	swait.ge [sflag:s16], $0x8000  }
0x62: {  	[sflag:s16] =	ssyncset.done $0x0  }
0x63: {  	[sflag:s16] =	ssyncadd.s32 $0xFFFF8000  }
0x64: {  	[hbm4b:s18+s12] =	stream.strided.scatter [tilespmem:s8], [sflag:$0x5], $0x8000, s13, s12, $0x38;
	[tilespmem:$0x1A000] =	vst v63  }
0x65: {  	_ =	swait.ge [sflag:s17], $0x8000  }
0x66: {  	[sflag:s17] =	ssyncset.done $0x0  }
0x67: {  	[sflag:s17] =	ssyncadd.s32 $0xFFFF8000  }
0x68: {  	[tilespmem:s8], [sflag:$0x2] =	stream.indirect.gather [hbm4b:s4+s6], $0x20, s19, s6, $0xb8;
	[tilespmem:$0x1A000] =	vst v63  }
0x69: {  	_ =	swait.ge [sflag:s20], $0x8000  }
0x6a: {  	[sflag:s20] =	ssyncset.done $0x0  }
0x6b: {  	[sflag:s20] =	ssyncadd.s32 $0xFFFF8000  }
0x6c: {  	[hbm4b:s21+s12] =	stream.strided.scatter [tilespmem:s10], [sflag:$0x6], $0x8000, s13, s12, $0x38;
	[tilespmem:$0x1A000] =	vst v63  }
0x6d: {  	_ =	swait.ge [sflag:s22], $0x8000  }
0x6e: {  	[sflag:s22] =	ssyncset.done $0x0  }
0x6f: {  	[sflag:s22] =	ssyncadd.s32 $0xFFFF8000  }
0x70: {  	[tilespmem:s10], [sflag:$0x3] =	stream.indirect.gather [hbm4b:s4+s6], $0x20, s23, s6, $0xb8;
	[tilespmem:$0x1A000] =	vst v63  }
0x71: {  	_ =	swait.ge [sflag:s5], $0x8000  }
0x72: {  	[sflag:s5] =	ssyncset.done $0x0  }
0x73: {  	[sflag:s5] =	ssyncadd.s32 $0xFFFF8000  }
0x74: {  	[hbm4b:s24+s12] =	stream.strided.scatter [tilespmem:s7], [sflag:$0x4], $0x8000, s13, s12, $0x38;
	[tilespmem:$0x1A000] =	vst v63  }
0x75: {  	_ =	swait.ge [sflag:s14], $0x8000  }
0x76: {  	[sflag:s14] =	ssyncset.done $0x0  }
0x77: {  	[sflag:s14] =	ssyncadd.s32 $0xFFFF8000  }
0x78: {  	[tilespmem:s7], [sflag:$0x1] =	stream.indirect.gather [hbm4b:s4+s6], $0x20, s25, s6, $0xb8;
	[tilespmem:$0x1A000] =	vst v63  }
0x79: {  	_ =	swait.ge [sflag:s16], $0x8000  }
0x7a: {  	[sflag:s16] =	ssyncset.done $0x0  }
0x7b: {  	[sflag:s16] =	ssyncadd.s32 $0xFFFF8000  }
0x7c: {  	[hbm4b:s26+s12] =	stream.strided.scatter [tilespmem:s8], [sflag:$0x5], $0x8000, s13, s12, $0x38;
	[tilespmem:$0x1A000] =	vst v63  }
0x7d: {  	_ =	swait.ge [sflag:s17], $0x8000  }
0x7e: {  	[sflag:s17] =	ssyncset.done $0x0  }
0x7f: {  	[sflag:s17] =	ssyncadd.s32 $0xFFFF8000  }
0x80: {  	[tilespmem:s8], [sflag:$0x2] =	stream.indirect.gather [hbm4b:s4+s6], $0x20, s28, s6, $0xb8;
	[tilespmem:$0x1A000] =	vst v63  }
0x81: {  	_ =	swait.ge [sflag:s20], $0x8000  }
0x82: {  	[sflag:s20] =	ssyncset.done $0x0  }
0x83: {  	[sflag:s20] =	ssyncadd.s32 $0xFFFF8000  }
0x84: {  	[hbm4b:s29+s12] =	stream.strided.scatter [tilespmem:s10], [sflag:$0x6], $0x8000, s13, s12, $0x38;
	[tilespmem:$0x1A000] =	vst v63  }
0x85: {  	_ =	swait.ge [sflag:s22], $0x8000  }
0x86: {  	[sflag:s22] =	ssyncset.done $0x0  }
0x87: {  	[sflag:s22] =	ssyncadd.s32 $0xFFFF8000  }
0x88: {  	_ =	swait.ge [sflag:s5], $0x8000  }
0x89: {  	[sflag:s5] =	ssyncset.done $0x0  }
0x8a: {  	[sflag:s5] =	ssyncadd.s32 $0xFFFF8000  }
0x8b: {  	[hbm4b:s30+s12] =	stream.strided.scatter [tilespmem:s7], [sflag:$0x4], $0x8000, s13, s12, $0x38;
	[tilespmem:$0x1A000] =	vst v63  }
0x8c: {  	_ =	swait.ge [sflag:s14], $0x8000  }
0x8d: {  	[sflag:s14] =	ssyncset.done $0x0  }
0x8e: {  	p0 =	sne.s32 s1, $0x1;
	[sflag:s14] =	ssyncadd.s32 $0xFFFF8000  }
.Ltmp1:
0x8f: {  	_ =	swait.ge [sflag:s16], $0x8000;
	(pc) =	sbr.rel @p0 .LBB2_1-.Ltmp1, $4  }
0x90: {  	[sflag:s16] =	ssyncset.done $0x0  }
0x91: {  	[sflag:s16] =	ssyncadd.s32 $0xFFFF8000  }
0x92: {  	[hbm4b:s31+s12] =	stream.strided.scatter [tilespmem:s8], [sflag:$0x5], $0x8000, s13, s12, $0x38;
	[tilespmem:$0x1A000] =	vst v63  }
0x93: {  	s1 =	sadd.s32 $0xFFFFFFFF, s1;
	_ =	swait.ge [sflag:s17], $0x8000  }
.LBB2_2:
0x94: {  	[sflag:s17] =	ssyncset.done $0x0  }
0x95: {  	[sflag:s17] =	ssyncadd.s32 $0xFFFF8000  }
0x96: {  	_ =	sfence.sel $0x180000  }
0x97: {  	[bflag:$0x0] =	sbarrier.arrive $0xFFFF  }
0x98: {  	_ =	strace $0x90000047  }
0x99: {  	s0 =	stileid.u32;
	[bflag:$0x2] =	sbarrier.arrive $0xFFFF  }
0x9a: {  	p0 =	sne.s32 s0, $0x0;
	s0 =	rddreg [dreg:$0x1]  }
0x9b: {  	s0 =	sadd.s32 @!p0 $0x100000, s0  }
0x9c: {  	[sflag:s0] =	ssyncadd.tile.s32 @!p0 $0x1;
	_ =	shalt  }
.Lfunc_end2:
_tile_overlayer_lowered:
.L_overlay_start_2:
0x9d: {  	(tag) =	ssettag $0x2  }
0x9e: {  	s0 =	rddreg [dreg:$0x0];
	s2 =	stileid.u32  }
0x9f: {  	s1 =	rddreg [dreg:$0x1];
	p0 =	sne.s32 s2, $0x0  }
0xa0: {  	s3 =	rddreg [dreg:$0x2];
	[bflag:$0x3] =	sbarrier.arrive $0xFFFF;
	s2 =	simm.s32 @!p0 $0x1C07  }
0xa1: {  	[timem:s3], [sflag:s2] =	dma.local @!p0 [hbm:s0], s1  }
0xa2: {  	s0 =	simm.s32 @!p0 $0x7  }
0xa3: {  	_ =	swait.ge @!p0 [sflag:s0], s1  }
0xa4: {  	s1 =	ssub.s32 @!p0 $0x0, s1;
	[sflag:s0] =	ssyncset.done @!p0 $0x0  }
0xa5: {  	[sflag:s0] =	ssyncadd.s32 @!p0 s1  }
0xa6: {  	[bflag:$0x3] =	sbarrier.arrive $0xFFFF  }
0xa7: {  	_ =	shalt  }

</sc_bundles>
